<compile_context>
chip_gen: v7x
topology: tpu7x:2x2x1
jax: 0.10.2.dev20260603
libtpu: 0.0.44.dev20260713+nightly
codegen_flags: <defaults>
</compile_context>

<pallas_src>
import functools

import numpy as np
import jax
import jax.numpy as jnp
from jax import lax
from jax.experimental import pallas as pl
from jax.experimental.pallas import tpu as pltpu
from jax.experimental.pallas import tpu_sc as plsc

N = 10000
E = 320000
F_IN = 128
F_HID = 64
G = 64
K = 30
NC, NS, L = 2, 16, 16
NW = NC * NS
CH = 128
EP = 10240
NCHUNK = EP // CH
NBUF = 4
E_PAD = NW * EP
NPAD = 10240
ROWS_PER_TILE = NPAD // NS
DUMMY = 10016
NB = 512
NGRID = NPAD // NB
NEG = -3.0e38
BIG = 3.0e38
KEXT = 20480
KWIN = 10256




def _sc_mesh():
    return plsc.VectorSubcoreMesh(core_axis_name="c", subcore_axis_name="s")


def _seg_sum_feat(src2d, dst2d, g):

    @functools.partial(
        pl.kernel,
        out_type=jax.ShapeDtypeStruct((NC, NPAD, F_HID), jnp.float32),
        mesh=_sc_mesh(),
        scratch_types=[
            pltpu.VMEM((NCHUNK, CH), jnp.int32),
            pltpu.VMEM((NCHUNK, CH), jnp.int32),
            pltpu.VMEM((NBUF, CH, F_HID), jnp.float32),
            pltpu.VMEM((CH, F_HID), jnp.float32),
            pltpu.VMEM_SHARED((NPAD, F_HID), jnp.float32),
            [pltpu.SemaphoreType.DMA] * NBUF,
            [pltpu.SemaphoreType.DMA] * NBUF,
        ],
        compiler_params=pltpu.CompilerParams(use_tc_tiling_on_sc=False),
    )
    def k(src_hbm, dst_hbm, g_hbm, out_hbm, src_v, dst_v, rows_v, zero_v,
          acc_sh, sems, ssems):
        c = lax.axis_index("c")
        s = lax.axis_index("s")
        wid = c * NS + s
        pltpu.sync_copy(src_hbm.at[wid], src_v)
        pltpu.sync_copy(dst_hbm.at[wid], dst_v)

        def zrow(i, _):
            for q in range(F_HID // 16):
                zero_v[i, pl.ds(q * 16, 16)] = jnp.zeros((16,), jnp.float32)
            return 0
        lax.fori_loop(0, CH, zrow, 0)
        for r in range(ROWS_PER_TILE // CH):
            pltpu.sync_copy(zero_v, acc_sh.at[pl.ds(s * ROWS_PER_TILE + r * CH, CH)])

        def fix(j, _):
            for q in range(CH // 16):
                sv = src_v[j, pl.ds(q * 16, 16)]
                dv = dst_v[j, pl.ds(q * 16, 16)]
                dst_v[j, pl.ds(q * 16, 16)] = jnp.where(sv == dv, DUMMY, dv)
            return 0
        lax.fori_loop(0, NCHUNK, fix, 0)

        plsc.subcore_barrier()

        def gst(j, b):
            pltpu.async_copy(g_hbm.at[src_v.at[j]], rows_v.at[b], sems[b])

        def gwait(j, b):
            pltpu.make_async_copy(g_hbm.at[src_v.at[j]], rows_v.at[b],
                                  sems[b]).wait()

        def sst(j, b):
            pltpu.async_copy(rows_v.at[b], acc_sh.at[dst_v.at[j]], ssems[b],
                             add=True)

        def swait(j, b):
            pltpu.make_async_copy(rows_v.at[b], acc_sh.at[dst_v.at[j]],
                                  ssems[b]).wait()

        for b in range(NBUF):
            gst(b, b)

        def ring(jj, _):
            for b in range(NBUF):
                j = jj * NBUF + b
                gwait(j, b)
                sst(j, b)
                b2 = (b + NBUF - 2) % NBUF

                @pl.when((j >= 2) & (j + 2 < NCHUNK))
                def _():
                    swait(j - 2, b2)
                    gst(j + 2, b2)
            return 0
        lax.fori_loop(0, NCHUNK // NBUF, ring, 0)
        for jt in range(NCHUNK - 4, NCHUNK):
            swait(jt, jt % NBUF)

        plsc.subcore_barrier()
        pltpu.sync_copy(
            acc_sh.at[pl.ds(s * ROWS_PER_TILE, ROWS_PER_TILE)],
            out_hbm.at[c, pl.ds(s * ROWS_PER_TILE, ROWS_PER_TILE)],
        )

    return k(src2d, dst2d, g)


def _seg_sum_scalar(src2d, dst2d, gvec, with_gather):

    @functools.partial(
        pl.kernel,
        out_type=jax.ShapeDtypeStruct((NC, NPAD), jnp.float32),
        mesh=_sc_mesh(),
        scratch_types=[
            pltpu.VMEM((EP,), jnp.int32),
            pltpu.VMEM((EP,), jnp.int32),
            pltpu.VMEM((EP,), jnp.float32),
            pltpu.VMEM((ROWS_PER_TILE,), jnp.float32),
            pltpu.VMEM_SHARED((NPAD,), jnp.float32),
            pltpu.SemaphoreType.DMA,
        ],
        compiler_params=pltpu.CompilerParams(use_tc_tiling_on_sc=False),
    )
    def k(src_hbm, dst_hbm, g_hbm, out_hbm, src_v, dst_v, vals_v, zero_v,
          acc_sh, sem):
        c = lax.axis_index("c")
        s = lax.axis_index("s")
        wid = c * NS + s
        pltpu.sync_copy(src_hbm.at[wid], src_v)
        pltpu.sync_copy(dst_hbm.at[wid], dst_v)
        if with_gather:
            pltpu.async_copy(g_hbm.at[src_v], vals_v, sem)

        def zz(i, _):
            zero_v[pl.ds(i * 16, 16)] = jnp.zeros((16,), jnp.float32)
            return 0
        lax.fori_loop(0, ROWS_PER_TILE // 16, zz, 0)
        pltpu.sync_copy(zero_v, acc_sh.at[pl.ds(s * ROWS_PER_TILE, ROWS_PER_TILE)])

        def fix(i, _):
            sv = src_v[pl.ds(i * 16, 16)]
            dv = dst_v[pl.ds(i * 16, 16)]
            dst_v[pl.ds(i * 16, 16)] = jnp.where(sv == dv, DUMMY, dv)
            if not with_gather:
                vals_v[pl.ds(i * 16, 16)] = jnp.ones((16,), jnp.float32)
            return 0
        lax.fori_loop(0, EP // 16, fix, 0)

        plsc.subcore_barrier()
        if with_gather:
            pltpu.make_async_copy(g_hbm.at[src_v], vals_v, sem).wait()
        pltpu.sync_copy(vals_v, acc_sh.at[dst_v], add=True)

        plsc.subcore_barrier()
        pltpu.sync_copy(
            acc_sh.at[pl.ds(s * ROWS_PER_TILE, ROWS_PER_TILE)],
            out_hbm.at[c, pl.ds(s * ROWS_PER_TILE, ROWS_PER_TILE)],
        )

    return k(src2d, dst2d, gvec)


def _select_gather(key_ext, x2v, x1, starts, counts):

    @functools.partial(
        pl.kernel,
        out_type=[
            jax.ShapeDtypeStruct((G, K, F_HID), jnp.float32),
            jax.ShapeDtypeStruct((G, K + 2), jnp.float32),
        ],
        mesh=_sc_mesh(),
        scratch_types=[
            pltpu.VMEM((KWIN,), jnp.float32),
            pltpu.VMEM((G + 16,), jnp.int32),
            pltpu.VMEM((G + 16,), jnp.int32),
            pltpu.VMEM((K + 2,), jnp.int32),
            pltpu.VMEM((K + 2,), jnp.float32),
            pltpu.VMEM((K + 2, F_HID), jnp.float32),
            pltpu.SemaphoreType.DMA,
            pltpu.SemaphoreType.DMA,
        ],
        compiler_params=pltpu.CompilerParams(use_tc_tiling_on_sc=False,
                                             needs_layout_passes=False),
    )
    def k(key_hbm, x2_hbm, x1_hbm, st_hbm, cnt_hbm, xg_hbm, xv_hbm,
          kbuf, st_v, cnt_v, idx_v, xvb, rows_v, sem, sem2):
        c = lax.axis_index("c")
        s = lax.axis_index("s")
        wid = c * NS + s
        pltpu.sync_copy(st_hbm, st_v.at[pl.ds(0, G)])
        pltpu.sync_copy(cnt_hbm, cnt_v.at[pl.ds(0, G)])
        i16 = lax.broadcasted_iota(jnp.int32, (16,), 0)
        z16 = jnp.zeros((16,), jnp.int32)

        gdn = lax.GatherDimensionNumbers(
            offset_dims=(), collapsed_slice_dims=(0,), start_index_map=(0,))

        def splat0(v):
            return lax.gather(v, z16[:, None], gdn, (1,),
                              mode=lax.GatherScatterMode.PROMISE_IN_BOUNDS)

        for gi in range(G // NW):
            b = wid * (G // NW) + gi
            n0 = st_v[pl.ds(b, 16)][0]
            cnt = cnt_v[pl.ds(b, 16)][0]
            n0a = (n0 // 8) * 8
            off = n0 - n0a
            pltpu.sync_copy(
                key_hbm.at[pl.ds(pl.multiple_of(n0a, 8), KWIN)], kbuf)
            nch = (off + cnt + 15) // 16

            def maskc(cq, _):
                p16 = i16 + cq * 16
                v = kbuf[pl.ds(cq * 16, 16)]
                bad = (p16 < off) | (p16 >= off + cnt)
                kbuf[pl.ds(cq * 16, 16)] = jnp.where(bad, BIG, v)
                return 0
            lax.fori_loop(0, nch, maskc, 0)

            def pick(kk, _):
                def scan(cq, carry):
                    M, I = carry
                    v = kbuf[pl.ds(cq * 16, 16)]
                    upd = v < M
                    return (jnp.where(upd, v, M),
                            jnp.where(upd, (i16 + cq * 16).astype(jnp.float32), I))
                M, I = lax.fori_loop(
                    0, nch, scan,
                    (jnp.full((16,), BIG, jnp.float32),
                     jnp.zeros((16,), jnp.float32)))
                sM, _ = plsc.sort_key_val(M, I)
                m = splat0(sM)
                cand = jnp.where(M == m, I, jnp.float32(2.0 ** 30))
                sC, _ = plsc.sort_key_val(cand, cand)
                pos = splat0(sC).astype(jnp.int32)
                node = jnp.where(kk < cnt, n0a + pos, z16)
                lane0 = i16 == 0
                plsc.store_scatter(idx_v, [jnp.full((16,), kk, jnp.int32)],
                                   node, mask=lane0)
                plsc.store_scatter(kbuf, [pos],
                                   jnp.full((16,), BIG, jnp.float32), mask=lane0)
                return 0
            lax.fori_loop(0, K, pick, 0)

            lane0 = i16 == 0
            for kk in (K, K + 1):
                plsc.store_scatter(idx_v, [jnp.full((16,), kk, jnp.int32)],
                                   jnp.zeros((16,), jnp.int32), mask=lane0)

            pltpu.async_copy(x1_hbm.at[idx_v], rows_v, sem).wait()
            pltpu.async_copy(x2_hbm.at[idx_v], xvb, sem2).wait()
            for cq in range(2):
                p16 = i16 + cq * 16
                v = xvb[pl.ds(cq * 16, 16)]
                ok = (p16 < cnt) & (p16 < K)
                xvb[pl.ds(cq * 16, 16)] = jnp.where(ok, v, 0.0)
            pltpu.sync_copy(rows_v.at[pl.ds(0, K)], xg_hbm.at[b])
            pltpu.sync_copy(xvb, xv_hbm.at[b])

    return k(key_ext, x2v, x1, starts, counts)




def _mm_kernel(x_pad, W1):

    def body(x_ref, w_ref, h_ref):
        h_ref[...] = jnp.dot(x_ref[...], w_ref[...],
                             preferred_element_type=jnp.float32)

    return pl.pallas_call(
        body,
        grid=(NGRID,),
        in_specs=[
            pl.BlockSpec((NB, F_IN), lambda i: (i, 0)),
            pl.BlockSpec((F_IN, F_HID), lambda i: (0, 0)),
        ],
        out_specs=pl.BlockSpec((NB, F_HID), lambda i: (i, 0)),
        out_shape=jax.ShapeDtypeStruct((NPAD, F_HID), jnp.float32),
    )(x_pad, W1)


def _scale_kernel(h1, deg_col):

    def body(h_ref, deg_ref, g1_ref, dinv_ref):
        dinv = lax.rsqrt(deg_ref[:, 0:1] + deg_ref[:, 1:2] + 1.0)
        g1_ref[...] = h_ref[...] * dinv
        dinv_ref[...] = dinv

    return pl.pallas_call(
        body,
        grid=(NGRID,),
        in_specs=[
            pl.BlockSpec((NB, F_HID), lambda i: (i, 0)),
            pl.BlockSpec((NB, 2), lambda i: (i, 0)),
        ],
        out_specs=[
            pl.BlockSpec((NB, F_HID), lambda i: (i, 0)),
            pl.BlockSpec((NB, 1), lambda i: (i, 0)),
        ],
        out_shape=[
            jax.ShapeDtypeStruct((NPAD, F_HID), jnp.float32),
            jax.ShapeDtypeStruct((NPAD, 1), jnp.float32),
        ],
    )(h1, deg_col)


def _mid_kernel(accp, g1, dinv_col, W2, b1_row):

    def body(a_ref, g1_ref, dinv_ref, w2_ref, b1_ref, x1_ref, g2_ref):
        dinv = dinv_ref[...]
        agg = (a_ref[0] + a_ref[1] + g1_ref[...]) * dinv
        x1 = jnp.tanh(agg + b1_ref[...])
        x1_ref[...] = x1
        h2 = jnp.dot(x1, w2_ref[...], preferred_element_type=jnp.float32)
        g2_ref[...] = h2 * dinv

    return pl.pallas_call(
        body,
        grid=(NGRID,),
        in_specs=[
            pl.BlockSpec((2, NB, F_HID), lambda i: (0, i, 0)),
            pl.BlockSpec((NB, F_HID), lambda i: (i, 0)),
            pl.BlockSpec((NB, 1), lambda i: (i, 0)),
            pl.BlockSpec((F_HID, 1), lambda i: (0, 0)),
            pl.BlockSpec((1, F_HID), lambda i: (0, 0)),
        ],
        out_specs=[
            pl.BlockSpec((NB, F_HID), lambda i: (i, 0)),
            pl.BlockSpec((NB, 1), lambda i: (i, 0)),
        ],
        out_shape=[
            jax.ShapeDtypeStruct((NPAD, F_HID), jnp.float32),
            jax.ShapeDtypeStruct((NPAD, 1), jnp.float32),
        ],
    )(accp, g1, dinv_col, W2, b1_row)


def _key_kernel(acc2p, g2_row, dinv_row, b2, batch_row):

    def body(a_ref, g2_ref, dinv_ref, b2_ref, batch_ref,
             key_ref, x2_ref, st_ref, cnt_ref):
        x2 = jnp.tanh((a_ref[0:1] + a_ref[1:2] + g2_ref[...]) * dinv_ref[...]
                      + b2_ref[...])
        bf = batch_ref[...].astype(jnp.float32)
        key = jnp.where(batch_ref[...] < G, bf * 10.0 - x2, BIG)
        key_ref[:, :NPAD] = key
        key_ref[:, NPAD:] = jnp.full((1, KEXT - NPAD), BIG, jnp.float32)
        x2_ref[...] = x2
        gid = lax.broadcasted_iota(jnp.int32, (G, NPAD), 0)
        own = batch_ref[...] == gid
        lt = batch_ref[...] < gid
        cnt_ref[...] = jnp.sum(own.astype(jnp.int32), axis=1, keepdims=True)
        st_ref[...] = jnp.sum(lt.astype(jnp.int32), axis=1, keepdims=True)

    return pl.pallas_call(
        body,
        out_shape=[
            jax.ShapeDtypeStruct((1, KEXT), jnp.float32),
            jax.ShapeDtypeStruct((1, NPAD), jnp.float32),
            jax.ShapeDtypeStruct((G, 1), jnp.int32),
            jax.ShapeDtypeStruct((G, 1), jnp.int32),
        ],
    )(acc2p, g2_row, dinv_row, b2, batch_row)


def _head_kernel(xg2d, xv, cnt, Cg, Cv, P0, P1, C2, bc3t, bc4t, Wl1, bl1_row,
                 Wl2, bl2_row):

    def body(xg_ref, xv_ref, cnt_ref, cg_ref, cv_ref, p0_ref, p1_ref, c2_ref,
             bc3_ref, bc4_ref, wl1_ref, bl1_ref, wl2_ref, bl2_ref,
             cls_ref, out_ref, last_ref):
        colk = lax.broadcasted_iota(jnp.int32, (G, K * F_HID), 1) // F_HID
        valid = colk.astype(jnp.float32) < cnt_ref[...]
        xg = jnp.where(valid, xg_ref[...], 0.0)
        y = jnp.dot(xg, cg_ref[...], preferred_element_type=jnp.float32)
        y = y + jnp.dot(xv_ref[...], cv_ref[...], preferred_element_type=jnp.float32)
        y = jnp.maximum(y + bc3_ref[...], 0.0)
        z = jnp.maximum(jnp.dot(y, p0_ref[...], preferred_element_type=jnp.float32),
                        jnp.dot(y, p1_ref[...], preferred_element_type=jnp.float32))
        h = jnp.dot(z, c2_ref[...], preferred_element_type=jnp.float32)
        h = jnp.maximum(h + bc4_ref[...], 0.0)
        last = jnp.maximum(
            jnp.dot(h, wl1_ref[...], preferred_element_type=jnp.float32)
            + bl1_ref[...], 0.0)
        out = jnp.dot(last, wl2_ref[...], preferred_element_type=jnp.float32) \
            + bl2_ref[...]
        m = jnp.max(out, axis=1, keepdims=True)
        lse = jnp.log(jnp.sum(jnp.exp(out - m), axis=1, keepdims=True)) + m
        cls_ref[...] = out - lse
        out_ref[...] = out
        last_ref[...] = last

    return pl.pallas_call(
        body,
        out_shape=[
            jax.ShapeDtypeStruct((G, 10), jnp.float32),
            jax.ShapeDtypeStruct((G, 10), jnp.float32),
            jax.ShapeDtypeStruct((G, 128), jnp.float32),
        ],
    )(xg2d, xv, cnt, Cg, Cv, P0, P1, C2, bc3t, bc4t, Wl1, bl1_row, Wl2, bl2_row)



_T = 20
_CO1 = 16
_U = 10
_CO2, _CI2, _KW2 = 32, 16, 5

_P0_CONST = np.zeros((_T * _CO1, _CO1 * _U), np.float32)
_P1_CONST = np.zeros((_T * _CO1, _CO1 * _U), np.float32)
for _u in range(_U):
    for _o in range(_CO1):
        _P0_CONST[(2 * _u) * _CO1 + _o, _o * _U + _u] = 1.0
        _P1_CONST[(2 * _u + 1) * _CO1 + _o, _o * _U + _u] = 1.0


_OH97G = np.zeros((K * F_HID, 97), np.float32)
_OHTG = np.zeros((K * F_HID, _T), np.float32)
for _k in range(K):
    for _j in range(F_HID):
        _p = 65 * _k + _j
        if _p < 97 * _T:
            _OH97G[_k * F_HID + _j, _p % 97] = 1.0
            _OHTG[_k * F_HID + _j, _p // 97] = 1.0
_OH97V = np.zeros((K + 2, 97), np.float32)
_OHTV = np.zeros((K + 2, _T), np.float32)
for _k in range(K):
    _p = 65 * _k + 64
    if _p < 97 * _T:
        _OH97V[_k, _p % 97] = 1.0
        _OHTV[_k, _p // 97] = 1.0
_OH2 = np.zeros((_U * 6, _KW2), np.float32)
for _u in range(_U):
    for _j in range(6):
        if 0 <= _u - _j < _KW2:
            _OH2[_u * 6 + _j, _u - _j] = 1.0


def _conv_mats(Wc3, Wc4):
    wt = Wc3[:, 0, :].T
    wg = jnp.asarray(_OH97G) @ wt
    Cg = (jnp.asarray(_OHTG)[:, :, None] * wg[:, None, :]).reshape(
        K * F_HID, _T * _CO1)
    wv = jnp.asarray(_OH97V) @ wt
    Cv = (jnp.asarray(_OHTV)[:, :, None] * wv[:, None, :]).reshape(
        K + 2, _T * _CO1)
    Wr = Wc4.transpose(2, 1, 0).reshape(_KW2, _CI2 * _CO2)
    vals = jnp.asarray(_OH2) @ Wr
    c2 = vals.reshape(_U, 6, _CI2, _CO2)
    C2 = c2.transpose(2, 0, 3, 1).reshape(_CI2 * _U, _CO2 * 6)
    return Cg, Cv, C2


def kernel(x, edge_index, batch, W1, b1, W2, b2, Wc3, bc3, Wc4, bc4, Wl1, bl1, Wl2, bl2):
    pad = E_PAD - E
    src_f = jnp.concatenate([edge_index[0], jnp.zeros((pad,), jnp.int32)])
    dst_f = jnp.concatenate([edge_index[1], jnp.full((pad,), DUMMY, jnp.int32)])
    src_p = src_f.reshape(NW, NCHUNK, CH)
    dst_p = dst_f.reshape(NW, NCHUNK, CH)
    src_p2 = src_f.reshape(NW, EP)
    dst_p2 = dst_f.reshape(NW, EP)
    x_pad = jnp.concatenate([x, jnp.zeros((NPAD - N, F_IN), jnp.float32)])
    batch_row = jnp.concatenate([batch, jnp.full((NPAD - N,), G, jnp.int32)]).reshape(1, NPAD)

    degp = _seg_sum_scalar(src_p2, dst_p2, jnp.zeros((NPAD,), jnp.float32), False)
    deg_col = degp.T

    h1 = _mm_kernel(x_pad, W1)
    g1, dinv_col = _scale_kernel(h1, deg_col)
    accp = _seg_sum_feat(src_p, dst_p, g1)
    x1, g2_col = _mid_kernel(accp, g1, dinv_col, W2, b1.reshape(1, F_HID))

    g2 = g2_col.reshape(NPAD)
    acc2p = _seg_sum_scalar(src_p2, dst_p2, g2, True)

    key_ext, x2v, st, cn = _key_kernel(acc2p, g2.reshape(1, NPAD),
                                       dinv_col.reshape(1, NPAD),
                                       b2.reshape(1, 1), batch_row)
    xg, xv = _select_gather(key_ext.reshape(KEXT), x2v.reshape(NPAD), x1,
                            st.reshape(G), cn.reshape(G))
    cnt = cn.astype(jnp.float32)
    xg2d = xg.reshape(G, K * F_HID)

    Cg, Cv, C2 = _conv_mats(Wc3, Wc4)
    bc3t = jnp.tile(bc3, _T).reshape(1, _T * _CO1)
    bc4t = jnp.repeat(bc4, 6).reshape(1, 6 * _CO2)
    classes, out, last = _head_kernel(
        xg2d, xv, cnt, Cg, Cv, jnp.asarray(_P0_CONST), jnp.asarray(_P1_CONST),
        C2, bc3t, bc4t, Wl1, bl1.reshape(1, 128), Wl2, bl2.reshape(1, 10))
    return (classes, out, last)

# --- scband reference (transcript-rebuilt; emitter-appended) ---
"""Pipeline reference for scband-dgcnn-18365280157986 (READ-ONLY COPY).

The authoritative reference and input builder live on the scoring server;
editing this copy changes nothing except your own understanding.
"""

import jax, jax.numpy as jnp
import numpy as np

N_NODES = 10000
N_EDGES = 320000
NUM_FEATURES = 128
NUM_GRAPHS = 64
K_SORT = 30
NUM_CLASSES = 10


def setup_inputs() -> dict:
    rng = jax.random.key(0)
    ks = jax.random.split(rng, 16)
    x = jax.random.normal(ks[0], (N_NODES, NUM_FEATURES), dtype=jnp.float32)
    edge_index = jax.random.randint(ks[1], (2, N_EDGES), 0, N_NODES, dtype=jnp.int32)
    batch = jnp.sort(jax.random.randint(ks[2], (N_NODES,), 0, NUM_GRAPHS, dtype=jnp.int32))
    s = 0.05
    W1 = jax.random.normal(ks[3], (NUM_FEATURES, 64), dtype=jnp.float32) * s
    b1 = jnp.zeros((64,), jnp.float32)
    W2 = jax.random.normal(ks[4], (64, 1), dtype=jnp.float32) * s
    b2 = jnp.zeros((1,), jnp.float32)
    Wc3 = jax.random.normal(ks[5], (16, 1, 97), dtype=jnp.float32) * s
    bc3 = jnp.zeros((16,), jnp.float32)
    Wc4 = jax.random.normal(ks[6], (32, 16, 5), dtype=jnp.float32) * s
    bc4 = jnp.zeros((32,), jnp.float32)
    Wl1 = jax.random.normal(ks[7], (192, 128), dtype=jnp.float32) * s
    bl1 = jnp.zeros((128,), jnp.float32)
    Wl2 = jax.random.normal(ks[8], (128, NUM_CLASSES), dtype=jnp.float32) * s
    bl2 = jnp.zeros((NUM_CLASSES,), jnp.float32)
    return {"x": x, "edge_index": edge_index, "batch": batch,
            "W1": W1, "b1": b1, "W2": W2, "b2": b2,
            "Wc3": Wc3, "bc3": bc3, "Wc4": Wc4, "bc4": bc4,
            "Wl1": Wl1, "bl1": bl1, "Wl2": Wl2, "bl2": bl2}


def _gcn(x, src, dst, w, W, b, n):
    # GCNConv: x' = D^{-1/2} (A + I) D^{-1/2} x W + b (self-loops already appended)
    h = x @ W
    deg = jax.ops.segment_sum(w, dst, num_segments=n)
    dinv = jnp.where(deg > 0, jax.lax.rsqrt(deg), 0.0)
    norm = dinv[src] * w * dinv[dst]
    agg = jax.ops.segment_sum(h[src] * norm[:, None], dst, num_segments=n)
    return agg + b


def _sort_agg(x, batch, num_graphs, k):
    # SortAggregation: per-graph descending sort by last channel, take top-k rows, zero-pad.
    n, d = x.shape
    key = batch.astype(jnp.float32) * 10.0 - x[:, -1]
    perm = jnp.argsort(key)
    xs = x[perm]
    bs = batch[perm]
    counts = jnp.bincount(batch, length=num_graphs)
    starts = jnp.cumsum(counts) - counts
    pos = jnp.arange(n) - starts[bs]
    valid = pos < k
    pos_c = jnp.clip(pos, 0, k - 1)
    out = jnp.zeros((num_graphs, k, d), dtype=x.dtype)
    out = out.at[bs, pos_c].add(jnp.where(valid[:, None], xs, 0.0))
    return out.reshape(num_graphs, k * d)


def _conv1d(x, W, b, stride):
    y = jax.lax.conv_general_dilated(x, W, window_strides=(stride,), padding='VALID',
                                     dimension_numbers=('NCH', 'OIH', 'NCH'))
    return y + b[None, :, None]


def _maxpool1d(x, size, stride):
    B, C, L = x.shape
    L2 = (L - size) // stride + 1
    return x[:, :, :L2 * stride].reshape(B, C, L2, stride).max(axis=-1)


def reference(x, edge_index, batch, W1, b1, W2, b2, Wc3, bc3, Wc4, bc4, Wl1, bl1, Wl2, bl2):
    n = x.shape[0]
    src0, dst0 = edge_index[0], edge_index[1]
    # remove_self_loops: zero-weight existing self loops
    w0 = (src0 != dst0).astype(jnp.float32)
    loop = jnp.arange(n, dtype=src0.dtype)
    src = jnp.concatenate([src0, loop])
    dst = jnp.concatenate([dst0, loop])
    w = jnp.concatenate([w0, jnp.ones((n,), jnp.float32)])
    x1 = jnp.tanh(_gcn(x, src, dst, w, W1, b1, n))
    x2 = jnp.tanh(_gcn(x1, src, dst, w, W2, b2, n))
    xc = jnp.concatenate([x1, x2], axis=-1)
    xa = _sort_agg(xc, batch, NUM_GRAPHS, K_SORT)  # [B, 30*65=1950]
    B = xa.shape[0]
    h = xa.reshape(B, 1, -1)
    h = jax.nn.relu(_conv1d(h, Wc3, bc3, 97))  # [B,16,20]
    h = _maxpool1d(h, 2, 2)                    # [B,16,10]
    h = jax.nn.relu(_conv1d(h, Wc4, bc4, 1))   # [B,32,6]
    h = h.reshape(B, -1)                       # [B,192]
    last = jax.nn.relu(h @ Wl1 + bl1)          # [B,128]
    out = last @ Wl2 + bl2                     # [B,10]
    classes = jax.nn.log_softmax(out, axis=-1)
    return (classes, out, last)

if __name__ == "__main__":
    import jax
    _d = setup_inputs()
    print(jax.jit(kernel)(*tuple(_d.values())))

</pallas_src>

<mosaic_0001>
#map = affine_map<(d0, d1) -> (0, 0, 0)>
#map1 = affine_map<(d0, d1) -> (0, 0)>
module attributes {stable_mosaic.version = 14 : i64} {
  func.func @k(%arg0: i32, %arg1: i32, %arg2: memref<32x80x128xi32, #tpu.memory_space<hbm>>, %arg3: memref<32x80x128xi32, #tpu.memory_space<hbm>>, %arg4: memref<10240x64xf32, #tpu.memory_space<hbm>>, %arg5: memref<2x10240x64xf32, #tpu.memory_space<hbm>>, %arg6: memref<80x128xi32, #tpu.memory_space<vmem>>, %arg7: memref<80x128xi32, #tpu.memory_space<vmem>>, %arg8: memref<4x128x64xf32, #tpu.memory_space<vmem>>, %arg9: memref<128x64xf32, #tpu.memory_space<vmem>>, %arg10: memref<10240x64xf32, #tpu.memory_space<vmem_shared>>, %arg11: memref<!tpu.dma_semaphore, #tpu.memory_space<semaphore_mem>>, %arg12: memref<!tpu.dma_semaphore, #tpu.memory_space<semaphore_mem>>, %arg13: memref<!tpu.dma_semaphore, #tpu.memory_space<semaphore_mem>>, %arg14: memref<!tpu.dma_semaphore, #tpu.memory_space<semaphore_mem>>, %arg15: memref<!tpu.dma_semaphore, #tpu.memory_space<semaphore_mem>>, %arg16: memref<!tpu.dma_semaphore, #tpu.memory_space<semaphore_mem>>, %arg17: memref<!tpu.dma_semaphore, #tpu.memory_space<semaphore_mem>>, %arg18: memref<!tpu.dma_semaphore, #tpu.memory_space<semaphore_mem>>) attributes {dimension_semantics = [#tpu.dimension_semantics<core_parallel>, #tpu.dimension_semantics<subcore_parallel>], iteration_bounds = array<i64: 2, 16>, scalar_prefetch = 0 : i64, scratch_operands = 13 : i64, tpu.core_type = #tpu.core_type<sc_vector_subcore>, window_params = [{transform_indices = #map}, {transform_indices = #map}, {transform_indices = #map1}, {transform_indices = #map}]} {
    %mul3A = arith.constant 16 : i32
    %mul3A_0 = arith.muli %arg0, %mul3A : i32
    %add3A = arith.addi %mul3A_0, %arg1 : i32
    "tpu.region"() ({
      %run_scoped3A = tpu.sem_alloc : memref<!tpu.dma_semaphore, #tpu.memory_space<semaphore_mem>>
      %dma_start3A_140 = arith.constant 0 : i32
      %dma_start3A_141 = arith.constant 0 : i32
      %dma_start3A_142 = tpu.memref_slice %arg2[%add3A, %dma_start3A_140, %dma_start3A_141] : memref<32x80x128xi32, #tpu.memory_space<hbm>> -> memref<1x80x128xi32, #tpu.memory_space<hbm>>
      %dma_start3A_143 = tpu.memref_squeeze %dma_start3A_142 : memref<1x80x128xi32, #tpu.memory_space<hbm>> -> memref<80x128xi32, #tpu.memory_space<hbm>>
      %dma_start3A_144 = arith.constant 0 : i32
      %dma_start3A_145 = arith.constant 0 : i32
      %dma_start3A_146 = tpu.memref_slice %arg2[%add3A, %dma_start3A_144, %dma_start3A_145] : memref<32x80x128xi32, #tpu.memory_space<hbm>> -> memref<1x80x128xi32, #tpu.memory_space<hbm>>
      %dma_start3A_147 = tpu.memref_squeeze %dma_start3A_146 : memref<1x80x128xi32, #tpu.memory_space<hbm>> -> memref<80x128xi32, #tpu.memory_space<hbm>>
      tpu.enqueue_dma source(%dma_start3A_147 : memref<80x128xi32, #tpu.memory_space<hbm>>) target(%arg6 : memref<80x128xi32, #tpu.memory_space<vmem>>) target_semaphore(%run_scoped3A : memref<!tpu.dma_semaphore, #tpu.memory_space<semaphore_mem>>)
      %dma_wait3A_148 = arith.constant 0 : i32
      %dma_wait3A_149 = arith.constant 0 : i32
      %dma_wait3A_150 = tpu.memref_slice %arg2[%add3A, %dma_wait3A_148, %dma_wait3A_149] : memref<32x80x128xi32, #tpu.memory_space<hbm>> -> memref<1x80x128xi32, #tpu.memory_space<hbm>>
      %dma_wait3A_151 = tpu.memref_squeeze %dma_wait3A_150 : memref<1x80x128xi32, #tpu.memory_space<hbm>> -> memref<80x128xi32, #tpu.memory_space<hbm>>
      %dma_wait3A_152 = arith.constant 0 : i32
      %dma_wait3A_153 = arith.constant 0 : i32
      %dma_wait3A_154 = tpu.memref_slice %arg2[%add3A, %dma_wait3A_152, %dma_wait3A_153] : memref<32x80x128xi32, #tpu.memory_space<hbm>> -> memref<1x80x128xi32, #tpu.memory_space<hbm>>
      %dma_wait3A_155 = tpu.memref_squeeze %dma_wait3A_154 : memref<1x80x128xi32, #tpu.memory_space<hbm>> -> memref<80x128xi32, #tpu.memory_space<hbm>>
      tpu.wait_dma2 semaphore(%run_scoped3A : memref<!tpu.dma_semaphore, #tpu.memory_space<semaphore_mem>>) src(%dma_wait3A_155 : memref<80x128xi32, #tpu.memory_space<hbm>>) dst(%arg6 : memref<80x128xi32, #tpu.memory_space<vmem>>)
      tpu.yield
    }) : () -> ()
    "tpu.region"() ({
      %run_scoped3A = tpu.sem_alloc : memref<!tpu.dma_semaphore, #tpu.memory_space<semaphore_mem>>
      %dma_start3A_140 = arith.constant 0 : i32
      %dma_start3A_141 = arith.constant 0 : i32
      %dma_start3A_142 = tpu.memref_slice %arg3[%add3A, %dma_start3A_140, %dma_start3A_141] : memref<32x80x128xi32, #tpu.memory_space<hbm>> -> memref<1x80x128xi32, #tpu.memory_space<hbm>>
      %dma_start3A_143 = tpu.memref_squeeze %dma_start3A_142 : memref<1x80x128xi32, #tpu.memory_space<hbm>> -> memref<80x128xi32, #tpu.memory_space<hbm>>
      %dma_start3A_144 = arith.constant 0 : i32
      %dma_start3A_145 = arith.constant 0 : i32
      %dma_start3A_146 = tpu.memref_slice %arg3[%add3A, %dma_start3A_144, %dma_start3A_145] : memref<32x80x128xi32, #tpu.memory_space<hbm>> -> memref<1x80x128xi32, #tpu.memory_space<hbm>>
      %dma_start3A_147 = tpu.memref_squeeze %dma_start3A_146 : memref<1x80x128xi32, #tpu.memory_space<hbm>> -> memref<80x128xi32, #tpu.memory_space<hbm>>
      tpu.enqueue_dma source(%dma_start3A_147 : memref<80x128xi32, #tpu.memory_space<hbm>>) target(%arg7 : memref<80x128xi32, #tpu.memory_space<vmem>>) target_semaphore(%run_scoped3A : memref<!tpu.dma_semaphore, #tpu.memory_space<semaphore_mem>>)
      %dma_wait3A_148 = arith.constant 0 : i32
      %dma_wait3A_149 = arith.constant 0 : i32
      %dma_wait3A_150 = tpu.memref_slice %arg3[%add3A, %dma_wait3A_148, %dma_wait3A_149] : memref<32x80x128xi32, #tpu.memory_space<hbm>> -> memref<1x80x128xi32, #tpu.memory_space<hbm>>
      %dma_wait3A_151 = tpu.memref_squeeze %dma_wait3A_150 : memref<1x80x128xi32, #tpu.memory_space<hbm>> -> memref<80x128xi32, #tpu.memory_space<hbm>>
      %dma_wait3A_152 = arith.constant 0 : i32
      %dma_wait3A_153 = arith.constant 0 : i32
      %dma_wait3A_154 = tpu.memref_slice %arg3[%add3A, %dma_wait3A_152, %dma_wait3A_153] : memref<32x80x128xi32, #tpu.memory_space<hbm>> -> memref<1x80x128xi32, #tpu.memory_space<hbm>>
      %dma_wait3A_155 = tpu.memref_squeeze %dma_wait3A_154 : memref<1x80x128xi32, #tpu.memory_space<hbm>> -> memref<80x128xi32, #tpu.memory_space<hbm>>
      tpu.wait_dma2 semaphore(%run_scoped3A : memref<!tpu.dma_semaphore, #tpu.memory_space<semaphore_mem>>) src(%dma_wait3A_155 : memref<80x128xi32, #tpu.memory_space<hbm>>) dst(%arg7 : memref<80x128xi32, #tpu.memory_space<vmem>>)
      tpu.yield
    }) : () -> ()
    %scan3A = arith.constant 0 : i32
    %scan3A_1 = arith.constant 0 : i32
    %scan3A_2 = arith.constant 128 : i32
    %scan3A_3 = arith.addi %scan3A_1, %scan3A_2 : i32
    %scan3A_4 = arith.constant 1 : i32
    %scan3A_5 = scf.for %scan3A_140 = %scan3A_1 to %scan3A_3 step %scan3A_4 iter_args(%scan3A_141 = %scan3A) -> (i32)  : i32 {
      %broadcast_in_dim3A = arith.constant 0.000000e+00 : f32
      %broadcast_in_dim3A_142 = vector.broadcast %broadcast_in_dim3A : f32 to vector<16xf32>
      %swap3A = arith.index_cast %scan3A_140 : i32 to index
      %swap3A_143 = arith.constant 0 : index
      %swap3A_144 = tpu.vector_load %arg9[%swap3A, %swap3A_143] {strides = array<i32>} : memref<128x64xf32, #tpu.memory_space<vmem>>, vector<1x16xf32>,
      %swap3A_145 = vector.shape_cast %swap3A_144 : vector<1x16xf32> to vector<16xf32>
      %swap3A_146 = vector.shape_cast %broadcast_in_dim3A_142 : vector<16xf32> to vector<1x16xf32>
      tpu.vector_store %arg9[%swap3A, %swap3A_143], %swap3A_146 {strides = array<i32>} : memref<128x64xf32, #tpu.memory_space<vmem>>, vector<1x16xf32>,
      %broadcast_in_dim3A_147 = arith.constant 0.000000e+00 : f32
      %broadcast_in_dim3A_148 = vector.broadcast %broadcast_in_dim3A_147 : f32 to vector<16xf32>
      %swap3A_149 = arith.index_cast %scan3A_140 : i32 to index
      %swap3A_150 = arith.constant 16 : index
      %swap3A_151 = tpu.vector_load %arg9[%swap3A_149, %swap3A_150] {strides = array<i32>} : memref<128x64xf32, #tpu.memory_space<vmem>>, vector<1x16xf32>,
      %swap3A_152 = vector.shape_cast %swap3A_151 : vector<1x16xf32> to vector<16xf32>
      %swap3A_153 = vector.shape_cast %broadcast_in_dim3A_148 : vector<16xf32> to vector<1x16xf32>
      tpu.vector_store %arg9[%swap3A_149, %swap3A_150], %swap3A_153 {strides = array<i32>} : memref<128x64xf32, #tpu.memory_space<vmem>>, vector<1x16xf32>,
      %broadcast_in_dim3A_154 = arith.constant 0.000000e+00 : f32
      %broadcast_in_dim3A_155 = vector.broadcast %broadcast_in_dim3A_154 : f32 to vector<16xf32>
      %swap3A_156 = arith.index_cast %scan3A_140 : i32 to index
      %swap3A_157 = arith.constant 32 : index
      %swap3A_158 = tpu.vector_load %arg9[%swap3A_156, %swap3A_157] {strides = array<i32>} : memref<128x64xf32, #tpu.memory_space<vmem>>, vector<1x16xf32>,
      %swap3A_159 = vector.shape_cast %swap3A_158 : vector<1x16xf32> to vector<16xf32>
      %swap3A_160 = vector.shape_cast %broadcast_in_dim3A_155 : vector<16xf32> to vector<1x16xf32>
      tpu.vector_store %arg9[%swap3A_156, %swap3A_157], %swap3A_160 {strides = array<i32>} : memref<128x64xf32, #tpu.memory_space<vmem>>, vector<1x16xf32>,
      %broadcast_in_dim3A_161 = arith.constant 0.000000e+00 : f32
      %broadcast_in_dim3A_162 = vector.broadcast %broadcast_in_dim3A_161 : f32 to vector<16xf32>
      %swap3A_163 = arith.index_cast %scan3A_140 : i32 to index
      %swap3A_164 = arith.constant 48 : index
      %swap3A_165 = tpu.vector_load %arg9[%swap3A_163, %swap3A_164] {strides = array<i32>} : memref<128x64xf32, #tpu.memory_space<vmem>>, vector<1x16xf32>,
      %swap3A_166 = vector.shape_cast %swap3A_165 : vector<1x16xf32> to vector<16xf32>
      %swap3A_167 = vector.shape_cast %broadcast_in_dim3A_162 : vector<16xf32> to vector<1x16xf32>
      tpu.vector_store %arg9[%swap3A_163, %swap3A_164], %swap3A_167 {strides = array<i32>} : memref<128x64xf32, #tpu.memory_space<vmem>>, vector<1x16xf32>,
      %scan3A_168 = arith.constant 0 : i32
      scf.yield %scan3A_168 : i32
    }
    %scan3A_6 = arith.constant 128 : i32
    %mul3A_7 = arith.constant 640 : i32
    %mul3A_8 = arith.muli %arg1, %mul3A_7 : i32
    %add3A_9 = arith.constant 0 : i32
    %add3A_10 = arith.addi %mul3A_8, %add3A_9 : i32
    "tpu.region"() ({
      %run_scoped3A = tpu.sem_alloc : memref<!tpu.dma_semaphore, #tpu.memory_space<semaphore_mem>>
      %dma_start3A_140 = arith.constant 0 : i32
      %dma_start3A_141 = tpu.memref_slice %arg10[%add3A_10, %dma_start3A_140] : memref<10240x64xf32, #tpu.memory_space<vmem_shared>> -> memref<128x64xf32, #tpu.memory_space<vmem_shared>>
      %dma_start3A_142 = arith.constant 0 : i32
      %dma_start3A_143 = tpu.memref_slice %arg10[%add3A_10, %dma_start3A_142] : memref<10240x64xf32, #tpu.memory_space<vmem_shared>> -> memref<128x64xf32, #tpu.memory_space<vmem_shared>>
      tpu.enqueue_dma source(%arg9 : memref<128x64xf32, #tpu.memory_space<vmem>>) target(%dma_start3A_143 : memref<128x64xf32, #tpu.memory_space<vmem_shared>>) target_semaphore(%run_scoped3A : memref<!tpu.dma_semaphore, #tpu.memory_space<semaphore_mem>>)
      %dma_wait3A_144 = arith.constant 0 : i32
      %dma_wait3A_145 = tpu.memref_slice %arg10[%add3A_10, %dma_wait3A_144] : memref<10240x64xf32, #tpu.memory_space<vmem_shared>> -> memref<128x64xf32, #tpu.memory_space<vmem_shared>>
      %dma_wait3A_146 = arith.constant 0 : i32
      %dma_wait3A_147 = tpu.memref_slice %arg10[%add3A_10, %dma_wait3A_146] : memref<10240x64xf32, #tpu.memory_space<vmem_shared>> -> memref<128x64xf32, #tpu.memory_space<vmem_shared>>
      tpu.wait_dma2 semaphore(%run_scoped3A : memref<!tpu.dma_semaphore, #tpu.memory_space<semaphore_mem>>) src(%arg9 : memref<128x64xf32, #tpu.memory_space<vmem>>) dst(%dma_wait3A_147 : memref<128x64xf32, #tpu.memory_space<vmem_shared>>)
      tpu.yield
    }) : () -> ()
    %mul3A_11 = arith.constant 640 : i32
    %mul3A_12 = arith.muli %arg1, %mul3A_11 : i32
    %add3A_13 = arith.constant 128 : i32
    %add3A_14 = arith.addi %mul3A_12, %add3A_13 : i32
    "tpu.region"() ({
      %run_scoped3A = tpu.sem_alloc : memref<!tpu.dma_semaphore, #tpu.memory_space<semaphore_mem>>
      %dma_start3A_140 = arith.constant 0 : i32
      %dma_start3A_141 = tpu.memref_slice %arg10[%add3A_14, %dma_start3A_140] : memref<10240x64xf32, #tpu.memory_space<vmem_shared>> -> memref<128x64xf32, #tpu.memory_space<vmem_shared>>
      %dma_start3A_142 = arith.constant 0 : i32
      %dma_start3A_143 = tpu.memref_slice %arg10[%add3A_14, %dma_start3A_142] : memref<10240x64xf32, #tpu.memory_space<vmem_shared>> -> memref<128x64xf32, #tpu.memory_space<vmem_shared>>
      tpu.enqueue_dma source(%arg9 : memref<128x64xf32, #tpu.memory_space<vmem>>) target(%dma_start3A_143 : memref<128x64xf32, #tpu.memory_space<vmem_shared>>) target_semaphore(%run_scoped3A : memref<!tpu.dma_semaphore, #tpu.memory_space<semaphore_mem>>)
      %dma_wait3A_144 = arith.constant 0 : i32
      %dma_wait3A_145 = tpu.memref_slice %arg10[%add3A_14, %dma_wait3A_144] : memref<10240x64xf32, #tpu.memory_space<vmem_shared>> -> memref<128x64xf32, #tpu.memory_space<vmem_shared>>
      %dma_wait3A_146 = arith.constant 0 : i32
      %dma_wait3A_147 = tpu.memref_slice %arg10[%add3A_14, %dma_wait3A_146] : memref<10240x64xf32, #tpu.memory_space<vmem_shared>> -> memref<128x64xf32, #tpu.memory_space<vmem_shared>>
      tpu.wait_dma2 semaphore(%run_scoped3A : memref<!tpu.dma_semaphore, #tpu.memory_space<semaphore_mem>>) src(%arg9 : memref<128x64xf32, #tpu.memory_space<vmem>>) dst(%dma_wait3A_147 : memref<128x64xf32, #tpu.memory_space<vmem_shared>>)
      tpu.yield
    }) : () -> ()
    %mul3A_15 = arith.constant 640 : i32
    %mul3A_16 = arith.muli %arg1, %mul3A_15 : i32
    %add3A_17 = arith.constant 256 : i32
    %add3A_18 = arith.addi %mul3A_16, %add3A_17 : i32
    "tpu.region"() ({
      %run_scoped3A = tpu.sem_alloc : memref<!tpu.dma_semaphore, #tpu.memory_space<semaphore_mem>>
      %dma_start3A_140 = arith.constant 0 : i32
      %dma_start3A_141 = tpu.memref_slice %arg10[%add3A_18, %dma_start3A_140] : memref<10240x64xf32, #tpu.memory_space<vmem_shared>> -> memref<128x64xf32, #tpu.memory_space<vmem_shared>>
      %dma_start3A_142 = arith.constant 0 : i32
      %dma_start3A_143 = tpu.memref_slice %arg10[%add3A_18, %dma_start3A_142] : memref<10240x64xf32, #tpu.memory_space<vmem_shared>> -> memref<128x64xf32, #tpu.memory_space<vmem_shared>>
      tpu.enqueue_dma source(%arg9 : memref<128x64xf32, #tpu.memory_space<vmem>>) target(%dma_start3A_143 : memref<128x64xf32, #tpu.memory_space<vmem_shared>>) target_semaphore(%run_scoped3A : memref<!tpu.dma_semaphore, #tpu.memory_space<semaphore_mem>>)
      %dma_wait3A_144 = arith.constant 0 : i32
      %dma_wait3A_145 = tpu.memref_slice %arg10[%add3A_18, %dma_wait3A_144] : memref<10240x64xf32, #tpu.memory_space<vmem_shared>> -> memref<128x64xf32, #tpu.memory_space<vmem_shared>>
      %dma_wait3A_146 = arith.constant 0 : i32
      %dma_wait3A_147 = tpu.memref_slice %arg10[%add3A_18, %dma_wait3A_146] : memref<10240x64xf32, #tpu.memory_space<vmem_shared>> -> memref<128x64xf32, #tpu.memory_space<vmem_shared>>
      tpu.wait_dma2 semaphore(%run_scoped3A : memref<!tpu.dma_semaphore, #tpu.memory_space<semaphore_mem>>) src(%arg9 : memref<128x64xf32, #tpu.memory_space<vmem>>) dst(%dma_wait3A_147 : memref<128x64xf32, #tpu.memory_space<vmem_shared>>)
      tpu.yield
    }) : () -> ()
    %mul3A_19 = arith.constant 640 : i32
    %mul3A_20 = arith.muli %arg1, %mul3A_19 : i32
    %add3A_21 = arith.constant 384 : i32
    %add3A_22 = arith.addi %mul3A_20, %add3A_21 : i32
    "tpu.region"() ({
      %run_scoped3A = tpu.sem_alloc : memref<!tpu.dma_semaphore, #tpu.memory_space<semaphore_mem>>
      %dma_start3A_140 = arith.constant 0 : i32
      %dma_start3A_141 = tpu.memref_slice %arg10[%add3A_22, %dma_start3A_140] : memref<10240x64xf32, #tpu.memory_space<vmem_shared>> -> memref<128x64xf32, #tpu.memory_space<vmem_shared>>
      %dma_start3A_142 = arith.constant 0 : i32
      %dma_start3A_143 = tpu.memref_slice %arg10[%add3A_22, %dma_start3A_142] : memref<10240x64xf32, #tpu.memory_space<vmem_shared>> -> memref<128x64xf32, #tpu.memory_space<vmem_shared>>
      tpu.enqueue_dma source(%arg9 : memref<128x64xf32, #tpu.memory_space<vmem>>) target(%dma_start3A_143 : memref<128x64xf32, #tpu.memory_space<vmem_shared>>) target_semaphore(%run_scoped3A : memref<!tpu.dma_semaphore, #tpu.memory_space<semaphore_mem>>)
      %dma_wait3A_144 = arith.constant 0 : i32
      %dma_wait3A_145 = tpu.memref_slice %arg10[%add3A_22, %dma_wait3A_144] : memref<10240x64xf32, #tpu.memory_space<vmem_shared>> -> memref<128x64xf32, #tpu.memory_space<vmem_shared>>
      %dma_wait3A_146 = arith.constant 0 : i32
      %dma_wait3A_147 = tpu.memref_slice %arg10[%add3A_22, %dma_wait3A_146] : memref<10240x64xf32, #tpu.memory_space<vmem_shared>> -> memref<128x64xf32, #tpu.memory_space<vmem_shared>>
      tpu.wait_dma2 semaphore(%run_scoped3A : memref<!tpu.dma_semaphore, #tpu.memory_space<semaphore_mem>>) src(%arg9 : memref<128x64xf32, #tpu.memory_space<vmem>>) dst(%dma_wait3A_147 : memref<128x64xf32, #tpu.memory_space<vmem_shared>>)
      tpu.yield
    }) : () -> ()
    %mul3A_23 = arith.constant 640 : i32
    %mul3A_24 = arith.muli %arg1, %mul3A_23 : i32
    %add3A_25 = arith.constant 512 : i32
    %add3A_26 = arith.addi %mul3A_24, %add3A_25 : i32
    "tpu.region"() ({
      %run_scoped3A = tpu.sem_alloc : memref<!tpu.dma_semaphore, #tpu.memory_space<semaphore_mem>>
      %dma_start3A_140 = arith.constant 0 : i32
      %dma_start3A_141 = tpu.memref_slice %arg10[%add3A_26, %dma_start3A_140] : memref<10240x64xf32, #tpu.memory_space<vmem_shared>> -> memref<128x64xf32, #tpu.memory_space<vmem_shared>>
      %dma_start3A_142 = arith.constant 0 : i32
      %dma_start3A_143 = tpu.memref_slice %arg10[%add3A_26, %dma_start3A_142] : memref<10240x64xf32, #tpu.memory_space<vmem_shared>> -> memref<128x64xf32, #tpu.memory_space<vmem_shared>>
      tpu.enqueue_dma source(%arg9 : memref<128x64xf32, #tpu.memory_space<vmem>>) target(%dma_start3A_143 : memref<128x64xf32, #tpu.memory_space<vmem_shared>>) target_semaphore(%run_scoped3A : memref<!tpu.dma_semaphore, #tpu.memory_space<semaphore_mem>>)
      %dma_wait3A_144 = arith.constant 0 : i32
      %dma_wait3A_145 = tpu.memref_slice %arg10[%add3A_26, %dma_wait3A_144] : memref<10240x64xf32, #tpu.memory_space<vmem_shared>> -> memref<128x64xf32, #tpu.memory_space<vmem_shared>>
      %dma_wait3A_146 = arith.constant 0 : i32
      %dma_wait3A_147 = tpu.memref_slice %arg10[%add3A_26, %dma_wait3A_146] : memref<10240x64xf32, #tpu.memory_space<vmem_shared>> -> memref<128x64xf32, #tpu.memory_space<vmem_shared>>
      tpu.wait_dma2 semaphore(%run_scoped3A : memref<!tpu.dma_semaphore, #tpu.memory_space<semaphore_mem>>) src(%arg9 : memref<128x64xf32, #tpu.memory_space<vmem>>) dst(%dma_wait3A_147 : memref<128x64xf32, #tpu.memory_space<vmem_shared>>)
      tpu.yield
    }) : () -> ()
    %scan3A_27 = arith.constant 0 : i32
    %scan3A_28 = arith.constant 0 : i32
    %scan3A_29 = arith.constant 80 : i32
    %scan3A_30 = arith.addi %scan3A_28, %scan3A_29 : i32
    %scan3A_31 = arith.constant 1 : i32
    %scan3A_32 = scf.for %scan3A_140 = %scan3A_28 to %scan3A_30 step %scan3A_31 iter_args(%scan3A_141 = %scan3A_27) -> (i32)  : i32 {
      %get3A = arith.index_cast %scan3A_140 : i32 to index
      %get3A_142 = arith.constant 0 : index
      %get3A_143 = tpu.vector_load %arg6[%get3A, %get3A_142] {strides = array<i32>} : memref<80x128xi32, #tpu.memory_space<vmem>>, vector<1x16xi32>,
      %get3A_144 = vector.shape_cast %get3A_143 : vector<1x16xi32> to vector<16xi32>
      %get3A_145 = arith.index_cast %scan3A_140 : i32 to index
      %get3A_146 = arith.constant 0 : index
      %get3A_147 = tpu.vector_load %arg7[%get3A_145, %get3A_146] {strides = array<i32>} : memref<80x128xi32, #tpu.memory_space<vmem>>, vector<1x16xi32>,
      %get3A_148 = vector.shape_cast %get3A_147 : vector<1x16xi32> to vector<16xi32>
      %eq3A = arith.cmpi eq, %get3A_144, %get3A_148 : vector<16xi32>
      %jit3A = arith.constant 10016 : i32
      %broadcast_in_dim3A = vector.broadcast %jit3A : i32 to vector<16xi32>
      %select_n3A = arith.select %eq3A, %broadcast_in_dim3A, %get3A_148 : vector<16xi1>, vector<16xi32>
      %swap3A = arith.index_cast %scan3A_140 : i32 to index
      %swap3A_149 = arith.constant 0 : index
      %swap3A_150 = tpu.vector_load %arg7[%swap3A, %swap3A_149] {strides = array<i32>} : memref<80x128xi32, #tpu.memory_space<vmem>>, vector<1x16xi32>,
      %swap3A_151 = vector.shape_cast %swap3A_150 : vector<1x16xi32> to vector<16xi32>
      %swap3A_152 = vector.shape_cast %select_n3A : vector<16xi32> to vector<1x16xi32>
      tpu.vector_store %arg7[%swap3A, %swap3A_149], %swap3A_152 {strides = array<i32>} : memref<80x128xi32, #tpu.memory_space<vmem>>, vector<1x16xi32>,
      %get3A_153 = arith.index_cast %scan3A_140 : i32 to index
      %get3A_154 = arith.constant 16 : index
      %get3A_155 = tpu.vector_load %arg6[%get3A_153, %get3A_154] {strides = array<i32>} : memref<80x128xi32, #tpu.memory_space<vmem>>, vector<1x16xi32>,
      %get3A_156 = vector.shape_cast %get3A_155 : vector<1x16xi32> to vector<16xi32>
      %get3A_157 = arith.index_cast %scan3A_140 : i32 to index
      %get3A_158 = arith.constant 16 : index
      %get3A_159 = tpu.vector_load %arg7[%get3A_157, %get3A_158] {strides = array<i32>} : memref<80x128xi32, #tpu.memory_space<vmem>>, vector<1x16xi32>,
      %get3A_160 = vector.shape_cast %get3A_159 : vector<1x16xi32> to vector<16xi32>
      %eq3A_161 = arith.cmpi eq, %get3A_156, %get3A_160 : vector<16xi32>
      %jit3A_162 = arith.constant 10016 : i32
      %broadcast_in_dim3A_163 = vector.broadcast %jit3A_162 : i32 to vector<16xi32>
      %select_n3A_164 = arith.select %eq3A_161, %broadcast_in_dim3A_163, %get3A_160 : vector<16xi1>, vector<16xi32>
      %swap3A_165 = arith.index_cast %scan3A_140 : i32 to index
      %swap3A_166 = arith.constant 16 : index
      %swap3A_167 = tpu.vector_load %arg7[%swap3A_165, %swap3A_166] {strides = array<i32>} : memref<80x128xi32, #tpu.memory_space<vmem>>, vector<1x16xi32>,
      %swap3A_168 = vector.shape_cast %swap3A_167 : vector<1x16xi32> to vector<16xi32>
      %swap3A_169 = vector.shape_cast %select_n3A_164 : vector<16xi32> to vector<1x16xi32>
      tpu.vector_store %arg7[%swap3A_165, %swap3A_166], %swap3A_169 {strides = array<i32>} : memref<80x128xi32, #tpu.memory_space<vmem>>, vector<1x16xi32>,
      %get3A_170 = arith.index_cast %scan3A_140 : i32 to index
      %get3A_171 = arith.constant 32 : index
      %get3A_172 = tpu.vector_load %arg6[%get3A_170, %get3A_171] {strides = array<i32>} : memref<80x128xi32, #tpu.memory_space<vmem>>, vector<1x16xi32>,
      %get3A_173 = vector.shape_cast %get3A_172 : vector<1x16xi32> to vector<16xi32>
      %get3A_174 = arith.index_cast %scan3A_140 : i32 to index
      %get3A_175 = arith.constant 32 : index
      %get3A_176 = tpu.vector_load %arg7[%get3A_174, %get3A_175] {strides = array<i32>} : memref<80x128xi32, #tpu.memory_space<vmem>>, vector<1x16xi32>,
      %get3A_177 = vector.shape_cast %get3A_176 : vector<1x16xi32> to vector<16xi32>
      %eq3A_178 = arith.cmpi eq, %get3A_173, %get3A_177 : vector<16xi32>
      %jit3A_179 = arith.constant 10016 : i32
      %broadcast_in_dim3A_180 = vector.broadcast %jit3A_179 : i32 to vector<16xi32>
      %select_n3A_181 = arith.select %eq3A_178, %broadcast_in_dim3A_180, %get3A_177 : vector<16xi1>, vector<16xi32>
      %swap3A_182 = arith.index_cast %scan3A_140 : i32 to index
      %swap3A_183 = arith.constant 32 : index
      %swap3A_184 = tpu.vector_load %arg7[%swap3A_182, %swap3A_183] {strides = array<i32>} : memref<80x128xi32, #tpu.memory_space<vmem>>, vector<1x16xi32>,
      %swap3A_185 = vector.shape_cast %swap3A_184 : vector<1x16xi32> to vector<16xi32>
      %swap3A_186 = vector.shape_cast %select_n3A_181 : vector<16xi32> to vector<1x16xi32>
      tpu.vector_store %arg7[%swap3A_182, %swap3A_183], %swap3A_186 {strides = array<i32>} : memref<80x128xi32, #tpu.memory_space<vmem>>, vector<1x16xi32>,
      %get3A_187 = arith.index_cast %scan3A_140 : i32 to index
      %get3A_188 = arith.constant 48 : index
      %get3A_189 = tpu.vector_load %arg6[%get3A_187, %get3A_188] {strides = array<i32>} : memref<80x128xi32, #tpu.memory_space<vmem>>, vector<1x16xi32>,
      %get3A_190 = vector.shape_cast %get3A_189 : vector<1x16xi32> to vector<16xi32>
      %get3A_191 = arith.index_cast %scan3A_140 : i32 to index
      %get3A_192 = arith.constant 48 : index
      %get3A_193 = tpu.vector_load %arg7[%get3A_191, %get3A_192] {strides = array<i32>} : memref<80x128xi32, #tpu.memory_space<vmem>>, vector<1x16xi32>,
      %get3A_194 = vector.shape_cast %get3A_193 : vector<1x16xi32> to vector<16xi32>
      %eq3A_195 = arith.cmpi eq, %get3A_190, %get3A_194 : vector<16xi32>
      %jit3A_196 = arith.constant 10016 : i32
      %broadcast_in_dim3A_197 = vector.broadcast %jit3A_196 : i32 to vector<16xi32>
      %select_n3A_198 = arith.select %eq3A_195, %broadcast_in_dim3A_197, %get3A_194 : vector<16xi1>, vector<16xi32>
      %swap3A_199 = arith.index_cast %scan3A_140 : i32 to index
      %swap3A_200 = arith.constant 48 : index
      %swap3A_201 = tpu.vector_load %arg7[%swap3A_199, %swap3A_200] {strides = array<i32>} : memref<80x128xi32, #tpu.memory_space<vmem>>, vector<1x16xi32>,
      %swap3A_202 = vector.shape_cast %swap3A_201 : vector<1x16xi32> to vector<16xi32>
      %swap3A_203 = vector.shape_cast %select_n3A_198 : vector<16xi32> to vector<1x16xi32>
      tpu.vector_store %arg7[%swap3A_199, %swap3A_200], %swap3A_203 {strides = array<i32>} : memref<80x128xi32, #tpu.memory_space<vmem>>, vector<1x16xi32>,
      %get3A_204 = arith.index_cast %scan3A_140 : i32 to index
      %get3A_205 = arith.constant 64 : index
      %get3A_206 = tpu.vector_load %arg6[%get3A_204, %get3A_205] {strides = array<i32>} : memref<80x128xi32, #tpu.memory_space<vmem>>, vector<1x16xi32>,
      %get3A_207 = vector.shape_cast %get3A_206 : vector<1x16xi32> to vector<16xi32>
      %get3A_208 = arith.index_cast %scan3A_140 : i32 to index
      %get3A_209 = arith.constant 64 : index
      %get3A_210 = tpu.vector_load %arg7[%get3A_208, %get3A_209] {strides = array<i32>} : memref<80x128xi32, #tpu.memory_space<vmem>>, vector<1x16xi32>,
      %get3A_211 = vector.shape_cast %get3A_210 : vector<1x16xi32> to vector<16xi32>
      %eq3A_212 = arith.cmpi eq, %get3A_207, %get3A_211 : vector<16xi32>
      %jit3A_213 = arith.constant 10016 : i32
      %broadcast_in_dim3A_214 = vector.broadcast %jit3A_213 : i32 to vector<16xi32>
      %select_n3A_215 = arith.select %eq3A_212, %broadcast_in_dim3A_214, %get3A_211 : vector<16xi1>, vector<16xi32>
      %swap3A_216 = arith.index_cast %scan3A_140 : i32 to index
      %swap3A_217 = arith.constant 64 : index
      %swap3A_218 = tpu.vector_load %arg7[%swap3A_216, %swap3A_217] {strides = array<i32>} : memref<80x128xi32, #tpu.memory_space<vmem>>, vector<1x16xi32>,
      %swap3A_219 = vector.shape_cast %swap3A_218 : vector<1x16xi32> to vector<16xi32>
      %swap3A_220 = vector.shape_cast %select_n3A_215 : vector<16xi32> to vector<1x16xi32>
      tpu.vector_store %arg7[%swap3A_216, %swap3A_217], %swap3A_220 {strides = array<i32>} : memref<80x128xi32, #tpu.memory_space<vmem>>, vector<1x16xi32>,
      %get3A_221 = arith.index_cast %scan3A_140 : i32 to index
      %get3A_222 = arith.constant 80 : index
      %get3A_223 = tpu.vector_load %arg6[%get3A_221, %get3A_222] {strides = array<i32>} : memref<80x128xi32, #tpu.memory_space<vmem>>, vector<1x16xi32>,
      %get3A_224 = vector.shape_cast %get3A_223 : vector<1x16xi32> to vector<16xi32>
      %get3A_225 = arith.index_cast %scan3A_140 : i32 to index
      %get3A_226 = arith.constant 80 : index
      %get3A_227 = tpu.vector_load %arg7[%get3A_225, %get3A_226] {strides = array<i32>} : memref<80x128xi32, #tpu.memory_space<vmem>>, vector<1x16xi32>,
      %get3A_228 = vector.shape_cast %get3A_227 : vector<1x16xi32> to vector<16xi32>
      %eq3A_229 = arith.cmpi eq, %get3A_224, %get3A_228 : vector<16xi32>
      %jit3A_230 = arith.constant 10016 : i32
      %broadcast_in_dim3A_231 = vector.broadcast %jit3A_230 : i32 to vector<16xi32>
      %select_n3A_232 = arith.select %eq3A_229, %broadcast_in_dim3A_231, %get3A_228 : vector<16xi1>, vector<16xi32>
      %swap3A_233 = arith.index_cast %scan3A_140 : i32 to index
      %swap3A_234 = arith.constant 80 : index
      %swap3A_235 = tpu.vector_load %arg7[%swap3A_233, %swap3A_234] {strides = array<i32>} : memref<80x128xi32, #tpu.memory_space<vmem>>, vector<1x16xi32>,
      %swap3A_236 = vector.shape_cast %swap3A_235 : vector<1x16xi32> to vector<16xi32>
      %swap3A_237 = vector.shape_cast %select_n3A_232 : vector<16xi32> to vector<1x16xi32>
      tpu.vector_store %arg7[%swap3A_233, %swap3A_234], %swap3A_237 {strides = array<i32>} : memref<80x128xi32, #tpu.memory_space<vmem>>, vector<1x16xi32>,
      %get3A_238 = arith.index_cast %scan3A_140 : i32 to index
      %get3A_239 = arith.constant 96 : index
      %get3A_240 = tpu.vector_load %arg6[%get3A_238, %get3A_239] {strides = array<i32>} : memref<80x128xi32, #tpu.memory_space<vmem>>, vector<1x16xi32>,
      %get3A_241 = vector.shape_cast %get3A_240 : vector<1x16xi32> to vector<16xi32>
      %get3A_242 = arith.index_cast %scan3A_140 : i32 to index
      %get3A_243 = arith.constant 96 : index
      %get3A_244 = tpu.vector_load %arg7[%get3A_242, %get3A_243] {strides = array<i32>} : memref<80x128xi32, #tpu.memory_space<vmem>>, vector<1x16xi32>,
      %get3A_245 = vector.shape_cast %get3A_244 : vector<1x16xi32> to vector<16xi32>
      %eq3A_246 = arith.cmpi eq, %get3A_241, %get3A_245 : vector<16xi32>
      %jit3A_247 = arith.constant 10016 : i32
      %broadcast_in_dim3A_248 = vector.broadcast %jit3A_247 : i32 to vector<16xi32>
      %select_n3A_249 = arith.select %eq3A_246, %broadcast_in_dim3A_248, %get3A_245 : vector<16xi1>, vector<16xi32>
      %swap3A_250 = arith.index_cast %scan3A_140 : i32 to index
      %swap3A_251 = arith.constant 96 : index
      %swap3A_252 = tpu.vector_load %arg7[%swap3A_250, %swap3A_251] {strides = array<i32>} : memref<80x128xi32, #tpu.memory_space<vmem>>, vector<1x16xi32>,
      %swap3A_253 = vector.shape_cast %swap3A_252 : vector<1x16xi32> to vector<16xi32>
      %swap3A_254 = vector.shape_cast %select_n3A_249 : vector<16xi32> to vector<1x16xi32>
      tpu.vector_store %arg7[%swap3A_250, %swap3A_251], %swap3A_254 {strides = array<i32>} : memref<80x128xi32, #tpu.memory_space<vmem>>, vector<1x16xi32>,
      %get3A_255 = arith.index_cast %scan3A_140 : i32 to index
      %get3A_256 = arith.constant 112 : index
      %get3A_257 = tpu.vector_load %arg6[%get3A_255, %get3A_256] {strides = array<i32>} : memref<80x128xi32, #tpu.memory_space<vmem>>, vector<1x16xi32>,
      %get3A_258 = vector.shape_cast %get3A_257 : vector<1x16xi32> to vector<16xi32>
      %get3A_259 = arith.index_cast %scan3A_140 : i32 to index
      %get3A_260 = arith.constant 112 : index
      %get3A_261 = tpu.vector_load %arg7[%get3A_259, %get3A_260] {strides = array<i32>} : memref<80x128xi32, #tpu.memory_space<vmem>>, vector<1x16xi32>,
      %get3A_262 = vector.shape_cast %get3A_261 : vector<1x16xi32> to vector<16xi32>
      %eq3A_263 = arith.cmpi eq, %get3A_258, %get3A_262 : vector<16xi32>
      %jit3A_264 = arith.constant 10016 : i32
      %broadcast_in_dim3A_265 = vector.broadcast %jit3A_264 : i32 to vector<16xi32>
      %select_n3A_266 = arith.select %eq3A_263, %broadcast_in_dim3A_265, %get3A_262 : vector<16xi1>, vector<16xi32>
      %swap3A_267 = arith.index_cast %scan3A_140 : i32 to index
      %swap3A_268 = arith.constant 112 : index
      %swap3A_269 = tpu.vector_load %arg7[%swap3A_267, %swap3A_268] {strides = array<i32>} : memref<80x128xi32, #tpu.memory_space<vmem>>, vector<1x16xi32>,
      %swap3A_270 = vector.shape_cast %swap3A_269 : vector<1x16xi32> to vector<16xi32>
      %swap3A_271 = vector.shape_cast %select_n3A_266 : vector<16xi32> to vector<1x16xi32>
      tpu.vector_store %arg7[%swap3A_267, %swap3A_268], %swap3A_271 {strides = array<i32>} : memref<80x128xi32, #tpu.memory_space<vmem>>, vector<1x16xi32>,
      %scan3A_272 = arith.constant 0 : i32
      scf.yield %scan3A_272 : i32
    }
    %scan3A_33 = arith.constant 80 : i32
    %barrier3A = arith.constant 0 : index
    tpu.barrier barrier_id(%barrier3A)
    %dma_start3A = arith.constant 0 : i32
    %dma_start3A_34 = arith.constant 0 : i32
    %dma_start3A_35 = arith.constant 0 : i32
    %dma_start3A_36 = arith.constant 0 : i32
    %dma_start3A_37 = tpu.memref_slice %arg8[%dma_start3A_34, %dma_start3A_35, %dma_start3A_36] : memref<4x128x64xf32, #tpu.memory_space<vmem>> -> memref<1x128x64xf32, #tpu.memory_space<vmem>>
    %dma_start3A_38 = tpu.memref_squeeze %dma_start3A_37 : memref<1x128x64xf32, #tpu.memory_space<vmem>> -> memref<128x64xf32, #tpu.memory_space<vmem>>
    %dma_start3A_39 = arith.constant 0 : i32
    %dma_start3A_40 = tpu.memref_slice %arg6[%dma_start3A, %dma_start3A_39] : memref<80x128xi32, #tpu.memory_space<vmem>> -> memref<1x128xi32, #tpu.memory_space<vmem>>
    %dma_start3A_41 = tpu.memref_squeeze %dma_start3A_40 : memref<1x128xi32, #tpu.memory_space<vmem>> -> memref<128xi32, #tpu.memory_space<vmem>>
    %dma_start3A_42 = arith.constant 0 : i32
    %dma_start3A_43 = arith.constant 0 : i32
    %dma_start3A_44 = tpu.memref_slice %arg4[%dma_start3A_42, %dma_start3A_43] : memref<10240x64xf32, #tpu.memory_space<hbm>> -> memref<10240x64xf32, #tpu.memory_space<hbm>>
    tpu.enqueue_indirect_dma source(%dma_start3A_44 : memref<10240x64xf32, #tpu.memory_space<hbm>>) target(%dma_start3A_38 : memref<128x64xf32, #tpu.memory_space<vmem>>) offsets(%dma_start3A_41 : memref<128xi32, #tpu.memory_space<vmem>>) semaphore(%arg11 : memref<!tpu.dma_semaphore, #tpu.memory_space<semaphore_mem>>)
    %dma_start3A_45 = arith.constant 1 : i32
    %dma_start3A_46 = arith.constant 1 : i32
    %dma_start3A_47 = arith.constant 0 : i32
    %dma_start3A_48 = arith.constant 0 : i32
    %dma_start3A_49 = tpu.memref_slice %arg8[%dma_start3A_46, %dma_start3A_47, %dma_start3A_48] : memref<4x128x64xf32, #tpu.memory_space<vmem>> -> memref<1x128x64xf32, #tpu.memory_space<vmem>>
    %dma_start3A_50 = tpu.memref_squeeze %dma_start3A_49 : memref<1x128x64xf32, #tpu.memory_space<vmem>> -> memref<128x64xf32, #tpu.memory_space<vmem>>
    %dma_start3A_51 = arith.constant 0 : i32
    %dma_start3A_52 = tpu.memref_slice %arg6[%dma_start3A_45, %dma_start3A_51] : memref<80x128xi32, #tpu.memory_space<vmem>> -> memref<1x128xi32, #tpu.memory_space<vmem>>
    %dma_start3A_53 = tpu.memref_squeeze %dma_start3A_52 : memref<1x128xi32, #tpu.memory_space<vmem>> -> memref<128xi32, #tpu.memory_space<vmem>>
    %dma_start3A_54 = arith.constant 0 : i32
    %dma_start3A_55 = arith.constant 0 : i32
    %dma_start3A_56 = tpu.memref_slice %arg4[%dma_start3A_54, %dma_start3A_55] : memref<10240x64xf32, #tpu.memory_space<hbm>> -> memref<10240x64xf32, #tpu.memory_space<hbm>>
    tpu.enqueue_indirect_dma source(%dma_start3A_56 : memref<10240x64xf32, #tpu.memory_space<hbm>>) target(%dma_start3A_50 : memref<128x64xf32, #tpu.memory_space<vmem>>) offsets(%dma_start3A_53 : memref<128xi32, #tpu.memory_space<vmem>>) semaphore(%arg12 : memref<!tpu.dma_semaphore, #tpu.memory_space<semaphore_mem>>)
    %dma_start3A_57 = arith.constant 2 : i32
    %dma_start3A_58 = arith.constant 2 : i32
    %dma_start3A_59 = arith.constant 0 : i32
    %dma_start3A_60 = arith.constant 0 : i32
    %dma_start3A_61 = tpu.memref_slice %arg8[%dma_start3A_58, %dma_start3A_59, %dma_start3A_60] : memref<4x128x64xf32, #tpu.memory_space<vmem>> -> memref<1x128x64xf32, #tpu.memory_space<vmem>>
    %dma_start3A_62 = tpu.memref_squeeze %dma_start3A_61 : memref<1x128x64xf32, #tpu.memory_space<vmem>> -> memref<128x64xf32, #tpu.memory_space<vmem>>
    %dma_start3A_63 = arith.constant 0 : i32
    %dma_start3A_64 = tpu.memref_slice %arg6[%dma_start3A_57, %dma_start3A_63] : memref<80x128xi32, #tpu.memory_space<vmem>> -> memref<1x128xi32, #tpu.memory_space<vmem>>
    %dma_start3A_65 = tpu.memref_squeeze %dma_start3A_64 : memref<1x128xi32, #tpu.memory_space<vmem>> -> memref<128xi32, #tpu.memory_space<vmem>>
    %dma_start3A_66 = arith.constant 0 : i32
    %dma_start3A_67 = arith.constant 0 : i32
    %dma_start3A_68 = tpu.memref_slice %arg4[%dma_start3A_66, %dma_start3A_67] : memref<10240x64xf32, #tpu.memory_space<hbm>> -> memref<10240x64xf32, #tpu.memory_space<hbm>>
    tpu.enqueue_indirect_dma source(%dma_start3A_68 : memref<10240x64xf32, #tpu.memory_space<hbm>>) target(%dma_start3A_62 : memref<128x64xf32, #tpu.memory_space<vmem>>) offsets(%dma_start3A_65 : memref<128xi32, #tpu.memory_space<vmem>>) semaphore(%arg13 : memref<!tpu.dma_semaphore, #tpu.memory_space<semaphore_mem>>)
    %dma_start3A_69 = arith.constant 3 : i32
    %dma_start3A_70 = arith.constant 3 : i32
    %dma_start3A_71 = arith.constant 0 : i32
    %dma_start3A_72 = arith.constant 0 : i32
    %dma_start3A_73 = tpu.memref_slice %arg8[%dma_start3A_70, %dma_start3A_71, %dma_start3A_72] : memref<4x128x64xf32, #tpu.memory_space<vmem>> -> memref<1x128x64xf32, #tpu.memory_space<vmem>>
    %dma_start3A_74 = tpu.memref_squeeze %dma_start3A_73 : memref<1x128x64xf32, #tpu.memory_space<vmem>> -> memref<128x64xf32, #tpu.memory_space<vmem>>
    %dma_start3A_75 = arith.constant 0 : i32
    %dma_start3A_76 = tpu.memref_slice %arg6[%dma_start3A_69, %dma_start3A_75] : memref<80x128xi32, #tpu.memory_space<vmem>> -> memref<1x128xi32, #tpu.memory_space<vmem>>
    %dma_start3A_77 = tpu.memref_squeeze %dma_start3A_76 : memref<1x128xi32, #tpu.memory_space<vmem>> -> memref<128xi32, #tpu.memory_space<vmem>>
    %dma_start3A_78 = arith.constant 0 : i32
    %dma_start3A_79 = arith.constant 0 : i32
    %dma_start3A_80 = tpu.memref_slice %arg4[%dma_start3A_78, %dma_start3A_79] : memref<10240x64xf32, #tpu.memory_space<hbm>> -> memref<10240x64xf32, #tpu.memory_space<hbm>>
    tpu.enqueue_indirect_dma source(%dma_start3A_80 : memref<10240x64xf32, #tpu.memory_space<hbm>>) target(%dma_start3A_74 : memref<128x64xf32, #tpu.memory_space<vmem>>) offsets(%dma_start3A_77 : memref<128xi32, #tpu.memory_space<vmem>>) semaphore(%arg14 : memref<!tpu.dma_semaphore, #tpu.memory_space<semaphore_mem>>)
    %scan3A_81 = arith.constant 0 : i32
    %scan3A_82 = arith.constant 0 : i32
    %scan3A_83 = arith.constant 20 : i32
    %scan3A_84 = arith.addi %scan3A_82, %scan3A_83 : i32
    %scan3A_85 = arith.constant 1 : i32
    %scan3A_86 = scf.for %scan3A_140 = %scan3A_82 to %scan3A_84 step %scan3A_85 iter_args(%scan3A_141 = %scan3A_81) -> (i32)  : i32 {
      %mul3A_142 = arith.constant 4 : i32
      %mul3A_143 = arith.muli %scan3A_140, %mul3A_142 : i32
      %add3A_144 = arith.constant 0 : i32
      %add3A_145 = arith.addi %mul3A_143, %add3A_144 : i32
      %dma_wait3A_146 = arith.constant 0 : i32
      %dma_wait3A_147 = arith.constant 0 : i32
      %dma_wait3A_148 = arith.constant 0 : i32
      %dma_wait3A_149 = tpu.memref_slice %arg8[%dma_wait3A_146, %dma_wait3A_147, %dma_wait3A_148] : memref<4x128x64xf32, #tpu.memory_space<vmem>> -> memref<1x128x64xf32, #tpu.memory_space<vmem>>
      %dma_wait3A_150 = tpu.memref_squeeze %dma_wait3A_149 : memref<1x128x64xf32, #tpu.memory_space<vmem>> -> memref<128x64xf32, #tpu.memory_space<vmem>>
      %dma_wait3A_151 = arith.constant 0 : i32
      %dma_wait3A_152 = tpu.memref_slice %arg6[%add3A_145, %dma_wait3A_151] : memref<80x128xi32, #tpu.memory_space<vmem>> -> memref<1x128xi32, #tpu.memory_space<vmem>>
      %dma_wait3A_153 = tpu.memref_squeeze %dma_wait3A_152 : memref<1x128xi32, #tpu.memory_space<vmem>> -> memref<128xi32, #tpu.memory_space<vmem>>
      %dma_wait3A_154 = arith.constant 0 : i32
      %dma_wait3A_155 = arith.constant 0 : i32
      %dma_wait3A_156 = tpu.memref_slice %arg4[%dma_wait3A_154, %dma_wait3A_155] : memref<10240x64xf32, #tpu.memory_space<hbm>> -> memref<10240x64xf32, #tpu.memory_space<hbm>>
      tpu.wait_indirect_dma semaphore(%arg11 : memref<!tpu.dma_semaphore, #tpu.memory_space<semaphore_mem>>) src(%dma_wait3A_156 : memref<10240x64xf32, #tpu.memory_space<hbm>>) dst(%dma_wait3A_150 : memref<128x64xf32, #tpu.memory_space<vmem>>)
      %dma_start3A_157 = arith.constant 0 : i32
      %dma_start3A_158 = arith.constant 0 : i32
      %dma_start3A_159 = arith.constant 0 : i32
      %dma_start3A_160 = tpu.memref_slice %arg8[%dma_start3A_157, %dma_start3A_158, %dma_start3A_159] : memref<4x128x64xf32, #tpu.memory_space<vmem>> -> memref<1x128x64xf32, #tpu.memory_space<vmem>>
      %dma_start3A_161 = tpu.memref_squeeze %dma_start3A_160 : memref<1x128x64xf32, #tpu.memory_space<vmem>> -> memref<128x64xf32, #tpu.memory_space<vmem>>
      %dma_start3A_162 = arith.constant 0 : i32
      %dma_start3A_163 = tpu.memref_slice %arg7[%add3A_145, %dma_start3A_162] : memref<80x128xi32, #tpu.memory_space<vmem>> -> memref<1x128xi32, #tpu.memory_space<vmem>>
      %dma_start3A_164 = tpu.memref_squeeze %dma_start3A_163 : memref<1x128xi32, #tpu.memory_space<vmem>> -> memref<128xi32, #tpu.memory_space<vmem>>
      %dma_start3A_165 = arith.constant 0 : i32
      %dma_start3A_166 = arith.constant 0 : i32
      %dma_start3A_167 = tpu.memref_slice %arg10[%dma_start3A_165, %dma_start3A_166] : memref<10240x64xf32, #tpu.memory_space<vmem_shared>> -> memref<10240x64xf32, #tpu.memory_space<vmem_shared>>
      tpu.enqueue_indirect_dma source(%dma_start3A_161 : memref<128x64xf32, #tpu.memory_space<vmem>>) target(%dma_start3A_167 : memref<10240x64xf32, #tpu.memory_space<vmem_shared>>) offsets(%dma_start3A_164 : memref<128xi32, #tpu.memory_space<vmem>>) semaphore(%arg15 : memref<!tpu.dma_semaphore, #tpu.memory_space<semaphore_mem>>) {add = true}
      %ge3A = arith.constant 2 : i32
      %ge3A_168 = arith.cmpi sge, %add3A_145, %ge3A : i32
      %add3A_169 = arith.constant 2 : i32
      %add3A_170 = arith.addi %add3A_145, %add3A_169 : i32
      %lt3A = arith.constant 80 : i32
      %lt3A_171 = arith.cmpi slt, %add3A_170, %lt3A : i32
      %and3A = arith.andi %ge3A_168, %lt3A_171 : i1
      %convert_element_type3A = arith.extui %and3A : i1 to i32
      %cond3A = arith.constant 0 : i32
      %cond3A_172 = arith.cmpi ne, %convert_element_type3A, %cond3A : i32
      scf.if %cond3A_172 {
        %sub3A = arith.constant 2 : i32
        %sub3A_282 = arith.subi %add3A_145, %sub3A : i32
        %dma_wait3A_283 = arith.constant 2 : i32
        %dma_wait3A_284 = arith.constant 0 : i32
        %dma_wait3A_285 = arith.constant 0 : i32
        %dma_wait3A_286 = tpu.memref_slice %arg8[%dma_wait3A_283, %dma_wait3A_284, %dma_wait3A_285] : memref<4x128x64xf32, #tpu.memory_space<vmem>> -> memref<1x128x64xf32, #tpu.memory_space<vmem>>
        %dma_wait3A_287 = tpu.memref_squeeze %dma_wait3A_286 : memref<1x128x64xf32, #tpu.memory_space<vmem>> -> memref<128x64xf32, #tpu.memory_space<vmem>>
        %dma_wait3A_288 = arith.constant 0 : i32
        %dma_wait3A_289 = tpu.memref_slice %arg7[%sub3A_282, %dma_wait3A_288] : memref<80x128xi32, #tpu.memory_space<vmem>> -> memref<1x128xi32, #tpu.memory_space<vmem>>
        %dma_wait3A_290 = tpu.memref_squeeze %dma_wait3A_289 : memref<1x128xi32, #tpu.memory_space<vmem>> -> memref<128xi32, #tpu.memory_space<vmem>>
        %dma_wait3A_291 = arith.constant 0 : i32
        %dma_wait3A_292 = arith.constant 0 : i32
        %dma_wait3A_293 = tpu.memref_slice %arg10[%dma_wait3A_291, %dma_wait3A_292] : memref<10240x64xf32, #tpu.memory_space<vmem_shared>> -> memref<10240x64xf32, #tpu.memory_space<vmem_shared>>
        tpu.wait_indirect_dma semaphore(%arg17 : memref<!tpu.dma_semaphore, #tpu.memory_space<semaphore_mem>>) src(%dma_wait3A_287 : memref<128x64xf32, #tpu.memory_space<vmem>>) dst(%dma_wait3A_293 : memref<10240x64xf32, #tpu.memory_space<vmem_shared>>)
        %add3A_294 = arith.constant 2 : i32
        %add3A_295 = arith.addi %add3A_145, %add3A_294 : i32
        %dma_start3A_296 = arith.constant 2 : i32
        %dma_start3A_297 = arith.constant 0 : i32
        %dma_start3A_298 = arith.constant 0 : i32
        %dma_start3A_299 = tpu.memref_slice %arg8[%dma_start3A_296, %dma_start3A_297, %dma_start3A_298] : memref<4x128x64xf32, #tpu.memory_space<vmem>> -> memref<1x128x64xf32, #tpu.memory_space<vmem>>
        %dma_start3A_300 = tpu.memref_squeeze %dma_start3A_299 : memref<1x128x64xf32, #tpu.memory_space<vmem>> -> memref<128x64xf32, #tpu.memory_space<vmem>>
        %dma_start3A_301 = arith.constant 0 : i32
        %dma_start3A_302 = tpu.memref_slice %arg6[%add3A_295, %dma_start3A_301] : memref<80x128xi32, #tpu.memory_space<vmem>> -> memref<1x128xi32, #tpu.memory_space<vmem>>
        %dma_start3A_303 = tpu.memref_squeeze %dma_start3A_302 : memref<1x128xi32, #tpu.memory_space<vmem>> -> memref<128xi32, #tpu.memory_space<vmem>>
        %dma_start3A_304 = arith.constant 0 : i32
        %dma_start3A_305 = arith.constant 0 : i32
        %dma_start3A_306 = tpu.memref_slice %arg4[%dma_start3A_304, %dma_start3A_305] : memref<10240x64xf32, #tpu.memory_space<hbm>> -> memref<10240x64xf32, #tpu.memory_space<hbm>>
        tpu.enqueue_indirect_dma source(%dma_start3A_306 : memref<10240x64xf32, #tpu.memory_space<hbm>>) target(%dma_start3A_300 : memref<128x64xf32, #tpu.memory_space<vmem>>) offsets(%dma_start3A_303 : memref<128xi32, #tpu.memory_space<vmem>>) semaphore(%arg13 : memref<!tpu.dma_semaphore, #tpu.memory_space<semaphore_mem>>)
      } else {
      }
      %mul3A_173 = arith.constant 4 : i32
      %mul3A_174 = arith.muli %scan3A_140, %mul3A_173 : i32
      %add3A_175 = arith.constant 1 : i32
      %add3A_176 = arith.addi %mul3A_174, %add3A_175 : i32
      %dma_wait3A_177 = arith.constant 1 : i32
      %dma_wait3A_178 = arith.constant 0 : i32
      %dma_wait3A_179 = arith.constant 0 : i32
      %dma_wait3A_180 = tpu.memref_slice %arg8[%dma_wait3A_177, %dma_wait3A_178, %dma_wait3A_179] : memref<4x128x64xf32, #tpu.memory_space<vmem>> -> memref<1x128x64xf32, #tpu.memory_space<vmem>>
      %dma_wait3A_181 = tpu.memref_squeeze %dma_wait3A_180 : memref<1x128x64xf32, #tpu.memory_space<vmem>> -> memref<128x64xf32, #tpu.memory_space<vmem>>
      %dma_wait3A_182 = arith.constant 0 : i32
      %dma_wait3A_183 = tpu.memref_slice %arg6[%add3A_176, %dma_wait3A_182] : memref<80x128xi32, #tpu.memory_space<vmem>> -> memref<1x128xi32, #tpu.memory_space<vmem>>
      %dma_wait3A_184 = tpu.memref_squeeze %dma_wait3A_183 : memref<1x128xi32, #tpu.memory_space<vmem>> -> memref<128xi32, #tpu.memory_space<vmem>>
      %dma_wait3A_185 = arith.constant 0 : i32
      %dma_wait3A_186 = arith.constant 0 : i32
      %dma_wait3A_187 = tpu.memref_slice %arg4[%dma_wait3A_185, %dma_wait3A_186] : memref<10240x64xf32, #tpu.memory_space<hbm>> -> memref<10240x64xf32, #tpu.memory_space<hbm>>
      tpu.wait_indirect_dma semaphore(%arg12 : memref<!tpu.dma_semaphore, #tpu.memory_space<semaphore_mem>>) src(%dma_wait3A_187 : memref<10240x64xf32, #tpu.memory_space<hbm>>) dst(%dma_wait3A_181 : memref<128x64xf32, #tpu.memory_space<vmem>>)
      %dma_start3A_188 = arith.constant 1 : i32
      %dma_start3A_189 = arith.constant 0 : i32
      %dma_start3A_190 = arith.constant 0 : i32
      %dma_start3A_191 = tpu.memref_slice %arg8[%dma_start3A_188, %dma_start3A_189, %dma_start3A_190] : memref<4x128x64xf32, #tpu.memory_space<vmem>> -> memref<1x128x64xf32, #tpu.memory_space<vmem>>
      %dma_start3A_192 = tpu.memref_squeeze %dma_start3A_191 : memref<1x128x64xf32, #tpu.memory_space<vmem>> -> memref<128x64xf32, #tpu.memory_space<vmem>>
      %dma_start3A_193 = arith.constant 0 : i32
      %dma_start3A_194 = tpu.memref_slice %arg7[%add3A_176, %dma_start3A_193] : memref<80x128xi32, #tpu.memory_space<vmem>> -> memref<1x128xi32, #tpu.memory_space<vmem>>
      %dma_start3A_195 = tpu.memref_squeeze %dma_start3A_194 : memref<1x128xi32, #tpu.memory_space<vmem>> -> memref<128xi32, #tpu.memory_space<vmem>>
      %dma_start3A_196 = arith.constant 0 : i32
      %dma_start3A_197 = arith.constant 0 : i32
      %dma_start3A_198 = tpu.memref_slice %arg10[%dma_start3A_196, %dma_start3A_197] : memref<10240x64xf32, #tpu.memory_space<vmem_shared>> -> memref<10240x64xf32, #tpu.memory_space<vmem_shared>>
      tpu.enqueue_indirect_dma source(%dma_start3A_192 : memref<128x64xf32, #tpu.memory_space<vmem>>) target(%dma_start3A_198 : memref<10240x64xf32, #tpu.memory_space<vmem_shared>>) offsets(%dma_start3A_195 : memref<128xi32, #tpu.memory_space<vmem>>) semaphore(%arg16 : memref<!tpu.dma_semaphore, #tpu.memory_space<semaphore_mem>>) {add = true}
      %ge3A_199 = arith.constant 2 : i32
      %ge3A_200 = arith.cmpi sge, %add3A_176, %ge3A_199 : i32
      %add3A_201 = arith.constant 2 : i32
      %add3A_202 = arith.addi %add3A_176, %add3A_201 : i32
      %lt3A_203 = arith.constant 80 : i32
      %lt3A_204 = arith.cmpi slt, %add3A_202, %lt3A_203 : i32
      %and3A_205 = arith.andi %ge3A_200, %lt3A_204 : i1
      %convert_element_type3A_206 = arith.extui %and3A_205 : i1 to i32
      %cond3A_207 = arith.constant 0 : i32
      %cond3A_208 = arith.cmpi ne, %convert_element_type3A_206, %cond3A_207 : i32
      scf.if %cond3A_208 {
        %sub3A = arith.constant 2 : i32
        %sub3A_282 = arith.subi %add3A_176, %sub3A : i32
        %dma_wait3A_283 = arith.constant 3 : i32
        %dma_wait3A_284 = arith.constant 0 : i32
        %dma_wait3A_285 = arith.constant 0 : i32
        %dma_wait3A_286 = tpu.memref_slice %arg8[%dma_wait3A_283, %dma_wait3A_284, %dma_wait3A_285] : memref<4x128x64xf32, #tpu.memory_space<vmem>> -> memref<1x128x64xf32, #tpu.memory_space<vmem>>
        %dma_wait3A_287 = tpu.memref_squeeze %dma_wait3A_286 : memref<1x128x64xf32, #tpu.memory_space<vmem>> -> memref<128x64xf32, #tpu.memory_space<vmem>>
        %dma_wait3A_288 = arith.constant 0 : i32
        %dma_wait3A_289 = tpu.memref_slice %arg7[%sub3A_282, %dma_wait3A_288] : memref<80x128xi32, #tpu.memory_space<vmem>> -> memref<1x128xi32, #tpu.memory_space<vmem>>
        %dma_wait3A_290 = tpu.memref_squeeze %dma_wait3A_289 : memref<1x128xi32, #tpu.memory_space<vmem>> -> memref<128xi32, #tpu.memory_space<vmem>>
        %dma_wait3A_291 = arith.constant 0 : i32
        %dma_wait3A_292 = arith.constant 0 : i32
        %dma_wait3A_293 = tpu.memref_slice %arg10[%dma_wait3A_291, %dma_wait3A_292] : memref<10240x64xf32, #tpu.memory_space<vmem_shared>> -> memref<10240x64xf32, #tpu.memory_space<vmem_shared>>
        tpu.wait_indirect_dma semaphore(%arg18 : memref<!tpu.dma_semaphore, #tpu.memory_space<semaphore_mem>>) src(%dma_wait3A_287 : memref<128x64xf32, #tpu.memory_space<vmem>>) dst(%dma_wait3A_293 : memref<10240x64xf32, #tpu.memory_space<vmem_shared>>)
        %add3A_294 = arith.constant 2 : i32
        %add3A_295 = arith.addi %add3A_176, %add3A_294 : i32
        %dma_start3A_296 = arith.constant 3 : i32
        %dma_start3A_297 = arith.constant 0 : i32
        %dma_start3A_298 = arith.constant 0 : i32
        %dma_start3A_299 = tpu.memref_slice %arg8[%dma_start3A_296, %dma_start3A_297, %dma_start3A_298] : memref<4x128x64xf32, #tpu.memory_space<vmem>> -> memref<1x128x64xf32, #tpu.memory_space<vmem>>
        %dma_start3A_300 = tpu.memref_squeeze %dma_start3A_299 : memref<1x128x64xf32, #tpu.memory_space<vmem>> -> memref<128x64xf32, #tpu.memory_space<vmem>>
        %dma_start3A_301 = arith.constant 0 : i32
        %dma_start3A_302 = tpu.memref_slice %arg6[%add3A_295, %dma_start3A_301] : memref<80x128xi32, #tpu.memory_space<vmem>> -> memref<1x128xi32, #tpu.memory_space<vmem>>
        %dma_start3A_303 = tpu.memref_squeeze %dma_start3A_302 : memref<1x128xi32, #tpu.memory_space<vmem>> -> memref<128xi32, #tpu.memory_space<vmem>>
        %dma_start3A_304 = arith.constant 0 : i32
        %dma_start3A_305 = arith.constant 0 : i32
        %dma_start3A_306 = tpu.memref_slice %arg4[%dma_start3A_304, %dma_start3A_305] : memref<10240x64xf32, #tpu.memory_space<hbm>> -> memref<10240x64xf32, #tpu.memory_space<hbm>>
        tpu.enqueue_indirect_dma source(%dma_start3A_306 : memref<10240x64xf32, #tpu.memory_space<hbm>>) target(%dma_start3A_300 : memref<128x64xf32, #tpu.memory_space<vmem>>) offsets(%dma_start3A_303 : memref<128xi32, #tpu.memory_space<vmem>>) semaphore(%arg14 : memref<!tpu.dma_semaphore, #tpu.memory_space<semaphore_mem>>)
      } else {
      }
      %mul3A_209 = arith.constant 4 : i32
      %mul3A_210 = arith.muli %scan3A_140, %mul3A_209 : i32
      %add3A_211 = arith.constant 2 : i32
      %add3A_212 = arith.addi %mul3A_210, %add3A_211 : i32
      %dma_wait3A_213 = arith.constant 2 : i32
      %dma_wait3A_214 = arith.constant 0 : i32
      %dma_wait3A_215 = arith.constant 0 : i32
      %dma_wait3A_216 = tpu.memref_slice %arg8[%dma_wait3A_213, %dma_wait3A_214, %dma_wait3A_215] : memref<4x128x64xf32, #tpu.memory_space<vmem>> -> memref<1x128x64xf32, #tpu.memory_space<vmem>>
      %dma_wait3A_217 = tpu.memref_squeeze %dma_wait3A_216 : memref<1x128x64xf32, #tpu.memory_space<vmem>> -> memref<128x64xf32, #tpu.memory_space<vmem>>
      %dma_wait3A_218 = arith.constant 0 : i32
      %dma_wait3A_219 = tpu.memref_slice %arg6[%add3A_212, %dma_wait3A_218] : memref<80x128xi32, #tpu.memory_space<vmem>> -> memref<1x128xi32, #tpu.memory_space<vmem>>
      %dma_wait3A_220 = tpu.memref_squeeze %dma_wait3A_219 : memref<1x128xi32, #tpu.memory_space<vmem>> -> memref<128xi32, #tpu.memory_space<vmem>>
      %dma_wait3A_221 = arith.constant 0 : i32
      %dma_wait3A_222 = arith.constant 0 : i32
      %dma_wait3A_223 = tpu.memref_slice %arg4[%dma_wait3A_221, %dma_wait3A_222] : memref<10240x64xf32, #tpu.memory_space<hbm>> -> memref<10240x64xf32, #tpu.memory_space<hbm>>
      tpu.wait_indirect_dma semaphore(%arg13 : memref<!tpu.dma_semaphore, #tpu.memory_space<semaphore_mem>>) src(%dma_wait3A_223 : memref<10240x64xf32, #tpu.memory_space<hbm>>) dst(%dma_wait3A_217 : memref<128x64xf32, #tpu.memory_space<vmem>>)
      %dma_start3A_224 = arith.constant 2 : i32
      %dma_start3A_225 = arith.constant 0 : i32
      %dma_start3A_226 = arith.constant 0 : i32
      %dma_start3A_227 = tpu.memref_slice %arg8[%dma_start3A_224, %dma_start3A_225, %dma_start3A_226] : memref<4x128x64xf32, #tpu.memory_space<vmem>> -> memref<1x128x64xf32, #tpu.memory_space<vmem>>
      %dma_start3A_228 = tpu.memref_squeeze %dma_start3A_227 : memref<1x128x64xf32, #tpu.memory_space<vmem>> -> memref<128x64xf32, #tpu.memory_space<vmem>>
      %dma_start3A_229 = arith.constant 0 : i32
      %dma_start3A_230 = tpu.memref_slice %arg7[%add3A_212, %dma_start3A_229] : memref<80x128xi32, #tpu.memory_space<vmem>> -> memref<1x128xi32, #tpu.memory_space<vmem>>
      %dma_start3A_231 = tpu.memref_squeeze %dma_start3A_230 : memref<1x128xi32, #tpu.memory_space<vmem>> -> memref<128xi32, #tpu.memory_space<vmem>>
      %dma_start3A_232 = arith.constant 0 : i32
      %dma_start3A_233 = arith.constant 0 : i32
      %dma_start3A_234 = tpu.memref_slice %arg10[%dma_start3A_232, %dma_start3A_233] : memref<10240x64xf32, #tpu.memory_space<vmem_shared>> -> memref<10240x64xf32, #tpu.memory_space<vmem_shared>>
      tpu.enqueue_indirect_dma source(%dma_start3A_228 : memref<128x64xf32, #tpu.memory_space<vmem>>) target(%dma_start3A_234 : memref<10240x64xf32, #tpu.memory_space<vmem_shared>>) offsets(%dma_start3A_231 : memref<128xi32, #tpu.memory_space<vmem>>) semaphore(%arg17 : memref<!tpu.dma_semaphore, #tpu.memory_space<semaphore_mem>>) {add = true}
      %ge3A_235 = arith.constant 2 : i32
      %ge3A_236 = arith.cmpi sge, %add3A_212, %ge3A_235 : i32
      %add3A_237 = arith.constant 2 : i32
      %add3A_238 = arith.addi %add3A_212, %add3A_237 : i32
      %lt3A_239 = arith.constant 80 : i32
      %lt3A_240 = arith.cmpi slt, %add3A_238, %lt3A_239 : i32
      %and3A_241 = arith.andi %ge3A_236, %lt3A_240 : i1
      %convert_element_type3A_242 = arith.extui %and3A_241 : i1 to i32
      %cond3A_243 = arith.constant 0 : i32
      %cond3A_244 = arith.cmpi ne, %convert_element_type3A_242, %cond3A_243 : i32
      scf.if %cond3A_244 {
        %sub3A = arith.constant 2 : i32
        %sub3A_282 = arith.subi %add3A_212, %sub3A : i32
        %dma_wait3A_283 = arith.constant 0 : i32
        %dma_wait3A_284 = arith.constant 0 : i32
        %dma_wait3A_285 = arith.constant 0 : i32
        %dma_wait3A_286 = tpu.memref_slice %arg8[%dma_wait3A_283, %dma_wait3A_284, %dma_wait3A_285] : memref<4x128x64xf32, #tpu.memory_space<vmem>> -> memref<1x128x64xf32, #tpu.memory_space<vmem>>
        %dma_wait3A_287 = tpu.memref_squeeze %dma_wait3A_286 : memref<1x128x64xf32, #tpu.memory_space<vmem>> -> memref<128x64xf32, #tpu.memory_space<vmem>>
        %dma_wait3A_288 = arith.constant 0 : i32
        %dma_wait3A_289 = tpu.memref_slice %arg7[%sub3A_282, %dma_wait3A_288] : memref<80x128xi32, #tpu.memory_space<vmem>> -> memref<1x128xi32, #tpu.memory_space<vmem>>
        %dma_wait3A_290 = tpu.memref_squeeze %dma_wait3A_289 : memref<1x128xi32, #tpu.memory_space<vmem>> -> memref<128xi32, #tpu.memory_space<vmem>>
        %dma_wait3A_291 = arith.constant 0 : i32
        %dma_wait3A_292 = arith.constant 0 : i32
        %dma_wait3A_293 = tpu.memref_slice %arg10[%dma_wait3A_291, %dma_wait3A_292] : memref<10240x64xf32, #tpu.memory_space<vmem_shared>> -> memref<10240x64xf32, #tpu.memory_space<vmem_shared>>
        tpu.wait_indirect_dma semaphore(%arg15 : memref<!tpu.dma_semaphore, #tpu.memory_space<semaphore_mem>>) src(%dma_wait3A_287 : memref<128x64xf32, #tpu.memory_space<vmem>>) dst(%dma_wait3A_293 : memref<10240x64xf32, #tpu.memory_space<vmem_shared>>)
        %add3A_294 = arith.constant 2 : i32
        %add3A_295 = arith.addi %add3A_212, %add3A_294 : i32
        %dma_start3A_296 = arith.constant 0 : i32
        %dma_start3A_297 = arith.constant 0 : i32
        %dma_start3A_298 = arith.constant 0 : i32
        %dma_start3A_299 = tpu.memref_slice %arg8[%dma_start3A_296, %dma_start3A_297, %dma_start3A_298] : memref<4x128x64xf32, #tpu.memory_space<vmem>> -> memref<1x128x64xf32, #tpu.memory_space<vmem>>
        %dma_start3A_300 = tpu.memref_squeeze %dma_start3A_299 : memref<1x128x64xf32, #tpu.memory_space<vmem>> -> memref<128x64xf32, #tpu.memory_space<vmem>>
        %dma_start3A_301 = arith.constant 0 : i32
        %dma_start3A_302 = tpu.memref_slice %arg6[%add3A_295, %dma_start3A_301] : memref<80x128xi32, #tpu.memory_space<vmem>> -> memref<1x128xi32, #tpu.memory_space<vmem>>
        %dma_start3A_303 = tpu.memref_squeeze %dma_start3A_302 : memref<1x128xi32, #tpu.memory_space<vmem>> -> memref<128xi32, #tpu.memory_space<vmem>>
        %dma_start3A_304 = arith.constant 0 : i32
        %dma_start3A_305 = arith.constant 0 : i32
        %dma_start3A_306 = tpu.memref_slice %arg4[%dma_start3A_304, %dma_start3A_305] : memref<10240x64xf32, #tpu.memory_space<hbm>> -> memref<10240x64xf32, #tpu.memory_space<hbm>>
        tpu.enqueue_indirect_dma source(%dma_start3A_306 : memref<10240x64xf32, #tpu.memory_space<hbm>>) target(%dma_start3A_300 : memref<128x64xf32, #tpu.memory_space<vmem>>) offsets(%dma_start3A_303 : memref<128xi32, #tpu.memory_space<vmem>>) semaphore(%arg11 : memref<!tpu.dma_semaphore, #tpu.memory_space<semaphore_mem>>)
      } else {
      }
      %mul3A_245 = arith.constant 4 : i32
      %mul3A_246 = arith.muli %scan3A_140, %mul3A_245 : i32
      %add3A_247 = arith.constant 3 : i32
      %add3A_248 = arith.addi %mul3A_246, %add3A_247 : i32
      %dma_wait3A_249 = arith.constant 3 : i32
      %dma_wait3A_250 = arith.constant 0 : i32
      %dma_wait3A_251 = arith.constant 0 : i32
      %dma_wait3A_252 = tpu.memref_slice %arg8[%dma_wait3A_249, %dma_wait3A_250, %dma_wait3A_251] : memref<4x128x64xf32, #tpu.memory_space<vmem>> -> memref<1x128x64xf32, #tpu.memory_space<vmem>>
      %dma_wait3A_253 = tpu.memref_squeeze %dma_wait3A_252 : memref<1x128x64xf32, #tpu.memory_space<vmem>> -> memref<128x64xf32, #tpu.memory_space<vmem>>
      %dma_wait3A_254 = arith.constant 0 : i32
      %dma_wait3A_255 = tpu.memref_slice %arg6[%add3A_248, %dma_wait3A_254] : memref<80x128xi32, #tpu.memory_space<vmem>> -> memref<1x128xi32, #tpu.memory_space<vmem>>
      %dma_wait3A_256 = tpu.memref_squeeze %dma_wait3A_255 : memref<1x128xi32, #tpu.memory_space<vmem>> -> memref<128xi32, #tpu.memory_space<vmem>>
      %dma_wait3A_257 = arith.constant 0 : i32
      %dma_wait3A_258 = arith.constant 0 : i32
      %dma_wait3A_259 = tpu.memref_slice %arg4[%dma_wait3A_257, %dma_wait3A_258] : memref<10240x64xf32, #tpu.memory_space<hbm>> -> memref<10240x64xf32, #tpu.memory_space<hbm>>
      tpu.wait_indirect_dma semaphore(%arg14 : memref<!tpu.dma_semaphore, #tpu.memory_space<semaphore_mem>>) src(%dma_wait3A_259 : memref<10240x64xf32, #tpu.memory_space<hbm>>) dst(%dma_wait3A_253 : memref<128x64xf32, #tpu.memory_space<vmem>>)
      %dma_start3A_260 = arith.constant 3 : i32
      %dma_start3A_261 = arith.constant 0 : i32
      %dma_start3A_262 = arith.constant 0 : i32
      %dma_start3A_263 = tpu.memref_slice %arg8[%dma_start3A_260, %dma_start3A_261, %dma_start3A_262] : memref<4x128x64xf32, #tpu.memory_space<vmem>> -> memref<1x128x64xf32, #tpu.memory_space<vmem>>
      %dma_start3A_264 = tpu.memref_squeeze %dma_start3A_263 : memref<1x128x64xf32, #tpu.memory_space<vmem>> -> memref<128x64xf32, #tpu.memory_space<vmem>>
      %dma_start3A_265 = arith.constant 0 : i32
      %dma_start3A_266 = tpu.memref_slice %arg7[%add3A_248, %dma_start3A_265] : memref<80x128xi32, #tpu.memory_space<vmem>> -> memref<1x128xi32, #tpu.memory_space<vmem>>
      %dma_start3A_267 = tpu.memref_squeeze %dma_start3A_266 : memref<1x128xi32, #tpu.memory_space<vmem>> -> memref<128xi32, #tpu.memory_space<vmem>>
      %dma_start3A_268 = arith.constant 0 : i32
      %dma_start3A_269 = arith.constant 0 : i32
      %dma_start3A_270 = tpu.memref_slice %arg10[%dma_start3A_268, %dma_start3A_269] : memref<10240x64xf32, #tpu.memory_space<vmem_shared>> -> memref<10240x64xf32, #tpu.memory_space<vmem_shared>>
      tpu.enqueue_indirect_dma source(%dma_start3A_264 : memref<128x64xf32, #tpu.memory_space<vmem>>) target(%dma_start3A_270 : memref<10240x64xf32, #tpu.memory_space<vmem_shared>>) offsets(%dma_start3A_267 : memref<128xi32, #tpu.memory_space<vmem>>) semaphore(%arg18 : memref<!tpu.dma_semaphore, #tpu.memory_space<semaphore_mem>>) {add = true}
      %ge3A_271 = arith.constant 2 : i32
      %ge3A_272 = arith.cmpi sge, %add3A_248, %ge3A_271 : i32
      %add3A_273 = arith.constant 2 : i32
      %add3A_274 = arith.addi %add3A_248, %add3A_273 : i32
      %lt3A_275 = arith.constant 80 : i32
      %lt3A_276 = arith.cmpi slt, %add3A_274, %lt3A_275 : i32
      %and3A_277 = arith.andi %ge3A_272, %lt3A_276 : i1
      %convert_element_type3A_278 = arith.extui %and3A_277 : i1 to i32
      %cond3A_279 = arith.constant 0 : i32
      %cond3A_280 = arith.cmpi ne, %convert_element_type3A_278, %cond3A_279 : i32
      scf.if %cond3A_280 {
        %sub3A = arith.constant 2 : i32
        %sub3A_282 = arith.subi %add3A_248, %sub3A : i32
        %dma_wait3A_283 = arith.constant 1 : i32
        %dma_wait3A_284 = arith.constant 0 : i32
        %dma_wait3A_285 = arith.constant 0 : i32
        %dma_wait3A_286 = tpu.memref_slice %arg8[%dma_wait3A_283, %dma_wait3A_284, %dma_wait3A_285] : memref<4x128x64xf32, #tpu.memory_space<vmem>> -> memref<1x128x64xf32, #tpu.memory_space<vmem>>
        %dma_wait3A_287 = tpu.memref_squeeze %dma_wait3A_286 : memref<1x128x64xf32, #tpu.memory_space<vmem>> -> memref<128x64xf32, #tpu.memory_space<vmem>>
        %dma_wait3A_288 = arith.constant 0 : i32
        %dma_wait3A_289 = tpu.memref_slice %arg7[%sub3A_282, %dma_wait3A_288] : memref<80x128xi32, #tpu.memory_space<vmem>> -> memref<1x128xi32, #tpu.memory_space<vmem>>
        %dma_wait3A_290 = tpu.memref_squeeze %dma_wait3A_289 : memref<1x128xi32, #tpu.memory_space<vmem>> -> memref<128xi32, #tpu.memory_space<vmem>>
        %dma_wait3A_291 = arith.constant 0 : i32
        %dma_wait3A_292 = arith.constant 0 : i32
        %dma_wait3A_293 = tpu.memref_slice %arg10[%dma_wait3A_291, %dma_wait3A_292] : memref<10240x64xf32, #tpu.memory_space<vmem_shared>> -> memref<10240x64xf32, #tpu.memory_space<vmem_shared>>
        tpu.wait_indirect_dma semaphore(%arg16 : memref<!tpu.dma_semaphore, #tpu.memory_space<semaphore_mem>>) src(%dma_wait3A_287 : memref<128x64xf32, #tpu.memory_space<vmem>>) dst(%dma_wait3A_293 : memref<10240x64xf32, #tpu.memory_space<vmem_shared>>)
        %add3A_294 = arith.constant 2 : i32
        %add3A_295 = arith.addi %add3A_248, %add3A_294 : i32
        %dma_start3A_296 = arith.constant 1 : i32
        %dma_start3A_297 = arith.constant 0 : i32
        %dma_start3A_298 = arith.constant 0 : i32
        %dma_start3A_299 = tpu.memref_slice %arg8[%dma_start3A_296, %dma_start3A_297, %dma_start3A_298] : memref<4x128x64xf32, #tpu.memory_space<vmem>> -> memref<1x128x64xf32, #tpu.memory_space<vmem>>
        %dma_start3A_300 = tpu.memref_squeeze %dma_start3A_299 : memref<1x128x64xf32, #tpu.memory_space<vmem>> -> memref<128x64xf32, #tpu.memory_space<vmem>>
        %dma_start3A_301 = arith.constant 0 : i32
        %dma_start3A_302 = tpu.memref_slice %arg6[%add3A_295, %dma_start3A_301] : memref<80x128xi32, #tpu.memory_space<vmem>> -> memref<1x128xi32, #tpu.memory_space<vmem>>
        %dma_start3A_303 = tpu.memref_squeeze %dma_start3A_302 : memref<1x128xi32, #tpu.memory_space<vmem>> -> memref<128xi32, #tpu.memory_space<vmem>>
        %dma_start3A_304 = arith.constant 0 : i32
        %dma_start3A_305 = arith.constant 0 : i32
        %dma_start3A_306 = tpu.memref_slice %arg4[%dma_start3A_304, %dma_start3A_305] : memref<10240x64xf32, #tpu.memory_space<hbm>> -> memref<10240x64xf32, #tpu.memory_space<hbm>>
        tpu.enqueue_indirect_dma source(%dma_start3A_306 : memref<10240x64xf32, #tpu.memory_space<hbm>>) target(%dma_start3A_300 : memref<128x64xf32, #tpu.memory_space<vmem>>) offsets(%dma_start3A_303 : memref<128xi32, #tpu.memory_space<vmem>>) semaphore(%arg12 : memref<!tpu.dma_semaphore, #tpu.memory_space<semaphore_mem>>)
      } else {
      }
      %scan3A_281 = arith.constant 0 : i32
      scf.yield %scan3A_281 : i32
    }
    %scan3A_87 = arith.constant 20 : i32
    %dma_wait3A = arith.constant 0 : i32
    %dma_wait3A_88 = arith.constant 76 : i32
    %dma_wait3A_89 = arith.constant 0 : i32
    %dma_wait3A_90 = arith.constant 0 : i32
    %dma_wait3A_91 = tpu.memref_slice %arg8[%dma_wait3A, %dma_wait3A_89, %dma_wait3A_90] : memref<4x128x64xf32, #tpu.memory_space<vmem>> -> memref<1x128x64xf32, #tpu.memory_space<vmem>>
    %dma_wait3A_92 = tpu.memref_squeeze %dma_wait3A_91 : memref<1x128x64xf32, #tpu.memory_space<vmem>> -> memref<128x64xf32, #tpu.memory_space<vmem>>
    %dma_wait3A_93 = arith.constant 0 : i32
    %dma_wait3A_94 = tpu.memref_slice %arg7[%dma_wait3A_88, %dma_wait3A_93] : memref<80x128xi32, #tpu.memory_space<vmem>> -> memref<1x128xi32, #tpu.memory_space<vmem>>
    %dma_wait3A_95 = tpu.memref_squeeze %dma_wait3A_94 : memref<1x128xi32, #tpu.memory_space<vmem>> -> memref<128xi32, #tpu.memory_space<vmem>>
    %dma_wait3A_96 = arith.constant 0 : i32
    %dma_wait3A_97 = arith.constant 0 : i32
    %dma_wait3A_98 = tpu.memref_slice %arg10[%dma_wait3A_96, %dma_wait3A_97] : memref<10240x64xf32, #tpu.memory_space<vmem_shared>> -> memref<10240x64xf32, #tpu.memory_space<vmem_shared>>
    tpu.wait_indirect_dma semaphore(%arg15 : memref<!tpu.dma_semaphore, #tpu.memory_space<semaphore_mem>>) src(%dma_wait3A_92 : memref<128x64xf32, #tpu.memory_space<vmem>>) dst(%dma_wait3A_98 : memref<10240x64xf32, #tpu.memory_space<vmem_shared>>)
    %dma_wait3A_99 = arith.constant 1 : i32
    %dma_wait3A_100 = arith.constant 77 : i32
    %dma_wait3A_101 = arith.constant 0 : i32
    %dma_wait3A_102 = arith.constant 0 : i32
    %dma_wait3A_103 = tpu.memref_slice %arg8[%dma_wait3A_99, %dma_wait3A_101, %dma_wait3A_102] : memref<4x128x64xf32, #tpu.memory_space<vmem>> -> memref<1x128x64xf32, #tpu.memory_space<vmem>>
    %dma_wait3A_104 = tpu.memref_squeeze %dma_wait3A_103 : memref<1x128x64xf32, #tpu.memory_space<vmem>> -> memref<128x64xf32, #tpu.memory_space<vmem>>
    %dma_wait3A_105 = arith.constant 0 : i32
    %dma_wait3A_106 = tpu.memref_slice %arg7[%dma_wait3A_100, %dma_wait3A_105] : memref<80x128xi32, #tpu.memory_space<vmem>> -> memref<1x128xi32, #tpu.memory_space<vmem>>
    %dma_wait3A_107 = tpu.memref_squeeze %dma_wait3A_106 : memref<1x128xi32, #tpu.memory_space<vmem>> -> memref<128xi32, #tpu.memory_space<vmem>>
    %dma_wait3A_108 = arith.constant 0 : i32
    %dma_wait3A_109 = arith.constant 0 : i32
    %dma_wait3A_110 = tpu.memref_slice %arg10[%dma_wait3A_108, %dma_wait3A_109] : memref<10240x64xf32, #tpu.memory_space<vmem_shared>> -> memref<10240x64xf32, #tpu.memory_space<vmem_shared>>
    tpu.wait_indirect_dma semaphore(%arg16 : memref<!tpu.dma_semaphore, #tpu.memory_space<semaphore_mem>>) src(%dma_wait3A_104 : memref<128x64xf32, #tpu.memory_space<vmem>>) dst(%dma_wait3A_110 : memref<10240x64xf32, #tpu.memory_space<vmem_shared>>)
    %dma_wait3A_111 = arith.constant 2 : i32
    %dma_wait3A_112 = arith.constant 78 : i32
    %dma_wait3A_113 = arith.constant 0 : i32
    %dma_wait3A_114 = arith.constant 0 : i32
    %dma_wait3A_115 = tpu.memref_slice %arg8[%dma_wait3A_111, %dma_wait3A_113, %dma_wait3A_114] : memref<4x128x64xf32, #tpu.memory_space<vmem>> -> memref<1x128x64xf32, #tpu.memory_space<vmem>>
    %dma_wait3A_116 = tpu.memref_squeeze %dma_wait3A_115 : memref<1x128x64xf32, #tpu.memory_space<vmem>> -> memref<128x64xf32, #tpu.memory_space<vmem>>
    %dma_wait3A_117 = arith.constant 0 : i32
    %dma_wait3A_118 = tpu.memref_slice %arg7[%dma_wait3A_112, %dma_wait3A_117] : memref<80x128xi32, #tpu.memory_space<vmem>> -> memref<1x128xi32, #tpu.memory_space<vmem>>
    %dma_wait3A_119 = tpu.memref_squeeze %dma_wait3A_118 : memref<1x128xi32, #tpu.memory_space<vmem>> -> memref<128xi32, #tpu.memory_space<vmem>>
    %dma_wait3A_120 = arith.constant 0 : i32
    %dma_wait3A_121 = arith.constant 0 : i32
    %dma_wait3A_122 = tpu.memref_slice %arg10[%dma_wait3A_120, %dma_wait3A_121] : memref<10240x64xf32, #tpu.memory_space<vmem_shared>> -> memref<10240x64xf32, #tpu.memory_space<vmem_shared>>
    tpu.wait_indirect_dma semaphore(%arg17 : memref<!tpu.dma_semaphore, #tpu.memory_space<semaphore_mem>>) src(%dma_wait3A_116 : memref<128x64xf32, #tpu.memory_space<vmem>>) dst(%dma_wait3A_122 : memref<10240x64xf32, #tpu.memory_space<vmem_shared>>)
    %dma_wait3A_123 = arith.constant 3 : i32
    %dma_wait3A_124 = arith.constant 79 : i32
    %dma_wait3A_125 = arith.constant 0 : i32
    %dma_wait3A_126 = arith.constant 0 : i32
    %dma_wait3A_127 = tpu.memref_slice %arg8[%dma_wait3A_123, %dma_wait3A_125, %dma_wait3A_126] : memref<4x128x64xf32, #tpu.memory_space<vmem>> -> memref<1x128x64xf32, #tpu.memory_space<vmem>>
    %dma_wait3A_128 = tpu.memref_squeeze %dma_wait3A_127 : memref<1x128x64xf32, #tpu.memory_space<vmem>> -> memref<128x64xf32, #tpu.memory_space<vmem>>
    %dma_wait3A_129 = arith.constant 0 : i32
    %dma_wait3A_130 = tpu.memref_slice %arg7[%dma_wait3A_124, %dma_wait3A_129] : memref<80x128xi32, #tpu.memory_space<vmem>> -> memref<1x128xi32, #tpu.memory_space<vmem>>
    %dma_wait3A_131 = tpu.memref_squeeze %dma_wait3A_130 : memref<1x128xi32, #tpu.memory_space<vmem>> -> memref<128xi32, #tpu.memory_space<vmem>>
    %dma_wait3A_132 = arith.constant 0 : i32
    %dma_wait3A_133 = arith.constant 0 : i32
    %dma_wait3A_134 = tpu.memref_slice %arg10[%dma_wait3A_132, %dma_wait3A_133] : memref<10240x64xf32, #tpu.memory_space<vmem_shared>> -> memref<10240x64xf32, #tpu.memory_space<vmem_shared>>
    tpu.wait_indirect_dma semaphore(%arg18 : memref<!tpu.dma_semaphore, #tpu.memory_space<semaphore_mem>>) src(%dma_wait3A_128 : memref<128x64xf32, #tpu.memory_space<vmem>>) dst(%dma_wait3A_134 : memref<10240x64xf32, #tpu.memory_space<vmem_shared>>)
    %barrier3A_135 = arith.constant 0 : index
    tpu.barrier barrier_id(%barrier3A_135)
    %mul3A_136 = arith.constant 640 : i32
    %mul3A_137 = arith.muli %arg1, %mul3A_136 : i32
    %mul3A_138 = arith.constant 640 : i32
    %mul3A_139 = arith.muli %arg1, %mul3A_138 : i32
    "tpu.region"() ({
      %run_scoped3A = tpu.sem_alloc : memref<!tpu.dma_semaphore, #tpu.memory_space<semaphore_mem>>
      %dma_start3A_140 = arith.constant 0 : i32
      %dma_start3A_141 = tpu.memref_slice %arg5[%arg0, %mul3A_139, %dma_start3A_140] : memref<2x10240x64xf32, #tpu.memory_space<hbm>> -> memref<1x640x64xf32, #tpu.memory_space<hbm>>
      %dma_start3A_142 = tpu.memref_squeeze %dma_start3A_141 : memref<1x640x64xf32, #tpu.memory_space<hbm>> -> memref<640x64xf32, #tpu.memory_space<hbm>>
      %dma_start3A_143 = arith.constant 0 : i32
      %dma_start3A_144 = tpu.memref_slice %arg10[%mul3A_137, %dma_start3A_143] : memref<10240x64xf32, #tpu.memory_space<vmem_shared>> -> memref<640x64xf32, #tpu.memory_space<vmem_shared>>
      tpu.enqueue_dma source(%dma_start3A_144 : memref<640x64xf32, #tpu.memory_space<vmem_shared>>) target(%dma_start3A_142 : memref<640x64xf32, #tpu.memory_space<hbm>>) target_semaphore(%run_scoped3A : memref<!tpu.dma_semaphore, #tpu.memory_space<semaphore_mem>>)
      %dma_wait3A_145 = arith.constant 0 : i32
      %dma_wait3A_146 = tpu.memref_slice %arg5[%arg0, %mul3A_139, %dma_wait3A_145] : memref<2x10240x64xf32, #tpu.memory_space<hbm>> -> memref<1x640x64xf32, #tpu.memory_space<hbm>>
      %dma_wait3A_147 = tpu.memref_squeeze %dma_wait3A_146 : memref<1x640x64xf32, #tpu.memory_space<hbm>> -> memref<640x64xf32, #tpu.memory_space<hbm>>
      %dma_wait3A_148 = arith.constant 0 : i32
      %dma_wait3A_149 = tpu.memref_slice %arg10[%mul3A_137, %dma_wait3A_148] : memref<10240x64xf32, #tpu.memory_space<vmem_shared>> -> memref<640x64xf32, #tpu.memory_space<vmem_shared>>
      tpu.wait_dma2 semaphore(%run_scoped3A : memref<!tpu.dma_semaphore, #tpu.memory_space<semaphore_mem>>) src(%dma_wait3A_149 : memref<640x64xf32, #tpu.memory_space<vmem_shared>>) dst(%dma_wait3A_147 : memref<640x64xf32, #tpu.memory_space<hbm>>)
      tpu.yield
    }) : () -> ()
    return
  }
}

#map = affine_map<(d0, d1) -> (0, 0)>
#map1 = affine_map<(d0, d1) -> (0)>
module attributes {stable_mosaic.version = 14 : i64} {
  func.func @k(%arg0: i32, %arg1: i32, %arg2: memref<32x10240xi32, #tpu.memory_space<hbm>>, %arg3: memref<32x10240xi32, #tpu.memory_space<hbm>>, %arg4: memref<10240xf32, #tpu.memory_space<hbm>>, %arg5: memref<2x10240xf32, #tpu.memory_space<hbm>>, %arg6: memref<10240xi32, #tpu.memory_space<vmem>>, %arg7: memref<10240xi32, #tpu.memory_space<vmem>>, %arg8: memref<10240xf32, #tpu.memory_space<vmem>>, %arg9: memref<640xf32, #tpu.memory_space<vmem>>, %arg10: memref<10240xf32, #tpu.memory_space<vmem_shared>>, %arg11: memref<!tpu.dma_semaphore, #tpu.memory_space<semaphore_mem>>) attributes {dimension_semantics = [#tpu.dimension_semantics<core_parallel>, #tpu.dimension_semantics<subcore_parallel>], iteration_bounds = array<i64: 2, 16>, scalar_prefetch = 0 : i64, scratch_operands = 6 : i64, tpu.core_type = #tpu.core_type<sc_vector_subcore>, window_params = [{transform_indices = #map}, {transform_indices = #map}, {transform_indices = #map1}, {transform_indices = #map}]} {
    %mul3A = arith.constant 16 : i32
    %mul3A_0 = arith.muli %arg0, %mul3A : i32
    %add3A = arith.addi %mul3A_0, %arg1 : i32
    "tpu.region"() ({
      %run_scoped3A = tpu.sem_alloc : memref<!tpu.dma_semaphore, #tpu.memory_space<semaphore_mem>>
      %dma_start3A = arith.constant 0 : i32
      %dma_start3A_21 = tpu.memref_slice %arg2[%add3A, %dma_start3A] : memref<32x10240xi32, #tpu.memory_space<hbm>> -> memref<1x10240xi32, #tpu.memory_space<hbm>>
      %dma_start3A_22 = tpu.memref_squeeze %dma_start3A_21 : memref<1x10240xi32, #tpu.memory_space<hbm>> -> memref<10240xi32, #tpu.memory_space<hbm>>
      %dma_start3A_23 = arith.constant 0 : i32
      %dma_start3A_24 = tpu.memref_slice %arg2[%add3A, %dma_start3A_23] : memref<32x10240xi32, #tpu.memory_space<hbm>> -> memref<1x10240xi32, #tpu.memory_space<hbm>>
      %dma_start3A_25 = tpu.memref_squeeze %dma_start3A_24 : memref<1x10240xi32, #tpu.memory_space<hbm>> -> memref<10240xi32, #tpu.memory_space<hbm>>
      tpu.enqueue_dma source(%dma_start3A_25 : memref<10240xi32, #tpu.memory_space<hbm>>) target(%arg6 : memref<10240xi32, #tpu.memory_space<vmem>>) target_semaphore(%run_scoped3A : memref<!tpu.dma_semaphore, #tpu.memory_space<semaphore_mem>>)
      %dma_wait3A = arith.constant 0 : i32
      %dma_wait3A_26 = tpu.memref_slice %arg2[%add3A, %dma_wait3A] : memref<32x10240xi32, #tpu.memory_space<hbm>> -> memref<1x10240xi32, #tpu.memory_space<hbm>>
      %dma_wait3A_27 = tpu.memref_squeeze %dma_wait3A_26 : memref<1x10240xi32, #tpu.memory_space<hbm>> -> memref<10240xi32, #tpu.memory_space<hbm>>
      %dma_wait3A_28 = arith.constant 0 : i32
      %dma_wait3A_29 = tpu.memref_slice %arg2[%add3A, %dma_wait3A_28] : memref<32x10240xi32, #tpu.memory_space<hbm>> -> memref<1x10240xi32, #tpu.memory_space<hbm>>
      %dma_wait3A_30 = tpu.memref_squeeze %dma_wait3A_29 : memref<1x10240xi32, #tpu.memory_space<hbm>> -> memref<10240xi32, #tpu.memory_space<hbm>>
      tpu.wait_dma2 semaphore(%run_scoped3A : memref<!tpu.dma_semaphore, #tpu.memory_space<semaphore_mem>>) src(%dma_wait3A_30 : memref<10240xi32, #tpu.memory_space<hbm>>) dst(%arg6 : memref<10240xi32, #tpu.memory_space<vmem>>)
      tpu.yield
    }) : () -> ()
    "tpu.region"() ({
      %run_scoped3A = tpu.sem_alloc : memref<!tpu.dma_semaphore, #tpu.memory_space<semaphore_mem>>
      %dma_start3A = arith.constant 0 : i32
      %dma_start3A_21 = tpu.memref_slice %arg3[%add3A, %dma_start3A] : memref<32x10240xi32, #tpu.memory_space<hbm>> -> memref<1x10240xi32, #tpu.memory_space<hbm>>
      %dma_start3A_22 = tpu.memref_squeeze %dma_start3A_21 : memref<1x10240xi32, #tpu.memory_space<hbm>> -> memref<10240xi32, #tpu.memory_space<hbm>>
      %dma_start3A_23 = arith.constant 0 : i32
      %dma_start3A_24 = tpu.memref_slice %arg3[%add3A, %dma_start3A_23] : memref<32x10240xi32, #tpu.memory_space<hbm>> -> memref<1x10240xi32, #tpu.memory_space<hbm>>
      %dma_start3A_25 = tpu.memref_squeeze %dma_start3A_24 : memref<1x10240xi32, #tpu.memory_space<hbm>> -> memref<10240xi32, #tpu.memory_space<hbm>>
      tpu.enqueue_dma source(%dma_start3A_25 : memref<10240xi32, #tpu.memory_space<hbm>>) target(%arg7 : memref<10240xi32, #tpu.memory_space<vmem>>) target_semaphore(%run_scoped3A : memref<!tpu.dma_semaphore, #tpu.memory_space<semaphore_mem>>)
      %dma_wait3A = arith.constant 0 : i32
      %dma_wait3A_26 = tpu.memref_slice %arg3[%add3A, %dma_wait3A] : memref<32x10240xi32, #tpu.memory_space<hbm>> -> memref<1x10240xi32, #tpu.memory_space<hbm>>
      %dma_wait3A_27 = tpu.memref_squeeze %dma_wait3A_26 : memref<1x10240xi32, #tpu.memory_space<hbm>> -> memref<10240xi32, #tpu.memory_space<hbm>>
      %dma_wait3A_28 = arith.constant 0 : i32
      %dma_wait3A_29 = tpu.memref_slice %arg3[%add3A, %dma_wait3A_28] : memref<32x10240xi32, #tpu.memory_space<hbm>> -> memref<1x10240xi32, #tpu.memory_space<hbm>>
      %dma_wait3A_30 = tpu.memref_squeeze %dma_wait3A_29 : memref<1x10240xi32, #tpu.memory_space<hbm>> -> memref<10240xi32, #tpu.memory_space<hbm>>
      tpu.wait_dma2 semaphore(%run_scoped3A : memref<!tpu.dma_semaphore, #tpu.memory_space<semaphore_mem>>) src(%dma_wait3A_30 : memref<10240xi32, #tpu.memory_space<hbm>>) dst(%arg7 : memref<10240xi32, #tpu.memory_space<vmem>>)
      tpu.yield
    }) : () -> ()
    %scan3A = arith.constant 0 : i32
    %scan3A_1 = arith.constant 0 : i32
    %scan3A_2 = arith.constant 40 : i32
    %scan3A_3 = arith.addi %scan3A_1, %scan3A_2 : i32
    %scan3A_4 = arith.constant 1 : i32
    %scan3A_5 = scf.for %scan3A_21 = %scan3A_1 to %scan3A_3 step %scan3A_4 iter_args(%scan3A_22 = %scan3A) -> (i32)  : i32 {
      %broadcast_in_dim3A = arith.constant 0.000000e+00 : f32
      %broadcast_in_dim3A_23 = vector.broadcast %broadcast_in_dim3A : f32 to vector<16xf32>
      %mul3A_24 = arith.constant 16 : i32
      %mul3A_25 = arith.muli %scan3A_21, %mul3A_24 : i32
      %swap3A = arith.index_cast %mul3A_25 : i32 to index
      %swap3A_26 = tpu.vector_load %arg9[%swap3A] {strides = array<i32>} : memref<640xf32, #tpu.memory_space<vmem>>, vector<16xf32>,
      %swap3A_27 = vector.shape_cast %swap3A_26 : vector<16xf32> to vector<16xf32>
      %swap3A_28 = vector.shape_cast %broadcast_in_dim3A_23 : vector<16xf32> to vector<16xf32>
      tpu.vector_store %arg9[%swap3A], %swap3A_28 {strides = array<i32>} : memref<640xf32, #tpu.memory_space<vmem>>, vector<16xf32>,
      %scan3A_29 = arith.constant 0 : i32
      scf.yield %scan3A_29 : i32
    }
    %scan3A_6 = arith.constant 40 : i32
    %mul3A_7 = arith.constant 640 : i32
    %mul3A_8 = arith.muli %arg1, %mul3A_7 : i32
    "tpu.region"() ({
      %run_scoped3A = tpu.sem_alloc : memref<!tpu.dma_semaphore, #tpu.memory_space<semaphore_mem>>
      %dma_start3A = tpu.memref_slice %arg10[%mul3A_8] : memref<10240xf32, #tpu.memory_space<vmem_shared>> -> memref<640xf32, #tpu.memory_space<vmem_shared>>
      %dma_start3A_21 = tpu.memref_slice %arg10[%mul3A_8] : memref<10240xf32, #tpu.memory_space<vmem_shared>> -> memref<640xf32, #tpu.memory_space<vmem_shared>>
      tpu.enqueue_dma source(%arg9 : memref<640xf32, #tpu.memory_space<vmem>>) target(%dma_start3A_21 : memref<640xf32, #tpu.memory_space<vmem_shared>>) target_semaphore(%run_scoped3A : memref<!tpu.dma_semaphore, #tpu.memory_space<semaphore_mem>>)
      %dma_wait3A = tpu.memref_slice %arg10[%mul3A_8] : memref<10240xf32, #tpu.memory_space<vmem_shared>> -> memref<640xf32, #tpu.memory_space<vmem_shared>>
      %dma_wait3A_22 = tpu.memref_slice %arg10[%mul3A_8] : memref<10240xf32, #tpu.memory_space<vmem_shared>> -> memref<640xf32, #tpu.memory_space<vmem_shared>>
      tpu.wait_dma2 semaphore(%run_scoped3A : memref<!tpu.dma_semaphore, #tpu.memory_space<semaphore_mem>>) src(%arg9 : memref<640xf32, #tpu.memory_space<vmem>>) dst(%dma_wait3A_22 : memref<640xf32, #tpu.memory_space<vmem_shared>>)
      tpu.yield
    }) : () -> ()
    %scan3A_9 = arith.constant 0 : i32
    %scan3A_10 = arith.constant 0 : i32
    %scan3A_11 = arith.constant 640 : i32
    %scan3A_12 = arith.addi %scan3A_10, %scan3A_11 : i32
    %scan3A_13 = arith.constant 1 : i32
    %scan3A_14 = scf.for %scan3A_21 = %scan3A_10 to %scan3A_12 step %scan3A_13 iter_args(%scan3A_22 = %scan3A_9) -> (i32)  : i32 {
      %mul3A_23 = arith.constant 16 : i32
      %mul3A_24 = arith.muli %scan3A_21, %mul3A_23 : i32
      %get3A = arith.index_cast %mul3A_24 : i32 to index
      %get3A_25 = tpu.vector_load %arg6[%get3A] {strides = array<i32>} : memref<10240xi32, #tpu.memory_space<vmem>>, vector<16xi32>,
      %get3A_26 = vector.shape_cast %get3A_25 : vector<16xi32> to vector<16xi32>
      %mul3A_27 = arith.constant 16 : i32
      %mul3A_28 = arith.muli %scan3A_21, %mul3A_27 : i32
      %get3A_29 = arith.index_cast %mul3A_28 : i32 to index
      %get3A_30 = tpu.vector_load %arg7[%get3A_29] {strides = array<i32>} : memref<10240xi32, #tpu.memory_space<vmem>>, vector<16xi32>,
      %get3A_31 = vector.shape_cast %get3A_30 : vector<16xi32> to vector<16xi32>
      %eq3A = arith.cmpi eq, %get3A_26, %get3A_31 : vector<16xi32>
      %jit3A = arith.constant 10016 : i32
      %broadcast_in_dim3A = vector.broadcast %jit3A : i32 to vector<16xi32>
      %select_n3A = arith.select %eq3A, %broadcast_in_dim3A, %get3A_31 : vector<16xi1>, vector<16xi32>
      %mul3A_32 = arith.constant 16 : i32
      %mul3A_33 = arith.muli %scan3A_21, %mul3A_32 : i32
      %swap3A = arith.index_cast %mul3A_33 : i32 to index
      %swap3A_34 = tpu.vector_load %arg7[%swap3A] {strides = array<i32>} : memref<10240xi32, #tpu.memory_space<vmem>>, vector<16xi32>,
      %swap3A_35 = vector.shape_cast %swap3A_34 : vector<16xi32> to vector<16xi32>
      %swap3A_36 = vector.shape_cast %select_n3A : vector<16xi32> to vector<16xi32>
      tpu.vector_store %arg7[%swap3A], %swap3A_36 {strides = array<i32>} : memref<10240xi32, #tpu.memory_space<vmem>>, vector<16xi32>,
      %broadcast_in_dim3A_37 = arith.constant 1.000000e+00 : f32
      %broadcast_in_dim3A_38 = vector.broadcast %broadcast_in_dim3A_37 : f32 to vector<16xf32>
      %mul3A_39 = arith.constant 16 : i32
      %mul3A_40 = arith.muli %scan3A_21, %mul3A_39 : i32
      %swap3A_41 = arith.index_cast %mul3A_40 : i32 to index
      %swap3A_42 = tpu.vector_load %arg8[%swap3A_41] {strides = array<i32>} : memref<10240xf32, #tpu.memory_space<vmem>>, vector<16xf32>,
      %swap3A_43 = vector.shape_cast %swap3A_42 : vector<16xf32> to vector<16xf32>
      %swap3A_44 = vector.shape_cast %broadcast_in_dim3A_38 : vector<16xf32> to vector<16xf32>
      tpu.vector_store %arg8[%swap3A_41], %swap3A_44 {strides = array<i32>} : memref<10240xf32, #tpu.memory_space<vmem>>, vector<16xf32>,
      %scan3A_45 = arith.constant 0 : i32
      scf.yield %scan3A_45 : i32
    }
    %scan3A_15 = arith.constant 640 : i32
    %barrier3A = arith.constant 0 : index
    tpu.barrier barrier_id(%barrier3A)
    "tpu.region"() ({
      %run_scoped3A = tpu.sem_alloc : memref<!tpu.dma_semaphore, #tpu.memory_space<semaphore_mem>>
      %dma_start3A = arith.constant 0 : i32
      %dma_start3A_21 = tpu.memref_slice %arg10[%dma_start3A] : memref<10240xf32, #tpu.memory_space<vmem_shared>> -> memref<10240xf32, #tpu.memory_space<vmem_shared>>
      tpu.enqueue_indirect_dma source(%arg8 : memref<10240xf32, #tpu.memory_space<vmem>>) target(%dma_start3A_21 : memref<10240xf32, #tpu.memory_space<vmem_shared>>) offsets(%arg7 : memref<10240xi32, #tpu.memory_space<vmem>>) semaphore(%run_scoped3A : memref<!tpu.dma_semaphore, #tpu.memory_space<semaphore_mem>>) {add = true}
      %dma_wait3A = arith.constant 0 : i32
      %dma_wait3A_22 = tpu.memref_slice %arg10[%dma_wait3A] : memref<10240xf32, #tpu.memory_space<vmem_shared>> -> memref<10240xf32, #tpu.memory_space<vmem_shared>>
      tpu.wait_indirect_dma semaphore(%run_scoped3A : memref<!tpu.dma_semaphore, #tpu.memory_space<semaphore_mem>>) src(%arg8 : memref<10240xf32, #tpu.memory_space<vmem>>) dst(%dma_wait3A_22 : memref<10240xf32, #tpu.memory_space<vmem_shared>>)
      tpu.yield
    }) : () -> ()
    %barrier3A_16 = arith.constant 0 : index
    tpu.barrier barrier_id(%barrier3A_16)
    %mul3A_17 = arith.constant 640 : i32
    %mul3A_18 = arith.muli %arg1, %mul3A_17 : i32
    %mul3A_19 = arith.constant 640 : i32
    %mul3A_20 = arith.muli %arg1, %mul3A_19 : i32
    "tpu.region"() ({
      %run_scoped3A = tpu.sem_alloc : memref<!tpu.dma_semaphore, #tpu.memory_space<semaphore_mem>>
      %dma_start3A = tpu.memref_slice %arg5[%arg0, %mul3A_20] : memref<2x10240xf32, #tpu.memory_space<hbm>> -> memref<1x640xf32, #tpu.memory_space<hbm>>
      %dma_start3A_21 = tpu.memref_squeeze %dma_start3A : memref<1x640xf32, #tpu.memory_space<hbm>> -> memref<640xf32, #tpu.memory_space<hbm>>
      %dma_start3A_22 = tpu.memref_slice %arg10[%mul3A_18] : memref<10240xf32, #tpu.memory_space<vmem_shared>> -> memref<640xf32, #tpu.memory_space<vmem_shared>>
      tpu.enqueue_dma source(%dma_start3A_22 : memref<640xf32, #tpu.memory_space<vmem_shared>>) target(%dma_start3A_21 : memref<640xf32, #tpu.memory_space<hbm>>) target_semaphore(%run_scoped3A : memref<!tpu.dma_semaphore, #tpu.memory_space<semaphore_mem>>)
      %dma_wait3A = tpu.memref_slice %arg5[%arg0, %mul3A_20] : memref<2x10240xf32, #tpu.memory_space<hbm>> -> memref<1x640xf32, #tpu.memory_space<hbm>>
      %dma_wait3A_23 = tpu.memref_squeeze %dma_wait3A : memref<1x640xf32, #tpu.memory_space<hbm>> -> memref<640xf32, #tpu.memory_space<hbm>>
      %dma_wait3A_24 = tpu.memref_slice %arg10[%mul3A_18] : memref<10240xf32, #tpu.memory_space<vmem_shared>> -> memref<640xf32, #tpu.memory_space<vmem_shared>>
      tpu.wait_dma2 semaphore(%run_scoped3A : memref<!tpu.dma_semaphore, #tpu.memory_space<semaphore_mem>>) src(%dma_wait3A_24 : memref<640xf32, #tpu.memory_space<vmem_shared>>) dst(%dma_wait3A_23 : memref<640xf32, #tpu.memory_space<hbm>>)
      tpu.yield
    }) : () -> ()
    return
  }
}

#map = affine_map<(d0, d1) -> (0, 0)>
#map1 = affine_map<(d0, d1) -> (0)>
module attributes {stable_mosaic.version = 14 : i64} {
  func.func @k(%arg0: i32, %arg1: i32, %arg2: memref<32x10240xi32, #tpu.memory_space<hbm>>, %arg3: memref<32x10240xi32, #tpu.memory_space<hbm>>, %arg4: memref<10240xf32, #tpu.memory_space<hbm>>, %arg5: memref<2x10240xf32, #tpu.memory_space<hbm>>, %arg6: memref<10240xi32, #tpu.memory_space<vmem>>, %arg7: memref<10240xi32, #tpu.memory_space<vmem>>, %arg8: memref<10240xf32, #tpu.memory_space<vmem>>, %arg9: memref<640xf32, #tpu.memory_space<vmem>>, %arg10: memref<10240xf32, #tpu.memory_space<vmem_shared>>, %arg11: memref<!tpu.dma_semaphore, #tpu.memory_space<semaphore_mem>>) attributes {dimension_semantics = [#tpu.dimension_semantics<core_parallel>, #tpu.dimension_semantics<subcore_parallel>], iteration_bounds = array<i64: 2, 16>, scalar_prefetch = 0 : i64, scratch_operands = 6 : i64, tpu.core_type = #tpu.core_type<sc_vector_subcore>, window_params = [{transform_indices = #map}, {transform_indices = #map}, {transform_indices = #map1}, {transform_indices = #map}]} {
    %mul3A = arith.constant 16 : i32
    %mul3A_0 = arith.muli %arg0, %mul3A : i32
    %add3A = arith.addi %mul3A_0, %arg1 : i32
    "tpu.region"() ({
      %run_scoped3A = tpu.sem_alloc : memref<!tpu.dma_semaphore, #tpu.memory_space<semaphore_mem>>
      %dma_start3A_23 = arith.constant 0 : i32
      %dma_start3A_24 = tpu.memref_slice %arg2[%add3A, %dma_start3A_23] : memref<32x10240xi32, #tpu.memory_space<hbm>> -> memref<1x10240xi32, #tpu.memory_space<hbm>>
      %dma_start3A_25 = tpu.memref_squeeze %dma_start3A_24 : memref<1x10240xi32, #tpu.memory_space<hbm>> -> memref<10240xi32, #tpu.memory_space<hbm>>
      %dma_start3A_26 = arith.constant 0 : i32
      %dma_start3A_27 = tpu.memref_slice %arg2[%add3A, %dma_start3A_26] : memref<32x10240xi32, #tpu.memory_space<hbm>> -> memref<1x10240xi32, #tpu.memory_space<hbm>>
      %dma_start3A_28 = tpu.memref_squeeze %dma_start3A_27 : memref<1x10240xi32, #tpu.memory_space<hbm>> -> memref<10240xi32, #tpu.memory_space<hbm>>
      tpu.enqueue_dma source(%dma_start3A_28 : memref<10240xi32, #tpu.memory_space<hbm>>) target(%arg6 : memref<10240xi32, #tpu.memory_space<vmem>>) target_semaphore(%run_scoped3A : memref<!tpu.dma_semaphore, #tpu.memory_space<semaphore_mem>>)
      %dma_wait3A_29 = arith.constant 0 : i32
      %dma_wait3A_30 = tpu.memref_slice %arg2[%add3A, %dma_wait3A_29] : memref<32x10240xi32, #tpu.memory_space<hbm>> -> memref<1x10240xi32, #tpu.memory_space<hbm>>
      %dma_wait3A_31 = tpu.memref_squeeze %dma_wait3A_30 : memref<1x10240xi32, #tpu.memory_space<hbm>> -> memref<10240xi32, #tpu.memory_space<hbm>>
      %dma_wait3A_32 = arith.constant 0 : i32
      %dma_wait3A_33 = tpu.memref_slice %arg2[%add3A, %dma_wait3A_32] : memref<32x10240xi32, #tpu.memory_space<hbm>> -> memref<1x10240xi32, #tpu.memory_space<hbm>>
      %dma_wait3A_34 = tpu.memref_squeeze %dma_wait3A_33 : memref<1x10240xi32, #tpu.memory_space<hbm>> -> memref<10240xi32, #tpu.memory_space<hbm>>
      tpu.wait_dma2 semaphore(%run_scoped3A : memref<!tpu.dma_semaphore, #tpu.memory_space<semaphore_mem>>) src(%dma_wait3A_34 : memref<10240xi32, #tpu.memory_space<hbm>>) dst(%arg6 : memref<10240xi32, #tpu.memory_space<vmem>>)
      tpu.yield
    }) : () -> ()
    "tpu.region"() ({
      %run_scoped3A = tpu.sem_alloc : memref<!tpu.dma_semaphore, #tpu.memory_space<semaphore_mem>>
      %dma_start3A_23 = arith.constant 0 : i32
      %dma_start3A_24 = tpu.memref_slice %arg3[%add3A, %dma_start3A_23] : memref<32x10240xi32, #tpu.memory_space<hbm>> -> memref<1x10240xi32, #tpu.memory_space<hbm>>
      %dma_start3A_25 = tpu.memref_squeeze %dma_start3A_24 : memref<1x10240xi32, #tpu.memory_space<hbm>> -> memref<10240xi32, #tpu.memory_space<hbm>>
      %dma_start3A_26 = arith.constant 0 : i32
      %dma_start3A_27 = tpu.memref_slice %arg3[%add3A, %dma_start3A_26] : memref<32x10240xi32, #tpu.memory_space<hbm>> -> memref<1x10240xi32, #tpu.memory_space<hbm>>
      %dma_start3A_28 = tpu.memref_squeeze %dma_start3A_27 : memref<1x10240xi32, #tpu.memory_space<hbm>> -> memref<10240xi32, #tpu.memory_space<hbm>>
      tpu.enqueue_dma source(%dma_start3A_28 : memref<10240xi32, #tpu.memory_space<hbm>>) target(%arg7 : memref<10240xi32, #tpu.memory_space<vmem>>) target_semaphore(%run_scoped3A : memref<!tpu.dma_semaphore, #tpu.memory_space<semaphore_mem>>)
      %dma_wait3A_29 = arith.constant 0 : i32
      %dma_wait3A_30 = tpu.memref_slice %arg3[%add3A, %dma_wait3A_29] : memref<32x10240xi32, #tpu.memory_space<hbm>> -> memref<1x10240xi32, #tpu.memory_space<hbm>>
      %dma_wait3A_31 = tpu.memref_squeeze %dma_wait3A_30 : memref<1x10240xi32, #tpu.memory_space<hbm>> -> memref<10240xi32, #tpu.memory_space<hbm>>
      %dma_wait3A_32 = arith.constant 0 : i32
      %dma_wait3A_33 = tpu.memref_slice %arg3[%add3A, %dma_wait3A_32] : memref<32x10240xi32, #tpu.memory_space<hbm>> -> memref<1x10240xi32, #tpu.memory_space<hbm>>
      %dma_wait3A_34 = tpu.memref_squeeze %dma_wait3A_33 : memref<1x10240xi32, #tpu.memory_space<hbm>> -> memref<10240xi32, #tpu.memory_space<hbm>>
      tpu.wait_dma2 semaphore(%run_scoped3A : memref<!tpu.dma_semaphore, #tpu.memory_space<semaphore_mem>>) src(%dma_wait3A_34 : memref<10240xi32, #tpu.memory_space<hbm>>) dst(%arg7 : memref<10240xi32, #tpu.memory_space<vmem>>)
      tpu.yield
    }) : () -> ()
    %dma_start3A = arith.constant 0 : i32
    %dma_start3A_1 = tpu.memref_slice %arg4[%dma_start3A] : memref<10240xf32, #tpu.memory_space<hbm>> -> memref<10240xf32, #tpu.memory_space<hbm>>
    tpu.enqueue_indirect_dma source(%dma_start3A_1 : memref<10240xf32, #tpu.memory_space<hbm>>) target(%arg8 : memref<10240xf32, #tpu.memory_space<vmem>>) offsets(%arg6 : memref<10240xi32, #tpu.memory_space<vmem>>) semaphore(%arg11 : memref<!tpu.dma_semaphore, #tpu.memory_space<semaphore_mem>>)
    %scan3A = arith.constant 0 : i32
    %scan3A_2 = arith.constant 0 : i32
    %scan3A_3 = arith.constant 40 : i32
    %scan3A_4 = arith.addi %scan3A_2, %scan3A_3 : i32
    %scan3A_5 = arith.constant 1 : i32
    %scan3A_6 = scf.for %scan3A_23 = %scan3A_2 to %scan3A_4 step %scan3A_5 iter_args(%scan3A_24 = %scan3A) -> (i32)  : i32 {
      %broadcast_in_dim3A = arith.constant 0.000000e+00 : f32
      %broadcast_in_dim3A_25 = vector.broadcast %broadcast_in_dim3A : f32 to vector<16xf32>
      %mul3A_26 = arith.constant 16 : i32
      %mul3A_27 = arith.muli %scan3A_23, %mul3A_26 : i32
      %swap3A = arith.index_cast %mul3A_27 : i32 to index
      %swap3A_28 = tpu.vector_load %arg9[%swap3A] {strides = array<i32>} : memref<640xf32, #tpu.memory_space<vmem>>, vector<16xf32>,
      %swap3A_29 = vector.shape_cast %swap3A_28 : vector<16xf32> to vector<16xf32>
      %swap3A_30 = vector.shape_cast %broadcast_in_dim3A_25 : vector<16xf32> to vector<16xf32>
      tpu.vector_store %arg9[%swap3A], %swap3A_30 {strides = array<i32>} : memref<640xf32, #tpu.memory_space<vmem>>, vector<16xf32>,
      %scan3A_31 = arith.constant 0 : i32
      scf.yield %scan3A_31 : i32
    }
    %scan3A_7 = arith.constant 40 : i32
    %mul3A_8 = arith.constant 640 : i32
    %mul3A_9 = arith.muli %arg1, %mul3A_8 : i32
    "tpu.region"() ({
      %run_scoped3A = tpu.sem_alloc : memref<!tpu.dma_semaphore, #tpu.memory_space<semaphore_mem>>
      %dma_start3A_23 = tpu.memref_slice %arg10[%mul3A_9] : memref<10240xf32, #tpu.memory_space<vmem_shared>> -> memref<640xf32, #tpu.memory_space<vmem_shared>>
      %dma_start3A_24 = tpu.memref_slice %arg10[%mul3A_9] : memref<10240xf32, #tpu.memory_space<vmem_shared>> -> memref<640xf32, #tpu.memory_space<vmem_shared>>
      tpu.enqueue_dma source(%arg9 : memref<640xf32, #tpu.memory_space<vmem>>) target(%dma_start3A_24 : memref<640xf32, #tpu.memory_space<vmem_shared>>) target_semaphore(%run_scoped3A : memref<!tpu.dma_semaphore, #tpu.memory_space<semaphore_mem>>)
      %dma_wait3A_25 = tpu.memref_slice %arg10[%mul3A_9] : memref<10240xf32, #tpu.memory_space<vmem_shared>> -> memref<640xf32, #tpu.memory_space<vmem_shared>>
      %dma_wait3A_26 = tpu.memref_slice %arg10[%mul3A_9] : memref<10240xf32, #tpu.memory_space<vmem_shared>> -> memref<640xf32, #tpu.memory_space<vmem_shared>>
      tpu.wait_dma2 semaphore(%run_scoped3A : memref<!tpu.dma_semaphore, #tpu.memory_space<semaphore_mem>>) src(%arg9 : memref<640xf32, #tpu.memory_space<vmem>>) dst(%dma_wait3A_26 : memref<640xf32, #tpu.memory_space<vmem_shared>>)
      tpu.yield
    }) : () -> ()
    %scan3A_10 = arith.constant 0 : i32
    %scan3A_11 = arith.constant 0 : i32
    %scan3A_12 = arith.constant 640 : i32
    %scan3A_13 = arith.addi %scan3A_11, %scan3A_12 : i32
    %scan3A_14 = arith.constant 1 : i32
    %scan3A_15 = scf.for %scan3A_23 = %scan3A_11 to %scan3A_13 step %scan3A_14 iter_args(%scan3A_24 = %scan3A_10) -> (i32)  : i32 {
      %mul3A_25 = arith.constant 16 : i32
      %mul3A_26 = arith.muli %scan3A_23, %mul3A_25 : i32
      %get3A = arith.index_cast %mul3A_26 : i32 to index
      %get3A_27 = tpu.vector_load %arg6[%get3A] {strides = array<i32>} : memref<10240xi32, #tpu.memory_space<vmem>>, vector<16xi32>,
      %get3A_28 = vector.shape_cast %get3A_27 : vector<16xi32> to vector<16xi32>
      %mul3A_29 = arith.constant 16 : i32
      %mul3A_30 = arith.muli %scan3A_23, %mul3A_29 : i32
      %get3A_31 = arith.index_cast %mul3A_30 : i32 to index
      %get3A_32 = tpu.vector_load %arg7[%get3A_31] {strides = array<i32>} : memref<10240xi32, #tpu.memory_space<vmem>>, vector<16xi32>,
      %get3A_33 = vector.shape_cast %get3A_32 : vector<16xi32> to vector<16xi32>
      %eq3A = arith.cmpi eq, %get3A_28, %get3A_33 : vector<16xi32>
      %jit3A = arith.constant 10016 : i32
      %broadcast_in_dim3A = vector.broadcast %jit3A : i32 to vector<16xi32>
      %select_n3A = arith.select %eq3A, %broadcast_in_dim3A, %get3A_33 : vector<16xi1>, vector<16xi32>
      %mul3A_34 = arith.constant 16 : i32
      %mul3A_35 = arith.muli %scan3A_23, %mul3A_34 : i32
      %swap3A = arith.index_cast %mul3A_35 : i32 to index
      %swap3A_36 = tpu.vector_load %arg7[%swap3A] {strides = array<i32>} : memref<10240xi32, #tpu.memory_space<vmem>>, vector<16xi32>,
      %swap3A_37 = vector.shape_cast %swap3A_36 : vector<16xi32> to vector<16xi32>
      %swap3A_38 = vector.shape_cast %select_n3A : vector<16xi32> to vector<16xi32>
      tpu.vector_store %arg7[%swap3A], %swap3A_38 {strides = array<i32>} : memref<10240xi32, #tpu.memory_space<vmem>>, vector<16xi32>,
      %scan3A_39 = arith.constant 0 : i32
      scf.yield %scan3A_39 : i32
    }
    %scan3A_16 = arith.constant 640 : i32
    %barrier3A = arith.constant 0 : index
    tpu.barrier barrier_id(%barrier3A)
    %dma_wait3A = arith.constant 0 : i32
    %dma_wait3A_17 = tpu.memref_slice %arg4[%dma_wait3A] : memref<10240xf32, #tpu.memory_space<hbm>> -> memref<10240xf32, #tpu.memory_space<hbm>>
    tpu.wait_indirect_dma semaphore(%arg11 : memref<!tpu.dma_semaphore, #tpu.memory_space<semaphore_mem>>) src(%dma_wait3A_17 : memref<10240xf32, #tpu.memory_space<hbm>>) dst(%arg8 : memref<10240xf32, #tpu.memory_space<vmem>>)
    "tpu.region"() ({
      %run_scoped3A = tpu.sem_alloc : memref<!tpu.dma_semaphore, #tpu.memory_space<semaphore_mem>>
      %dma_start3A_23 = arith.constant 0 : i32
      %dma_start3A_24 = tpu.memref_slice %arg10[%dma_start3A_23] : memref<10240xf32, #tpu.memory_space<vmem_shared>> -> memref<10240xf32, #tpu.memory_space<vmem_shared>>
      tpu.enqueue_indirect_dma source(%arg8 : memref<10240xf32, #tpu.memory_space<vmem>>) target(%dma_start3A_24 : memref<10240xf32, #tpu.memory_space<vmem_shared>>) offsets(%arg7 : memref<10240xi32, #tpu.memory_space<vmem>>) semaphore(%run_scoped3A : memref<!tpu.dma_semaphore, #tpu.memory_space<semaphore_mem>>) {add = true}
      %dma_wait3A_25 = arith.constant 0 : i32
      %dma_wait3A_26 = tpu.memref_slice %arg10[%dma_wait3A_25] : memref<10240xf32, #tpu.memory_space<vmem_shared>> -> memref<10240xf32, #tpu.memory_space<vmem_shared>>
      tpu.wait_indirect_dma semaphore(%run_scoped3A : memref<!tpu.dma_semaphore, #tpu.memory_space<semaphore_mem>>) src(%arg8 : memref<10240xf32, #tpu.memory_space<vmem>>) dst(%dma_wait3A_26 : memref<10240xf32, #tpu.memory_space<vmem_shared>>)
      tpu.yield
    }) : () -> ()
    %barrier3A_18 = arith.constant 0 : index
    tpu.barrier barrier_id(%barrier3A_18)
    %mul3A_19 = arith.constant 640 : i32
    %mul3A_20 = arith.muli %arg1, %mul3A_19 : i32
    %mul3A_21 = arith.constant 640 : i32
    %mul3A_22 = arith.muli %arg1, %mul3A_21 : i32
    "tpu.region"() ({
      %run_scoped3A = tpu.sem_alloc : memref<!tpu.dma_semaphore, #tpu.memory_space<semaphore_mem>>
      %dma_start3A_23 = tpu.memref_slice %arg5[%arg0, %mul3A_22] : memref<2x10240xf32, #tpu.memory_space<hbm>> -> memref<1x640xf32, #tpu.memory_space<hbm>>
      %dma_start3A_24 = tpu.memref_squeeze %dma_start3A_23 : memref<1x640xf32, #tpu.memory_space<hbm>> -> memref<640xf32, #tpu.memory_space<hbm>>
      %dma_start3A_25 = tpu.memref_slice %arg10[%mul3A_20] : memref<10240xf32, #tpu.memory_space<vmem_shared>> -> memref<640xf32, #tpu.memory_space<vmem_shared>>
      tpu.enqueue_dma source(%dma_start3A_25 : memref<640xf32, #tpu.memory_space<vmem_shared>>) target(%dma_start3A_24 : memref<640xf32, #tpu.memory_space<hbm>>) target_semaphore(%run_scoped3A : memref<!tpu.dma_semaphore, #tpu.memory_space<semaphore_mem>>)
      %dma_wait3A_26 = tpu.memref_slice %arg5[%arg0, %mul3A_22] : memref<2x10240xf32, #tpu.memory_space<hbm>> -> memref<1x640xf32, #tpu.memory_space<hbm>>
      %dma_wait3A_27 = tpu.memref_squeeze %dma_wait3A_26 : memref<1x640xf32, #tpu.memory_space<hbm>> -> memref<640xf32, #tpu.memory_space<hbm>>
      %dma_wait3A_28 = tpu.memref_slice %arg10[%mul3A_20] : memref<10240xf32, #tpu.memory_space<vmem_shared>> -> memref<640xf32, #tpu.memory_space<vmem_shared>>
      tpu.wait_dma2 semaphore(%run_scoped3A : memref<!tpu.dma_semaphore, #tpu.memory_space<semaphore_mem>>) src(%dma_wait3A_28 : memref<640xf32, #tpu.memory_space<vmem_shared>>) dst(%dma_wait3A_27 : memref<640xf32, #tpu.memory_space<hbm>>)
      tpu.yield
    }) : () -> ()
    return
  }
}

#map = affine_map<(d0, d1) -> (0)>
#map1 = affine_map<(d0, d1) -> (0, 0)>
#map2 = affine_map<(d0, d1) -> (0, 0, 0)>
module attributes {stable_mosaic.version = 14 : i64} {
  func.func @k(%arg0: i32, %arg1: i32, %arg2: memref<20480xf32, #tpu.memory_space<hbm>>, %arg3: memref<10240xf32, #tpu.memory_space<hbm>>, %arg4: memref<10240x64xf32, #tpu.memory_space<hbm>>, %arg5: memref<64xi32, #tpu.memory_space<hbm>>, %arg6: memref<64xi32, #tpu.memory_space<hbm>>, %arg7: memref<64x30x64xf32, #tpu.memory_space<hbm>>, %arg8: memref<64x32xf32, #tpu.memory_space<hbm>>, %arg9: memref<10256xf32, #tpu.memory_space<vmem>>, %arg10: memref<80xi32, #tpu.memory_space<vmem>>, %arg11: memref<80xi32, #tpu.memory_space<vmem>>, %arg12: memref<32xi32, #tpu.memory_space<vmem>>, %arg13: memref<32xf32, #tpu.memory_space<vmem>>, %arg14: memref<32x64xf32, #tpu.memory_space<vmem>>, %arg15: memref<!tpu.dma_semaphore, #tpu.memory_space<semaphore_mem>>, %arg16: memref<!tpu.dma_semaphore, #tpu.memory_space<semaphore_mem>>) attributes {dimension_semantics = [#tpu.dimension_semantics<core_parallel>, #tpu.dimension_semantics<subcore_parallel>], iteration_bounds = array<i64: 2, 16>, scalar_prefetch = 0 : i64, scratch_operands = 8 : i64, tpu.core_type = #tpu.core_type<sc_vector_subcore>, window_params = [{transform_indices = #map}, {transform_indices = #map}, {transform_indices = #map1}, {transform_indices = #map}, {transform_indices = #map}, {transform_indices = #map2}, {transform_indices = #map1}]} {
    %mul3A = arith.constant 16 : i32
    %mul3A_0 = arith.muli %arg0, %mul3A : i32
    %add3A = arith.addi %mul3A_0, %arg1 : i32
    "tpu.region"() ({
      %run_scoped3A = tpu.sem_alloc : memref<!tpu.dma_semaphore, #tpu.memory_space<semaphore_mem>>
      %dma_start3A_261 = arith.constant 0 : i32
      %dma_start3A_262 = tpu.memref_slice %arg10[%dma_start3A_261] : memref<80xi32, #tpu.memory_space<vmem>> -> memref<64xi32, #tpu.memory_space<vmem>>
      %dma_start3A_263 = arith.constant 0 : i32
      %dma_start3A_264 = tpu.memref_slice %arg10[%dma_start3A_263] : memref<80xi32, #tpu.memory_space<vmem>> -> memref<64xi32, #tpu.memory_space<vmem>>
      tpu.enqueue_dma source(%arg5 : memref<64xi32, #tpu.memory_space<hbm>>) target(%dma_start3A_264 : memref<64xi32, #tpu.memory_space<vmem>>) target_semaphore(%run_scoped3A : memref<!tpu.dma_semaphore, #tpu.memory_space<semaphore_mem>>)
      %dma_wait3A_265 = arith.constant 0 : i32
      %dma_wait3A_266 = tpu.memref_slice %arg10[%dma_wait3A_265] : memref<80xi32, #tpu.memory_space<vmem>> -> memref<64xi32, #tpu.memory_space<vmem>>
      %dma_wait3A_267 = arith.constant 0 : i32
      %dma_wait3A_268 = tpu.memref_slice %arg10[%dma_wait3A_267] : memref<80xi32, #tpu.memory_space<vmem>> -> memref<64xi32, #tpu.memory_space<vmem>>
      tpu.wait_dma2 semaphore(%run_scoped3A : memref<!tpu.dma_semaphore, #tpu.memory_space<semaphore_mem>>) src(%arg5 : memref<64xi32, #tpu.memory_space<hbm>>) dst(%dma_wait3A_268 : memref<64xi32, #tpu.memory_space<vmem>>)
      tpu.yield
    }) : () -> ()
    "tpu.region"() ({
      %run_scoped3A = tpu.sem_alloc : memref<!tpu.dma_semaphore, #tpu.memory_space<semaphore_mem>>
      %dma_start3A_261 = arith.constant 0 : i32
      %dma_start3A_262 = tpu.memref_slice %arg11[%dma_start3A_261] : memref<80xi32, #tpu.memory_space<vmem>> -> memref<64xi32, #tpu.memory_space<vmem>>
      %dma_start3A_263 = arith.constant 0 : i32
      %dma_start3A_264 = tpu.memref_slice %arg11[%dma_start3A_263] : memref<80xi32, #tpu.memory_space<vmem>> -> memref<64xi32, #tpu.memory_space<vmem>>
      tpu.enqueue_dma source(%arg6 : memref<64xi32, #tpu.memory_space<hbm>>) target(%dma_start3A_264 : memref<64xi32, #tpu.memory_space<vmem>>) target_semaphore(%run_scoped3A : memref<!tpu.dma_semaphore, #tpu.memory_space<semaphore_mem>>)
      %dma_wait3A_265 = arith.constant 0 : i32
      %dma_wait3A_266 = tpu.memref_slice %arg11[%dma_wait3A_265] : memref<80xi32, #tpu.memory_space<vmem>> -> memref<64xi32, #tpu.memory_space<vmem>>
      %dma_wait3A_267 = arith.constant 0 : i32
      %dma_wait3A_268 = tpu.memref_slice %arg11[%dma_wait3A_267] : memref<80xi32, #tpu.memory_space<vmem>> -> memref<64xi32, #tpu.memory_space<vmem>>
      tpu.wait_dma2 semaphore(%run_scoped3A : memref<!tpu.dma_semaphore, #tpu.memory_space<semaphore_mem>>) src(%arg6 : memref<64xi32, #tpu.memory_space<hbm>>) dst(%dma_wait3A_268 : memref<64xi32, #tpu.memory_space<vmem>>)
      tpu.yield
    }) : () -> ()
    %iota3A = tpu.iota {dimensions = array<i32: 0>} : vector<16xi32>
    %broadcast_in_dim3A = arith.constant 0 : i32
    %broadcast_in_dim3A_1 = vector.broadcast %broadcast_in_dim3A : i32 to vector<16xi32>
    %mul3A_2 = arith.constant 2 : i32
    %mul3A_3 = arith.muli %add3A, %mul3A_2 : i32
    %add3A_4 = arith.constant 0 : i32
    %add3A_5 = arith.addi %mul3A_3, %add3A_4 : i32
    %get3A = arith.index_cast %add3A_5 : i32 to index
    %get3A_6 = tpu.vector_load %arg10[%get3A] {strides = array<i32>} : memref<80xi32, #tpu.memory_space<vmem>>, vector<16xi32>,
    %slice3A = vector.extract_strided_slice %get3A_6 {offsets = [0], sizes = [1], strides = [1]} : vector<16xi32> to vector<1xi32>
    %squeeze3A = vector.extract %slice3A[0] : i32 from vector<1xi32>
    %get3A_7 = arith.index_cast %add3A_5 : i32 to index
    %get3A_8 = tpu.vector_load %arg11[%get3A_7] {strides = array<i32>} : memref<80xi32, #tpu.memory_space<vmem>>, vector<16xi32>,
    %slice3A_9 = vector.extract_strided_slice %get3A_8 {offsets = [0], sizes = [1], strides = [1]} : vector<16xi32> to vector<1xi32>
    %squeeze3A_10 = vector.extract %slice3A_9[0] : i32 from vector<1xi32>
    %jit3A = arith.constant 8 : i32
    %div3A = arith.divsi %squeeze3A, %jit3A : i32
    %sign3A = arith.constant 0 : i32
    %sign3A_11 = arith.cmpi sgt, %squeeze3A, %sign3A : i32
    %sign3A_12 = arith.extui %sign3A_11 : i1 to i32
    %sign3A_13 = arith.constant 0 : i32
    %sign3A_14 = arith.cmpi slt, %squeeze3A, %sign3A_13 : i32
    %sign3A_15 = arith.extui %sign3A_14 : i1 to i32
    %sign3A_16 = arith.subi %sign3A_12, %sign3A_15 : i32
    %sign3A_17 = arith.constant 0 : i32
    %sign3A_18 = arith.cmpi sgt, %jit3A, %sign3A_17 : i32
    %sign3A_19 = arith.extui %sign3A_18 : i1 to i32
    %sign3A_20 = arith.constant 0 : i32
    %sign3A_21 = arith.cmpi slt, %jit3A, %sign3A_20 : i32
    %sign3A_22 = arith.extui %sign3A_21 : i1 to i32
    %sign3A_23 = arith.subi %sign3A_19, %sign3A_22 : i32
    %ne3A = arith.cmpi ne, %sign3A_16, %sign3A_23 : i32
    %rem3A = arith.remsi %squeeze3A, %jit3A : i32
    %ne3A_24 = arith.constant 0 : i32
    %ne3A_25 = arith.cmpi ne, %rem3A, %ne3A_24 : i32
    %and3A = arith.andi %ne3A, %ne3A_25 : i1
    %sub3A = arith.constant 1 : i32
    %sub3A_26 = arith.subi %div3A, %sub3A : i32
    %select_n3A = arith.select %and3A, %sub3A_26, %div3A : i32
    %mul3A_27 = arith.constant 8 : i32
    %mul3A_28 = arith.muli %select_n3A, %mul3A_27 : i32
    %sub3A_29 = arith.subi %squeeze3A, %mul3A_28 : i32
    %multiple_of3A = tpu.assume_multiple %mul3A_28, 8 : i32
    "tpu.region"() ({
      %run_scoped3A = tpu.sem_alloc : memref<!tpu.dma_semaphore, #tpu.memory_space<semaphore_mem>>
      %dma_start3A_261 = tpu.memref_slice %arg2[%multiple_of3A] : memref<20480xf32, #tpu.memory_space<hbm>> -> memref<10256xf32, #tpu.memory_space<hbm>>
      %dma_start3A_262 = tpu.memref_slice %arg2[%multiple_of3A] : memref<20480xf32, #tpu.memory_space<hbm>> -> memref<10256xf32, #tpu.memory_space<hbm>>
      tpu.enqueue_dma source(%dma_start3A_262 : memref<10256xf32, #tpu.memory_space<hbm>>) target(%arg9 : memref<10256xf32, #tpu.memory_space<vmem>>) target_semaphore(%run_scoped3A : memref<!tpu.dma_semaphore, #tpu.memory_space<semaphore_mem>>)
      %dma_wait3A_263 = tpu.memref_slice %arg2[%multiple_of3A] : memref<20480xf32, #tpu.memory_space<hbm>> -> memref<10256xf32, #tpu.memory_space<hbm>>
      %dma_wait3A_264 = tpu.memref_slice %arg2[%multiple_of3A] : memref<20480xf32, #tpu.memory_space<hbm>> -> memref<10256xf32, #tpu.memory_space<hbm>>
      tpu.wait_dma2 semaphore(%run_scoped3A : memref<!tpu.dma_semaphore, #tpu.memory_space<semaphore_mem>>) src(%dma_wait3A_264 : memref<10256xf32, #tpu.memory_space<hbm>>) dst(%arg9 : memref<10256xf32, #tpu.memory_space<vmem>>)
      tpu.yield
    }) : () -> ()
    %add3A_30 = arith.addi %sub3A_29, %squeeze3A_10 : i32
    %add3A_31 = arith.constant 15 : i32
    %add3A_32 = arith.addi %add3A_30, %add3A_31 : i32
    %jit3A_33 = arith.constant 16 : i32
    %div3A_34 = arith.divsi %add3A_32, %jit3A_33 : i32
    %sign3A_35 = arith.constant 0 : i32
    %sign3A_36 = arith.cmpi sgt, %add3A_32, %sign3A_35 : i32
    %sign3A_37 = arith.extui %sign3A_36 : i1 to i32
    %sign3A_38 = arith.constant 0 : i32
    %sign3A_39 = arith.cmpi slt, %add3A_32, %sign3A_38 : i32
    %sign3A_40 = arith.extui %sign3A_39 : i1 to i32
    %sign3A_41 = arith.subi %sign3A_37, %sign3A_40 : i32
    %sign3A_42 = arith.constant 0 : i32
    %sign3A_43 = arith.cmpi sgt, %jit3A_33, %sign3A_42 : i32
    %sign3A_44 = arith.extui %sign3A_43 : i1 to i32
    %sign3A_45 = arith.constant 0 : i32
    %sign3A_46 = arith.cmpi slt, %jit3A_33, %sign3A_45 : i32
    %sign3A_47 = arith.extui %sign3A_46 : i1 to i32
    %sign3A_48 = arith.subi %sign3A_44, %sign3A_47 : i32
    %ne3A_49 = arith.cmpi ne, %sign3A_41, %sign3A_48 : i32
    %rem3A_50 = arith.remsi %add3A_32, %jit3A_33 : i32
    %ne3A_51 = arith.constant 0 : i32
    %ne3A_52 = arith.cmpi ne, %rem3A_50, %ne3A_51 : i32
    %and3A_53 = arith.andi %ne3A_49, %ne3A_52 : i1
    %sub3A_54 = arith.constant 1 : i32
    %sub3A_55 = arith.subi %div3A_34, %sub3A_54 : i32
    %select_n3A_56 = arith.select %and3A_53, %sub3A_55, %div3A_34 : i32
    %while3A = arith.constant 0 : i32
    %while3A_57 = arith.constant 0 : i32
    %while3A_58 = arith.subi %select_n3A_56, %while3A : i32
    %while3A_59 = arith.addi %while3A, %while3A_58 : i32
    %while3A_60 = arith.constant 1 : i32
    %while3A_61 = arith.divsi %while3A_58, %while3A_60 : i32
    %while3A_62 = arith.muli %while3A_61, %while3A_60 : i32
    %while3A_63 = arith.addi %while3A, %while3A_62 : i32
    %while3A_64 = arith.constant 1 : i32
    %while3A_65 = scf.for %while3A_261 = %while3A to %while3A_63 step %while3A_64 iter_args(%while3A_262 = %while3A_57) -> (i32)  : i32 {
      %mul3A_263 = arith.constant 16 : i32
      %mul3A_264 = arith.muli %while3A_261, %mul3A_263 : i32
      %add3A_265 = vector.broadcast %mul3A_264 : i32 to vector<16xi32>
      %add3A_266 = arith.addi %iota3A, %add3A_265 : vector<16xi32>
      %mul3A_267 = arith.constant 16 : i32
      %mul3A_268 = arith.muli %while3A_261, %mul3A_267 : i32
      %get3A_269 = arith.index_cast %mul3A_268 : i32 to index
      %get3A_270 = tpu.vector_load %arg9[%get3A_269] {strides = array<i32>} : memref<10256xf32, #tpu.memory_space<vmem>>, vector<16xf32>,
      %lt3A_271 = vector.broadcast %sub3A_29 : i32 to vector<16xi32>
      %lt3A_272 = arith.cmpi slt, %add3A_266, %lt3A_271 : vector<16xi32>
      %add3A_273 = arith.addi %sub3A_29, %squeeze3A_10 : i32
      %ge3A = vector.broadcast %add3A_273 : i32 to vector<16xi32>
      %ge3A_274 = arith.cmpi sge, %add3A_266, %ge3A : vector<16xi32>
      %or3A = arith.ori %lt3A_272, %ge3A_274 : vector<16xi1>
      %jit3A_275 = arith.constant 3.000000e+38 : f32
      %broadcast_in_dim3A_276 = vector.broadcast %jit3A_275 : f32 to vector<16xf32>
      %select_n3A_277 = arith.select %or3A, %broadcast_in_dim3A_276, %get3A_270 : vector<16xi1>, vector<16xf32>
      %mul3A_278 = arith.constant 16 : i32
      %mul3A_279 = arith.muli %while3A_261, %mul3A_278 : i32
      %swap3A_280 = arith.index_cast %mul3A_279 : i32 to index
      %swap3A_281 = tpu.vector_load %arg9[%swap3A_280] {strides = array<i32>} : memref<10256xf32, #tpu.memory_space<vmem>>, vector<16xf32>,
      tpu.vector_store %arg9[%swap3A_280], %select_n3A_277 {strides = array<i32>} : memref<10256xf32, #tpu.memory_space<vmem>>, vector<16xf32>,
      %while3A_282 = arith.constant 0 : i32
      scf.yield %while3A_282 : i32
    }
    %while3A_66 = arith.constant 1 : i32
    %while3A_67 = scf.for %while3A_261 = %while3A_63 to %while3A_59 step %while3A_66 iter_args(%while3A_262 = %while3A_65) -> (i32)  : i32 {
      %mul3A_263 = arith.constant 16 : i32
      %mul3A_264 = arith.muli %while3A_261, %mul3A_263 : i32
      %add3A_265 = vector.broadcast %mul3A_264 : i32 to vector<16xi32>
      %add3A_266 = arith.addi %iota3A, %add3A_265 : vector<16xi32>
      %mul3A_267 = arith.constant 16 : i32
      %mul3A_268 = arith.muli %while3A_261, %mul3A_267 : i32
      %get3A_269 = arith.index_cast %mul3A_268 : i32 to index
      %get3A_270 = tpu.vector_load %arg9[%get3A_269] {strides = array<i32>} : memref<10256xf32, #tpu.memory_space<vmem>>, vector<16xf32>,
      %lt3A_271 = vector.broadcast %sub3A_29 : i32 to vector<16xi32>
      %lt3A_272 = arith.cmpi slt, %add3A_266, %lt3A_271 : vector<16xi32>
      %add3A_273 = arith.addi %sub3A_29, %squeeze3A_10 : i32
      %ge3A = vector.broadcast %add3A_273 : i32 to vector<16xi32>
      %ge3A_274 = arith.cmpi sge, %add3A_266, %ge3A : vector<16xi32>
      %or3A = arith.ori %lt3A_272, %ge3A_274 : vector<16xi1>
      %jit3A_275 = arith.constant 3.000000e+38 : f32
      %broadcast_in_dim3A_276 = vector.broadcast %jit3A_275 : f32 to vector<16xf32>
      %select_n3A_277 = arith.select %or3A, %broadcast_in_dim3A_276, %get3A_270 : vector<16xi1>, vector<16xf32>
      %mul3A_278 = arith.constant 16 : i32
      %mul3A_279 = arith.muli %while3A_261, %mul3A_278 : i32
      %swap3A_280 = arith.index_cast %mul3A_279 : i32 to index
      %swap3A_281 = tpu.vector_load %arg9[%swap3A_280] {strides = array<i32>} : memref<10256xf32, #tpu.memory_space<vmem>>, vector<16xf32>,
      tpu.vector_store %arg9[%swap3A_280], %select_n3A_277 {strides = array<i32>} : memref<10256xf32, #tpu.memory_space<vmem>>, vector<16xf32>,
      %while3A_282 = arith.constant 0 : i32
      scf.yield %while3A_282 : i32
    }
    %scan3A = arith.constant 0 : i32
    %scan3A_68 = arith.constant 0 : i32
    %scan3A_69 = arith.constant 30 : i32
    %scan3A_70 = arith.addi %scan3A_68, %scan3A_69 : i32
    %scan3A_71 = arith.constant 1 : i32
    %scan3A_72 = scf.for %scan3A_261 = %scan3A_68 to %scan3A_70 step %scan3A_71 iter_args(%scan3A_262 = %scan3A) -> (i32)  : i32 {
      %broadcast_in_dim3A_263 = arith.constant 3.000000e+38 : f32
      %broadcast_in_dim3A_264 = vector.broadcast %broadcast_in_dim3A_263 : f32 to vector<16xf32>
      %broadcast_in_dim3A_265 = arith.constant 0.000000e+00 : f32
      %broadcast_in_dim3A_266 = vector.broadcast %broadcast_in_dim3A_265 : f32 to vector<16xf32>
      %while3A_267 = arith.constant 0 : i32
      %while3A_268 = arith.subi %select_n3A_56, %while3A_267 : i32
      %while3A_269 = arith.addi %while3A_267, %while3A_268 : i32
      %while3A_270 = arith.constant 1 : i32
      %while3A_271 = arith.divsi %while3A_268, %while3A_270 : i32
      %while3A_272 = arith.muli %while3A_271, %while3A_270 : i32
      %while3A_273 = arith.addi %while3A_267, %while3A_272 : i32
      %while3A_274 = arith.constant 1 : i32
      %while3A_275:2 = scf.for %while3A_305 = %while3A_267 to %while3A_273 step %while3A_274 iter_args(%while3A_306 = %broadcast_in_dim3A_264, %while3A_307 = %broadcast_in_dim3A_266) -> (vector<16xf32>, vector<16xf32>)  : i32 {
        %mul3A_308 = arith.constant 16 : i32
        %mul3A_309 = arith.muli %while3A_305, %mul3A_308 : i32
        %get3A_310 = arith.index_cast %mul3A_309 : i32 to index
        %get3A_311 = tpu.vector_load %arg9[%get3A_310] {strides = array<i32>} : memref<10256xf32, #tpu.memory_space<vmem>>, vector<16xf32>,
        %lt3A_312 = arith.cmpf olt, %get3A_311, %while3A_306 : vector<16xf32>
        %select_n3A_313 = arith.select %lt3A_312, %get3A_311, %while3A_306 : vector<16xi1>, vector<16xf32>
        %mul3A_314 = arith.constant 16 : i32
        %mul3A_315 = arith.muli %while3A_305, %mul3A_314 : i32
        %add3A_316 = vector.broadcast %mul3A_315 : i32 to vector<16xi32>
        %add3A_317 = arith.addi %iota3A, %add3A_316 : vector<16xi32>
        %convert_element_type3A_318 = arith.sitofp %add3A_317 : vector<16xi32> to vector<16xf32>
        %select_n3A_319 = arith.select %lt3A_312, %convert_element_type3A_318, %while3A_307 : vector<16xi1>, vector<16xf32>
        scf.yield %select_n3A_313, %select_n3A_319 : vector<16xf32>, vector<16xf32>
      }
      %while3A_276 = arith.constant 1 : i32
      %while3A_277:2 = scf.for %while3A_305 = %while3A_273 to %while3A_269 step %while3A_276 iter_args(%while3A_306 = %while3A_275#0, %while3A_307 = %while3A_275#1) -> (vector<16xf32>, vector<16xf32>)  : i32 {
        %mul3A_308 = arith.constant 16 : i32
        %mul3A_309 = arith.muli %while3A_305, %mul3A_308 : i32
        %get3A_310 = arith.index_cast %mul3A_309 : i32 to index
        %get3A_311 = tpu.vector_load %arg9[%get3A_310] {strides = array<i32>} : memref<10256xf32, #tpu.memory_space<vmem>>, vector<16xf32>,
        %lt3A_312 = arith.cmpf olt, %get3A_311, %while3A_306 : vector<16xf32>
        %select_n3A_313 = arith.select %lt3A_312, %get3A_311, %while3A_306 : vector<16xi1>, vector<16xf32>
        %mul3A_314 = arith.constant 16 : i32
        %mul3A_315 = arith.muli %while3A_305, %mul3A_314 : i32
        %add3A_316 = vector.broadcast %mul3A_315 : i32 to vector<16xi32>
        %add3A_317 = arith.addi %iota3A, %add3A_316 : vector<16xi32>
        %convert_element_type3A_318 = arith.sitofp %add3A_317 : vector<16xi32> to vector<16xf32>
        %select_n3A_319 = arith.select %lt3A_312, %convert_element_type3A_318, %while3A_307 : vector<16xi1>, vector<16xf32>
        scf.yield %select_n3A_313, %select_n3A_319 : vector<16xf32>, vector<16xf32>
      }
      %masked_sort3A = arith.constant dense<true> : vector<16xi1>
      %masked_sort3A_278, %masked_sort3A_279, %masked_sort3A_280 = tpu.sort %while3A_277#0, %while3A_277#1 masked %masked_sort3A : (vector<16xf32>, vector<16xf32>, vector<16xi1>) -> (vector<16xi1>, vector<16xf32>, vector<16xf32>)
      %broadcast_in_dim3A_281 = vector.shape_cast %broadcast_in_dim3A_1 : vector<16xi32> to vector<16x1xi32>
      %gather3A = vector.shape_cast %broadcast_in_dim3A_281 : vector<16x1xi32> to vector<16xi32>
      %gather3A_282 = tpu.dynamic_gather %masked_sort3A_279[%gather3A] in [0] : vector<16xf32>, vector<16xi32> -> vector<16xf32>
      %eq3A_283 = arith.cmpf oeq, %while3A_277#0, %gather3A_282 : vector<16xf32>
      %jit3A_284 = arith.constant 1.07374182E+9 : f32
      %broadcast_in_dim3A_285 = vector.broadcast %jit3A_284 : f32 to vector<16xf32>
      %select_n3A_286 = arith.select %eq3A_283, %while3A_277#1, %broadcast_in_dim3A_285 : vector<16xi1>, vector<16xf32>
      %masked_sort3A_287 = arith.constant dense<true> : vector<16xi1>
      %masked_sort3A_288, %masked_sort3A_289, %masked_sort3A_290 = tpu.sort %select_n3A_286, %select_n3A_286 masked %masked_sort3A_287 : (vector<16xf32>, vector<16xf32>, vector<16xi1>) -> (vector<16xi1>, vector<16xf32>, vector<16xf32>)
      %broadcast_in_dim3A_291 = vector.shape_cast %broadcast_in_dim3A_1 : vector<16xi32> to vector<16x1xi32>
      %gather3A_292 = vector.shape_cast %broadcast_in_dim3A_291 : vector<16x1xi32> to vector<16xi32>
      %gather3A_293 = tpu.dynamic_gather %masked_sort3A_289[%gather3A_292] in [0] : vector<16xf32>, vector<16xi32> -> vector<16xf32>
      %convert_element_type3A = arith.fptosi %gather3A_293 : vector<16xf32> to vector<16xi32>
      %lt3A_294 = arith.cmpi slt, %scan3A_261, %squeeze3A_10 : i32
      %add3A_295 = vector.broadcast %mul3A_28 : i32 to vector<16xi32>
      %add3A_296 = arith.addi %add3A_295, %convert_element_type3A : vector<16xi32>
      %select_n3A_297 = arith.select %lt3A_294, %add3A_296, %broadcast_in_dim3A_1 : vector<16xi32>
      %eq3A_298 = arith.constant 0 : i32
      %eq3A_299 = vector.broadcast %eq3A_298 : i32 to vector<16xi32>
      %eq3A_300 = arith.cmpi eq, %iota3A, %eq3A_299 : vector<16xi32>
      %broadcast_in_dim3A_301 = vector.broadcast %scan3A_261 : i32 to vector<16xi32>
      tpu.vector_store_idx %arg12[%broadcast_in_dim3A_301], %select_n3A_297 masked %eq3A_300 : memref<32xi32, #tpu.memory_space<vmem>>[vector<16xi32>], vector<16xi32>, vector<16xi1>
      %broadcast_in_dim3A_302 = arith.constant 3.000000e+38 : f32
      %broadcast_in_dim3A_303 = vector.broadcast %broadcast_in_dim3A_302 : f32 to vector<16xf32>
      tpu.vector_store_idx %arg9[%convert_element_type3A], %broadcast_in_dim3A_303 masked %eq3A_300 : memref<10256xf32, #tpu.memory_space<vmem>>[vector<16xi32>], vector<16xf32>, vector<16xi1>
      %scan3A_304 = arith.constant 0 : i32
      scf.yield %scan3A_304 : i32
    }
    %scan3A_73 = arith.constant 30 : i32
    %eq3A = arith.constant 0 : i32
    %eq3A_74 = vector.broadcast %eq3A : i32 to vector<16xi32>
    %eq3A_75 = arith.cmpi eq, %iota3A, %eq3A_74 : vector<16xi32>
    %broadcast_in_dim3A_76 = arith.constant 30 : i32
    %broadcast_in_dim3A_77 = vector.broadcast %broadcast_in_dim3A_76 : i32 to vector<16xi32>
    %broadcast_in_dim3A_78 = arith.constant 0 : i32
    %broadcast_in_dim3A_79 = vector.broadcast %broadcast_in_dim3A_78 : i32 to vector<16xi32>
    tpu.vector_store_idx %arg12[%broadcast_in_dim3A_77], %broadcast_in_dim3A_79 masked %eq3A_75 : memref<32xi32, #tpu.memory_space<vmem>>[vector<16xi32>], vector<16xi32>, vector<16xi1>
    %broadcast_in_dim3A_80 = arith.constant 31 : i32
    %broadcast_in_dim3A_81 = vector.broadcast %broadcast_in_dim3A_80 : i32 to vector<16xi32>
    %broadcast_in_dim3A_82 = arith.constant 0 : i32
    %broadcast_in_dim3A_83 = vector.broadcast %broadcast_in_dim3A_82 : i32 to vector<16xi32>
    tpu.vector_store_idx %arg12[%broadcast_in_dim3A_81], %broadcast_in_dim3A_83 masked %eq3A_75 : memref<32xi32, #tpu.memory_space<vmem>>[vector<16xi32>], vector<16xi32>, vector<16xi1>
    %dma_start3A = arith.constant 0 : i32
    %dma_start3A_84 = arith.constant 0 : i32
    %dma_start3A_85 = tpu.memref_slice %arg4[%dma_start3A, %dma_start3A_84] : memref<10240x64xf32, #tpu.memory_space<hbm>> -> memref<10240x64xf32, #tpu.memory_space<hbm>>
    tpu.enqueue_indirect_dma source(%dma_start3A_85 : memref<10240x64xf32, #tpu.memory_space<hbm>>) target(%arg14 : memref<32x64xf32, #tpu.memory_space<vmem>>) offsets(%arg12 : memref<32xi32, #tpu.memory_space<vmem>>) semaphore(%arg15 : memref<!tpu.dma_semaphore, #tpu.memory_space<semaphore_mem>>)
    %dma_wait3A = arith.constant 0 : i32
    %dma_wait3A_86 = arith.constant 0 : i32
    %dma_wait3A_87 = tpu.memref_slice %arg4[%dma_wait3A, %dma_wait3A_86] : memref<10240x64xf32, #tpu.memory_space<hbm>> -> memref<10240x64xf32, #tpu.memory_space<hbm>>
    tpu.wait_indirect_dma semaphore(%arg15 : memref<!tpu.dma_semaphore, #tpu.memory_space<semaphore_mem>>) src(%dma_wait3A_87 : memref<10240x64xf32, #tpu.memory_space<hbm>>) dst(%arg14 : memref<32x64xf32, #tpu.memory_space<vmem>>)
    %dma_start3A_88 = arith.constant 0 : i32
    %dma_start3A_89 = tpu.memref_slice %arg3[%dma_start3A_88] : memref<10240xf32, #tpu.memory_space<hbm>> -> memref<10240xf32, #tpu.memory_space<hbm>>
    tpu.enqueue_indirect_dma source(%dma_start3A_89 : memref<10240xf32, #tpu.memory_space<hbm>>) target(%arg13 : memref<32xf32, #tpu.memory_space<vmem>>) offsets(%arg12 : memref<32xi32, #tpu.memory_space<vmem>>) semaphore(%arg16 : memref<!tpu.dma_semaphore, #tpu.memory_space<semaphore_mem>>)
    %dma_wait3A_90 = arith.constant 0 : i32
    %dma_wait3A_91 = tpu.memref_slice %arg3[%dma_wait3A_90] : memref<10240xf32, #tpu.memory_space<hbm>> -> memref<10240xf32, #tpu.memory_space<hbm>>
    tpu.wait_indirect_dma semaphore(%arg16 : memref<!tpu.dma_semaphore, #tpu.memory_space<semaphore_mem>>) src(%dma_wait3A_91 : memref<10240xf32, #tpu.memory_space<hbm>>) dst(%arg13 : memref<32xf32, #tpu.memory_space<vmem>>)
    %add3A_92 = arith.constant 0 : i32
    %add3A_93 = vector.broadcast %add3A_92 : i32 to vector<16xi32>
    %add3A_94 = arith.addi %iota3A, %add3A_93 : vector<16xi32>
    %get3A_95 = arith.constant 0 : index
    %get3A_96 = tpu.vector_load %arg13[%get3A_95] {strides = array<i32>} : memref<32xf32, #tpu.memory_space<vmem>>, vector<16xf32>,
    %lt3A = vector.broadcast %squeeze3A_10 : i32 to vector<16xi32>
    %lt3A_97 = arith.cmpi slt, %add3A_94, %lt3A : vector<16xi32>
    %lt3A_98 = arith.constant 30 : i32
    %lt3A_99 = vector.broadcast %lt3A_98 : i32 to vector<16xi32>
    %lt3A_100 = arith.cmpi slt, %add3A_94, %lt3A_99 : vector<16xi32>
    %and3A_101 = arith.andi %lt3A_97, %lt3A_100 : vector<16xi1>
    %jit3A_102 = arith.constant 0.000000e+00 : f32
    %broadcast_in_dim3A_103 = vector.broadcast %jit3A_102 : f32 to vector<16xf32>
    %select_n3A_104 = arith.select %and3A_101, %get3A_96, %broadcast_in_dim3A_103 : vector<16xi1>, vector<16xf32>
    %swap3A = arith.constant 0 : index
    %swap3A_105 = tpu.vector_load %arg13[%swap3A] {strides = array<i32>} : memref<32xf32, #tpu.memory_space<vmem>>, vector<16xf32>,
    tpu.vector_store %arg13[%swap3A], %select_n3A_104 {strides = array<i32>} : memref<32xf32, #tpu.memory_space<vmem>>, vector<16xf32>,
    %add3A_106 = arith.constant 16 : i32
    %add3A_107 = vector.broadcast %add3A_106 : i32 to vector<16xi32>
    %add3A_108 = arith.addi %iota3A, %add3A_107 : vector<16xi32>
    %get3A_109 = arith.constant 16 : index
    %get3A_110 = tpu.vector_load %arg13[%get3A_109] {strides = array<i32>} : memref<32xf32, #tpu.memory_space<vmem>>, vector<16xf32>,
    %lt3A_111 = vector.broadcast %squeeze3A_10 : i32 to vector<16xi32>
    %lt3A_112 = arith.cmpi slt, %add3A_108, %lt3A_111 : vector<16xi32>
    %lt3A_113 = arith.constant 30 : i32
    %lt3A_114 = vector.broadcast %lt3A_113 : i32 to vector<16xi32>
    %lt3A_115 = arith.cmpi slt, %add3A_108, %lt3A_114 : vector<16xi32>
    %and3A_116 = arith.andi %lt3A_112, %lt3A_115 : vector<16xi1>
    %jit3A_117 = arith.constant 0.000000e+00 : f32
    %broadcast_in_dim3A_118 = vector.broadcast %jit3A_117 : f32 to vector<16xf32>
    %select_n3A_119 = arith.select %and3A_116, %get3A_110, %broadcast_in_dim3A_118 : vector<16xi1>, vector<16xf32>
    %swap3A_120 = arith.constant 16 : index
    %swap3A_121 = tpu.vector_load %arg13[%swap3A_120] {strides = array<i32>} : memref<32xf32, #tpu.memory_space<vmem>>, vector<16xf32>,
    tpu.vector_store %arg13[%swap3A_120], %select_n3A_119 {strides = array<i32>} : memref<32xf32, #tpu.memory_space<vmem>>, vector<16xf32>,
    "tpu.region"() ({
      %run_scoped3A = tpu.sem_alloc : memref<!tpu.dma_semaphore, #tpu.memory_space<semaphore_mem>>
      %dma_start3A_261 = arith.constant 0 : i32
      %dma_start3A_262 = arith.constant 0 : i32
      %dma_start3A_263 = tpu.memref_slice %arg14[%dma_start3A_261, %dma_start3A_262] : memref<32x64xf32, #tpu.memory_space<vmem>> -> memref<30x64xf32, #tpu.memory_space<vmem>>
      %dma_start3A_264 = arith.constant 0 : i32
      %dma_start3A_265 = arith.constant 0 : i32
      %dma_start3A_266 = tpu.memref_slice %arg7[%add3A_5, %dma_start3A_264, %dma_start3A_265] : memref<64x30x64xf32, #tpu.memory_space<hbm>> -> memref<1x30x64xf32, #tpu.memory_space<hbm>>
      %dma_start3A_267 = tpu.memref_squeeze %dma_start3A_266 : memref<1x30x64xf32, #tpu.memory_space<hbm>> -> memref<30x64xf32, #tpu.memory_space<hbm>>
      %dma_start3A_268 = arith.constant 0 : i32
      %dma_start3A_269 = arith.constant 0 : i32
      %dma_start3A_270 = tpu.memref_slice %arg7[%add3A_5, %dma_start3A_268, %dma_start3A_269] : memref<64x30x64xf32, #tpu.memory_space<hbm>> -> memref<1x30x64xf32, #tpu.memory_space<hbm>>
      %dma_start3A_271 = tpu.memref_squeeze %dma_start3A_270 : memref<1x30x64xf32, #tpu.memory_space<hbm>> -> memref<30x64xf32, #tpu.memory_space<hbm>>
      %dma_start3A_272 = arith.constant 0 : i32
      %dma_start3A_273 = arith.constant 0 : i32
      %dma_start3A_274 = tpu.memref_slice %arg14[%dma_start3A_272, %dma_start3A_273] : memref<32x64xf32, #tpu.memory_space<vmem>> -> memref<30x64xf32, #tpu.memory_space<vmem>>
      tpu.enqueue_dma source(%dma_start3A_274 : memref<30x64xf32, #tpu.memory_space<vmem>>) target(%dma_start3A_271 : memref<30x64xf32, #tpu.memory_space<hbm>>) target_semaphore(%run_scoped3A : memref<!tpu.dma_semaphore, #tpu.memory_space<semaphore_mem>>)
      %dma_wait3A_275 = arith.constant 0 : i32
      %dma_wait3A_276 = arith.constant 0 : i32
      %dma_wait3A_277 = tpu.memref_slice %arg14[%dma_wait3A_275, %dma_wait3A_276] : memref<32x64xf32, #tpu.memory_space<vmem>> -> memref<30x64xf32, #tpu.memory_space<vmem>>
      %dma_wait3A_278 = arith.constant 0 : i32
      %dma_wait3A_279 = arith.constant 0 : i32
      %dma_wait3A_280 = tpu.memref_slice %arg7[%add3A_5, %dma_wait3A_278, %dma_wait3A_279] : memref<64x30x64xf32, #tpu.memory_space<hbm>> -> memref<1x30x64xf32, #tpu.memory_space<hbm>>
      %dma_wait3A_281 = tpu.memref_squeeze %dma_wait3A_280 : memref<1x30x64xf32, #tpu.memory_space<hbm>> -> memref<30x64xf32, #tpu.memory_space<hbm>>
      %dma_wait3A_282 = arith.constant 0 : i32
      %dma_wait3A_283 = arith.constant 0 : i32
      %dma_wait3A_284 = tpu.memref_slice %arg7[%add3A_5, %dma_wait3A_282, %dma_wait3A_283] : memref<64x30x64xf32, #tpu.memory_space<hbm>> -> memref<1x30x64xf32, #tpu.memory_space<hbm>>
      %dma_wait3A_285 = tpu.memref_squeeze %dma_wait3A_284 : memref<1x30x64xf32, #tpu.memory_space<hbm>> -> memref<30x64xf32, #tpu.memory_space<hbm>>
      %dma_wait3A_286 = arith.constant 0 : i32
      %dma_wait3A_287 = arith.constant 0 : i32
      %dma_wait3A_288 = tpu.memref_slice %arg14[%dma_wait3A_286, %dma_wait3A_287] : memref<32x64xf32, #tpu.memory_space<vmem>> -> memref<30x64xf32, #tpu.memory_space<vmem>>
      tpu.wait_dma2 semaphore(%run_scoped3A : memref<!tpu.dma_semaphore, #tpu.memory_space<semaphore_mem>>) src(%dma_wait3A_288 : memref<30x64xf32, #tpu.memory_space<vmem>>) dst(%dma_wait3A_285 : memref<30x64xf32, #tpu.memory_space<hbm>>)
      tpu.yield
    }) : () -> ()
    "tpu.region"() ({
      %run_scoped3A = tpu.sem_alloc : memref<!tpu.dma_semaphore, #tpu.memory_space<semaphore_mem>>
      %dma_start3A_261 = arith.constant 0 : i32
      %dma_start3A_262 = tpu.memref_slice %arg8[%add3A_5, %dma_start3A_261] : memref<64x32xf32, #tpu.memory_space<hbm>> -> memref<1x32xf32, #tpu.memory_space<hbm>>
      %dma_start3A_263 = tpu.memref_squeeze %dma_start3A_262 : memref<1x32xf32, #tpu.memory_space<hbm>> -> memref<32xf32, #tpu.memory_space<hbm>>
      %dma_start3A_264 = arith.constant 0 : i32
      %dma_start3A_265 = tpu.memref_slice %arg8[%add3A_5, %dma_start3A_264] : memref<64x32xf32, #tpu.memory_space<hbm>> -> memref<1x32xf32, #tpu.memory_space<hbm>>
      %dma_start3A_266 = tpu.memref_squeeze %dma_start3A_265 : memref<1x32xf32, #tpu.memory_space<hbm>> -> memref<32xf32, #tpu.memory_space<hbm>>
      tpu.enqueue_dma source(%arg13 : memref<32xf32, #tpu.memory_space<vmem>>) target(%dma_start3A_266 : memref<32xf32, #tpu.memory_space<hbm>>) target_semaphore(%run_scoped3A : memref<!tpu.dma_semaphore, #tpu.memory_space<semaphore_mem>>)
      %dma_wait3A_267 = arith.constant 0 : i32
      %dma_wait3A_268 = tpu.memref_slice %arg8[%add3A_5, %dma_wait3A_267] : memref<64x32xf32, #tpu.memory_space<hbm>> -> memref<1x32xf32, #tpu.memory_space<hbm>>
      %dma_wait3A_269 = tpu.memref_squeeze %dma_wait3A_268 : memref<1x32xf32, #tpu.memory_space<hbm>> -> memref<32xf32, #tpu.memory_space<hbm>>
      %dma_wait3A_270 = arith.constant 0 : i32
      %dma_wait3A_271 = tpu.memref_slice %arg8[%add3A_5, %dma_wait3A_270] : memref<64x32xf32, #tpu.memory_space<hbm>> -> memref<1x32xf32, #tpu.memory_space<hbm>>
      %dma_wait3A_272 = tpu.memref_squeeze %dma_wait3A_271 : memref<1x32xf32, #tpu.memory_space<hbm>> -> memref<32xf32, #tpu.memory_space<hbm>>
      tpu.wait_dma2 semaphore(%run_scoped3A : memref<!tpu.dma_semaphore, #tpu.memory_space<semaphore_mem>>) src(%arg13 : memref<32xf32, #tpu.memory_space<vmem>>) dst(%dma_wait3A_272 : memref<32xf32, #tpu.memory_space<hbm>>)
      tpu.yield
    }) : () -> ()
    %mul3A_122 = arith.constant 2 : i32
    %mul3A_123 = arith.muli %add3A, %mul3A_122 : i32
    %add3A_124 = arith.constant 1 : i32
    %add3A_125 = arith.addi %mul3A_123, %add3A_124 : i32
    %get3A_126 = arith.index_cast %add3A_125 : i32 to index
    %get3A_127 = tpu.vector_load %arg10[%get3A_126] {strides = array<i32>} : memref<80xi32, #tpu.memory_space<vmem>>, vector<16xi32>,
    %slice3A_128 = vector.extract_strided_slice %get3A_127 {offsets = [0], sizes = [1], strides = [1]} : vector<16xi32> to vector<1xi32>
    %squeeze3A_129 = vector.extract %slice3A_128[0] : i32 from vector<1xi32>
    %get3A_130 = arith.index_cast %add3A_125 : i32 to index
    %get3A_131 = tpu.vector_load %arg11[%get3A_130] {strides = array<i32>} : memref<80xi32, #tpu.memory_space<vmem>>, vector<16xi32>,
    %slice3A_132 = vector.extract_strided_slice %get3A_131 {offsets = [0], sizes = [1], strides = [1]} : vector<16xi32> to vector<1xi32>
    %squeeze3A_133 = vector.extract %slice3A_132[0] : i32 from vector<1xi32>
    %jit3A_134 = arith.constant 8 : i32
    %div3A_135 = arith.divsi %squeeze3A_129, %jit3A_134 : i32
    %sign3A_136 = arith.constant 0 : i32
    %sign3A_137 = arith.cmpi sgt, %squeeze3A_129, %sign3A_136 : i32
    %sign3A_138 = arith.extui %sign3A_137 : i1 to i32
    %sign3A_139 = arith.constant 0 : i32
    %sign3A_140 = arith.cmpi slt, %squeeze3A_129, %sign3A_139 : i32
    %sign3A_141 = arith.extui %sign3A_140 : i1 to i32
    %sign3A_142 = arith.subi %sign3A_138, %sign3A_141 : i32
    %sign3A_143 = arith.constant 0 : i32
    %sign3A_144 = arith.cmpi sgt, %jit3A_134, %sign3A_143 : i32
    %sign3A_145 = arith.extui %sign3A_144 : i1 to i32
    %sign3A_146 = arith.constant 0 : i32
    %sign3A_147 = arith.cmpi slt, %jit3A_134, %sign3A_146 : i32
    %sign3A_148 = arith.extui %sign3A_147 : i1 to i32
    %sign3A_149 = arith.subi %sign3A_145, %sign3A_148 : i32
    %ne3A_150 = arith.cmpi ne, %sign3A_142, %sign3A_149 : i32
    %rem3A_151 = arith.remsi %squeeze3A_129, %jit3A_134 : i32
    %ne3A_152 = arith.constant 0 : i32
    %ne3A_153 = arith.cmpi ne, %rem3A_151, %ne3A_152 : i32
    %and3A_154 = arith.andi %ne3A_150, %ne3A_153 : i1
    %sub3A_155 = arith.constant 1 : i32
    %sub3A_156 = arith.subi %div3A_135, %sub3A_155 : i32
    %select_n3A_157 = arith.select %and3A_154, %sub3A_156, %div3A_135 : i32
    %mul3A_158 = arith.constant 8 : i32
    %mul3A_159 = arith.muli %select_n3A_157, %mul3A_158 : i32
    %sub3A_160 = arith.subi %squeeze3A_129, %mul3A_159 : i32
    %multiple_of3A_161 = tpu.assume_multiple %mul3A_159, 8 : i32
    "tpu.region"() ({
      %run_scoped3A = tpu.sem_alloc : memref<!tpu.dma_semaphore, #tpu.memory_space<semaphore_mem>>
      %dma_start3A_261 = tpu.memref_slice %arg2[%multiple_of3A_161] : memref<20480xf32, #tpu.memory_space<hbm>> -> memref<10256xf32, #tpu.memory_space<hbm>>
      %dma_start3A_262 = tpu.memref_slice %arg2[%multiple_of3A_161] : memref<20480xf32, #tpu.memory_space<hbm>> -> memref<10256xf32, #tpu.memory_space<hbm>>
      tpu.enqueue_dma source(%dma_start3A_262 : memref<10256xf32, #tpu.memory_space<hbm>>) target(%arg9 : memref<10256xf32, #tpu.memory_space<vmem>>) target_semaphore(%run_scoped3A : memref<!tpu.dma_semaphore, #tpu.memory_space<semaphore_mem>>)
      %dma_wait3A_263 = tpu.memref_slice %arg2[%multiple_of3A_161] : memref<20480xf32, #tpu.memory_space<hbm>> -> memref<10256xf32, #tpu.memory_space<hbm>>
      %dma_wait3A_264 = tpu.memref_slice %arg2[%multiple_of3A_161] : memref<20480xf32, #tpu.memory_space<hbm>> -> memref<10256xf32, #tpu.memory_space<hbm>>
      tpu.wait_dma2 semaphore(%run_scoped3A : memref<!tpu.dma_semaphore, #tpu.memory_space<semaphore_mem>>) src(%dma_wait3A_264 : memref<10256xf32, #tpu.memory_space<hbm>>) dst(%arg9 : memref<10256xf32, #tpu.memory_space<vmem>>)
      tpu.yield
    }) : () -> ()
    %add3A_162 = arith.addi %sub3A_160, %squeeze3A_133 : i32
    %add3A_163 = arith.constant 15 : i32
    %add3A_164 = arith.addi %add3A_162, %add3A_163 : i32
    %jit3A_165 = arith.constant 16 : i32
    %div3A_166 = arith.divsi %add3A_164, %jit3A_165 : i32
    %sign3A_167 = arith.constant 0 : i32
    %sign3A_168 = arith.cmpi sgt, %add3A_164, %sign3A_167 : i32
    %sign3A_169 = arith.extui %sign3A_168 : i1 to i32
    %sign3A_170 = arith.constant 0 : i32
    %sign3A_171 = arith.cmpi slt, %add3A_164, %sign3A_170 : i32
    %sign3A_172 = arith.extui %sign3A_171 : i1 to i32
    %sign3A_173 = arith.subi %sign3A_169, %sign3A_172 : i32
    %sign3A_174 = arith.constant 0 : i32
    %sign3A_175 = arith.cmpi sgt, %jit3A_165, %sign3A_174 : i32
    %sign3A_176 = arith.extui %sign3A_175 : i1 to i32
    %sign3A_177 = arith.constant 0 : i32
    %sign3A_178 = arith.cmpi slt, %jit3A_165, %sign3A_177 : i32
    %sign3A_179 = arith.extui %sign3A_178 : i1 to i32
    %sign3A_180 = arith.subi %sign3A_176, %sign3A_179 : i32
    %ne3A_181 = arith.cmpi ne, %sign3A_173, %sign3A_180 : i32
    %rem3A_182 = arith.remsi %add3A_164, %jit3A_165 : i32
    %ne3A_183 = arith.constant 0 : i32
    %ne3A_184 = arith.cmpi ne, %rem3A_182, %ne3A_183 : i32
    %and3A_185 = arith.andi %ne3A_181, %ne3A_184 : i1
    %sub3A_186 = arith.constant 1 : i32
    %sub3A_187 = arith.subi %div3A_166, %sub3A_186 : i32
    %select_n3A_188 = arith.select %and3A_185, %sub3A_187, %div3A_166 : i32
    %while3A_189 = arith.constant 0 : i32
    %while3A_190 = arith.constant 0 : i32
    %while3A_191 = arith.subi %select_n3A_188, %while3A_189 : i32
    %while3A_192 = arith.addi %while3A_189, %while3A_191 : i32
    %while3A_193 = arith.constant 1 : i32
    %while3A_194 = arith.divsi %while3A_191, %while3A_193 : i32
    %while3A_195 = arith.muli %while3A_194, %while3A_193 : i32
    %while3A_196 = arith.addi %while3A_189, %while3A_195 : i32
    %while3A_197 = arith.constant 1 : i32
    %while3A_198 = scf.for %while3A_261 = %while3A_189 to %while3A_196 step %while3A_197 iter_args(%while3A_262 = %while3A_190) -> (i32)  : i32 {
      %mul3A_263 = arith.constant 16 : i32
      %mul3A_264 = arith.muli %while3A_261, %mul3A_263 : i32
      %add3A_265 = vector.broadcast %mul3A_264 : i32 to vector<16xi32>
      %add3A_266 = arith.addi %iota3A, %add3A_265 : vector<16xi32>
      %mul3A_267 = arith.constant 16 : i32
      %mul3A_268 = arith.muli %while3A_261, %mul3A_267 : i32
      %get3A_269 = arith.index_cast %mul3A_268 : i32 to index
      %get3A_270 = tpu.vector_load %arg9[%get3A_269] {strides = array<i32>} : memref<10256xf32, #tpu.memory_space<vmem>>, vector<16xf32>,
      %lt3A_271 = vector.broadcast %sub3A_160 : i32 to vector<16xi32>
      %lt3A_272 = arith.cmpi slt, %add3A_266, %lt3A_271 : vector<16xi32>
      %add3A_273 = arith.addi %sub3A_160, %squeeze3A_133 : i32
      %ge3A = vector.broadcast %add3A_273 : i32 to vector<16xi32>
      %ge3A_274 = arith.cmpi sge, %add3A_266, %ge3A : vector<16xi32>
      %or3A = arith.ori %lt3A_272, %ge3A_274 : vector<16xi1>
      %jit3A_275 = arith.constant 3.000000e+38 : f32
      %broadcast_in_dim3A_276 = vector.broadcast %jit3A_275 : f32 to vector<16xf32>
      %select_n3A_277 = arith.select %or3A, %broadcast_in_dim3A_276, %get3A_270 : vector<16xi1>, vector<16xf32>
      %mul3A_278 = arith.constant 16 : i32
      %mul3A_279 = arith.muli %while3A_261, %mul3A_278 : i32
      %swap3A_280 = arith.index_cast %mul3A_279 : i32 to index
      %swap3A_281 = tpu.vector_load %arg9[%swap3A_280] {strides = array<i32>} : memref<10256xf32, #tpu.memory_space<vmem>>, vector<16xf32>,
      tpu.vector_store %arg9[%swap3A_280], %select_n3A_277 {strides = array<i32>} : memref<10256xf32, #tpu.memory_space<vmem>>, vector<16xf32>,
      %while3A_282 = arith.constant 0 : i32
      scf.yield %while3A_282 : i32
    }
    %while3A_199 = arith.constant 1 : i32
    %while3A_200 = scf.for %while3A_261 = %while3A_196 to %while3A_192 step %while3A_199 iter_args(%while3A_262 = %while3A_198) -> (i32)  : i32 {
      %mul3A_263 = arith.constant 16 : i32
      %mul3A_264 = arith.muli %while3A_261, %mul3A_263 : i32
      %add3A_265 = vector.broadcast %mul3A_264 : i32 to vector<16xi32>
      %add3A_266 = arith.addi %iota3A, %add3A_265 : vector<16xi32>
      %mul3A_267 = arith.constant 16 : i32
      %mul3A_268 = arith.muli %while3A_261, %mul3A_267 : i32
      %get3A_269 = arith.index_cast %mul3A_268 : i32 to index
      %get3A_270 = tpu.vector_load %arg9[%get3A_269] {strides = array<i32>} : memref<10256xf32, #tpu.memory_space<vmem>>, vector<16xf32>,
      %lt3A_271 = vector.broadcast %sub3A_160 : i32 to vector<16xi32>
      %lt3A_272 = arith.cmpi slt, %add3A_266, %lt3A_271 : vector<16xi32>
      %add3A_273 = arith.addi %sub3A_160, %squeeze3A_133 : i32
      %ge3A = vector.broadcast %add3A_273 : i32 to vector<16xi32>
      %ge3A_274 = arith.cmpi sge, %add3A_266, %ge3A : vector<16xi32>
      %or3A = arith.ori %lt3A_272, %ge3A_274 : vector<16xi1>
      %jit3A_275 = arith.constant 3.000000e+38 : f32
      %broadcast_in_dim3A_276 = vector.broadcast %jit3A_275 : f32 to vector<16xf32>
      %select_n3A_277 = arith.select %or3A, %broadcast_in_dim3A_276, %get3A_270 : vector<16xi1>, vector<16xf32>
      %mul3A_278 = arith.constant 16 : i32
      %mul3A_279 = arith.muli %while3A_261, %mul3A_278 : i32
      %swap3A_280 = arith.index_cast %mul3A_279 : i32 to index
      %swap3A_281 = tpu.vector_load %arg9[%swap3A_280] {strides = array<i32>} : memref<10256xf32, #tpu.memory_space<vmem>>, vector<16xf32>,
      tpu.vector_store %arg9[%swap3A_280], %select_n3A_277 {strides = array<i32>} : memref<10256xf32, #tpu.memory_space<vmem>>, vector<16xf32>,
      %while3A_282 = arith.constant 0 : i32
      scf.yield %while3A_282 : i32
    }
    %scan3A_201 = arith.constant 0 : i32
    %scan3A_202 = arith.constant 0 : i32
    %scan3A_203 = arith.constant 30 : i32
    %scan3A_204 = arith.addi %scan3A_202, %scan3A_203 : i32
    %scan3A_205 = arith.constant 1 : i32
    %scan3A_206 = scf.for %scan3A_261 = %scan3A_202 to %scan3A_204 step %scan3A_205 iter_args(%scan3A_262 = %scan3A_201) -> (i32)  : i32 {
      %broadcast_in_dim3A_263 = arith.constant 3.000000e+38 : f32
      %broadcast_in_dim3A_264 = vector.broadcast %broadcast_in_dim3A_263 : f32 to vector<16xf32>
      %broadcast_in_dim3A_265 = arith.constant 0.000000e+00 : f32
      %broadcast_in_dim3A_266 = vector.broadcast %broadcast_in_dim3A_265 : f32 to vector<16xf32>
      %while3A_267 = arith.constant 0 : i32
      %while3A_268 = arith.subi %select_n3A_188, %while3A_267 : i32
      %while3A_269 = arith.addi %while3A_267, %while3A_268 : i32
      %while3A_270 = arith.constant 1 : i32
      %while3A_271 = arith.divsi %while3A_268, %while3A_270 : i32
      %while3A_272 = arith.muli %while3A_271, %while3A_270 : i32
      %while3A_273 = arith.addi %while3A_267, %while3A_272 : i32
      %while3A_274 = arith.constant 1 : i32
      %while3A_275:2 = scf.for %while3A_305 = %while3A_267 to %while3A_273 step %while3A_274 iter_args(%while3A_306 = %broadcast_in_dim3A_264, %while3A_307 = %broadcast_in_dim3A_266) -> (vector<16xf32>, vector<16xf32>)  : i32 {
        %mul3A_308 = arith.constant 16 : i32
        %mul3A_309 = arith.muli %while3A_305, %mul3A_308 : i32
        %get3A_310 = arith.index_cast %mul3A_309 : i32 to index
        %get3A_311 = tpu.vector_load %arg9[%get3A_310] {strides = array<i32>} : memref<10256xf32, #tpu.memory_space<vmem>>, vector<16xf32>,
        %lt3A_312 = arith.cmpf olt, %get3A_311, %while3A_306 : vector<16xf32>
        %select_n3A_313 = arith.select %lt3A_312, %get3A_311, %while3A_306 : vector<16xi1>, vector<16xf32>
        %mul3A_314 = arith.constant 16 : i32
        %mul3A_315 = arith.muli %while3A_305, %mul3A_314 : i32
        %add3A_316 = vector.broadcast %mul3A_315 : i32 to vector<16xi32>
        %add3A_317 = arith.addi %iota3A, %add3A_316 : vector<16xi32>
        %convert_element_type3A_318 = arith.sitofp %add3A_317 : vector<16xi32> to vector<16xf32>
        %select_n3A_319 = arith.select %lt3A_312, %convert_element_type3A_318, %while3A_307 : vector<16xi1>, vector<16xf32>
        scf.yield %select_n3A_313, %select_n3A_319 : vector<16xf32>, vector<16xf32>
      }
      %while3A_276 = arith.constant 1 : i32
      %while3A_277:2 = scf.for %while3A_305 = %while3A_273 to %while3A_269 step %while3A_276 iter_args(%while3A_306 = %while3A_275#0, %while3A_307 = %while3A_275#1) -> (vector<16xf32>, vector<16xf32>)  : i32 {
        %mul3A_308 = arith.constant 16 : i32
        %mul3A_309 = arith.muli %while3A_305, %mul3A_308 : i32
        %get3A_310 = arith.index_cast %mul3A_309 : i32 to index
        %get3A_311 = tpu.vector_load %arg9[%get3A_310] {strides = array<i32>} : memref<10256xf32, #tpu.memory_space<vmem>>, vector<16xf32>,
        %lt3A_312 = arith.cmpf olt, %get3A_311, %while3A_306 : vector<16xf32>
        %select_n3A_313 = arith.select %lt3A_312, %get3A_311, %while3A_306 : vector<16xi1>, vector<16xf32>
        %mul3A_314 = arith.constant 16 : i32
        %mul3A_315 = arith.muli %while3A_305, %mul3A_314 : i32
        %add3A_316 = vector.broadcast %mul3A_315 : i32 to vector<16xi32>
        %add3A_317 = arith.addi %iota3A, %add3A_316 : vector<16xi32>
        %convert_element_type3A_318 = arith.sitofp %add3A_317 : vector<16xi32> to vector<16xf32>
        %select_n3A_319 = arith.select %lt3A_312, %convert_element_type3A_318, %while3A_307 : vector<16xi1>, vector<16xf32>
        scf.yield %select_n3A_313, %select_n3A_319 : vector<16xf32>, vector<16xf32>
      }
      %masked_sort3A = arith.constant dense<true> : vector<16xi1>
      %masked_sort3A_278, %masked_sort3A_279, %masked_sort3A_280 = tpu.sort %while3A_277#0, %while3A_277#1 masked %masked_sort3A : (vector<16xf32>, vector<16xf32>, vector<16xi1>) -> (vector<16xi1>, vector<16xf32>, vector<16xf32>)
      %broadcast_in_dim3A_281 = vector.shape_cast %broadcast_in_dim3A_1 : vector<16xi32> to vector<16x1xi32>
      %gather3A = vector.shape_cast %broadcast_in_dim3A_281 : vector<16x1xi32> to vector<16xi32>
      %gather3A_282 = tpu.dynamic_gather %masked_sort3A_279[%gather3A] in [0] : vector<16xf32>, vector<16xi32> -> vector<16xf32>
      %eq3A_283 = arith.cmpf oeq, %while3A_277#0, %gather3A_282 : vector<16xf32>
      %jit3A_284 = arith.constant 1.07374182E+9 : f32
      %broadcast_in_dim3A_285 = vector.broadcast %jit3A_284 : f32 to vector<16xf32>
      %select_n3A_286 = arith.select %eq3A_283, %while3A_277#1, %broadcast_in_dim3A_285 : vector<16xi1>, vector<16xf32>
      %masked_sort3A_287 = arith.constant dense<true> : vector<16xi1>
      %masked_sort3A_288, %masked_sort3A_289, %masked_sort3A_290 = tpu.sort %select_n3A_286, %select_n3A_286 masked %masked_sort3A_287 : (vector<16xf32>, vector<16xf32>, vector<16xi1>) -> (vector<16xi1>, vector<16xf32>, vector<16xf32>)
      %broadcast_in_dim3A_291 = vector.shape_cast %broadcast_in_dim3A_1 : vector<16xi32> to vector<16x1xi32>
      %gather3A_292 = vector.shape_cast %broadcast_in_dim3A_291 : vector<16x1xi32> to vector<16xi32>
      %gather3A_293 = tpu.dynamic_gather %masked_sort3A_289[%gather3A_292] in [0] : vector<16xf32>, vector<16xi32> -> vector<16xf32>
      %convert_element_type3A = arith.fptosi %gather3A_293 : vector<16xf32> to vector<16xi32>
      %lt3A_294 = arith.cmpi slt, %scan3A_261, %squeeze3A_133 : i32
      %add3A_295 = vector.broadcast %mul3A_159 : i32 to vector<16xi32>
      %add3A_296 = arith.addi %add3A_295, %convert_element_type3A : vector<16xi32>
      %select_n3A_297 = arith.select %lt3A_294, %add3A_296, %broadcast_in_dim3A_1 : vector<16xi32>
      %eq3A_298 = arith.constant 0 : i32
      %eq3A_299 = vector.broadcast %eq3A_298 : i32 to vector<16xi32>
      %eq3A_300 = arith.cmpi eq, %iota3A, %eq3A_299 : vector<16xi32>
      %broadcast_in_dim3A_301 = vector.broadcast %scan3A_261 : i32 to vector<16xi32>
      tpu.vector_store_idx %arg12[%broadcast_in_dim3A_301], %select_n3A_297 masked %eq3A_300 : memref<32xi32, #tpu.memory_space<vmem>>[vector<16xi32>], vector<16xi32>, vector<16xi1>
      %broadcast_in_dim3A_302 = arith.constant 3.000000e+38 : f32
      %broadcast_in_dim3A_303 = vector.broadcast %broadcast_in_dim3A_302 : f32 to vector<16xf32>
      tpu.vector_store_idx %arg9[%convert_element_type3A], %broadcast_in_dim3A_303 masked %eq3A_300 : memref<10256xf32, #tpu.memory_space<vmem>>[vector<16xi32>], vector<16xf32>, vector<16xi1>
      %scan3A_304 = arith.constant 0 : i32
      scf.yield %scan3A_304 : i32
    }
    %scan3A_207 = arith.constant 30 : i32
    %eq3A_208 = arith.constant 0 : i32
    %eq3A_209 = vector.broadcast %eq3A_208 : i32 to vector<16xi32>
    %eq3A_210 = arith.cmpi eq, %iota3A, %eq3A_209 : vector<16xi32>
    %broadcast_in_dim3A_211 = arith.constant 30 : i32
    %broadcast_in_dim3A_212 = vector.broadcast %broadcast_in_dim3A_211 : i32 to vector<16xi32>
    %broadcast_in_dim3A_213 = arith.constant 0 : i32
    %broadcast_in_dim3A_214 = vector.broadcast %broadcast_in_dim3A_213 : i32 to vector<16xi32>
    tpu.vector_store_idx %arg12[%broadcast_in_dim3A_212], %broadcast_in_dim3A_214 masked %eq3A_210 : memref<32xi32, #tpu.memory_space<vmem>>[vector<16xi32>], vector<16xi32>, vector<16xi1>
    %broadcast_in_dim3A_215 = arith.constant 31 : i32
    %broadcast_in_dim3A_216 = vector.broadcast %broadcast_in_dim3A_215 : i32 to vector<16xi32>
    %broadcast_in_dim3A_217 = arith.constant 0 : i32
    %broadcast_in_dim3A_218 = vector.broadcast %broadcast_in_dim3A_217 : i32 to vector<16xi32>
    tpu.vector_store_idx %arg12[%broadcast_in_dim3A_216], %broadcast_in_dim3A_218 masked %eq3A_210 : memref<32xi32, #tpu.memory_space<vmem>>[vector<16xi32>], vector<16xi32>, vector<16xi1>
    %dma_start3A_219 = arith.constant 0 : i32
    %dma_start3A_220 = arith.constant 0 : i32
    %dma_start3A_221 = tpu.memref_slice %arg4[%dma_start3A_219, %dma_start3A_220] : memref<10240x64xf32, #tpu.memory_space<hbm>> -> memref<10240x64xf32, #tpu.memory_space<hbm>>
    tpu.enqueue_indirect_dma source(%dma_start3A_221 : memref<10240x64xf32, #tpu.memory_space<hbm>>) target(%arg14 : memref<32x64xf32, #tpu.memory_space<vmem>>) offsets(%arg12 : memref<32xi32, #tpu.memory_space<vmem>>) semaphore(%arg15 : memref<!tpu.dma_semaphore, #tpu.memory_space<semaphore_mem>>)
    %dma_wait3A_222 = arith.constant 0 : i32
    %dma_wait3A_223 = arith.constant 0 : i32
    %dma_wait3A_224 = tpu.memref_slice %arg4[%dma_wait3A_222, %dma_wait3A_223] : memref<10240x64xf32, #tpu.memory_space<hbm>> -> memref<10240x64xf32, #tpu.memory_space<hbm>>
    tpu.wait_indirect_dma semaphore(%arg15 : memref<!tpu.dma_semaphore, #tpu.memory_space<semaphore_mem>>) src(%dma_wait3A_224 : memref<10240x64xf32, #tpu.memory_space<hbm>>) dst(%arg14 : memref<32x64xf32, #tpu.memory_space<vmem>>)
    %dma_start3A_225 = arith.constant 0 : i32
    %dma_start3A_226 = tpu.memref_slice %arg3[%dma_start3A_225] : memref<10240xf32, #tpu.memory_space<hbm>> -> memref<10240xf32, #tpu.memory_space<hbm>>
    tpu.enqueue_indirect_dma source(%dma_start3A_226 : memref<10240xf32, #tpu.memory_space<hbm>>) target(%arg13 : memref<32xf32, #tpu.memory_space<vmem>>) offsets(%arg12 : memref<32xi32, #tpu.memory_space<vmem>>) semaphore(%arg16 : memref<!tpu.dma_semaphore, #tpu.memory_space<semaphore_mem>>)
    %dma_wait3A_227 = arith.constant 0 : i32
    %dma_wait3A_228 = tpu.memref_slice %arg3[%dma_wait3A_227] : memref<10240xf32, #tpu.memory_space<hbm>> -> memref<10240xf32, #tpu.memory_space<hbm>>
    tpu.wait_indirect_dma semaphore(%arg16 : memref<!tpu.dma_semaphore, #tpu.memory_space<semaphore_mem>>) src(%dma_wait3A_228 : memref<10240xf32, #tpu.memory_space<hbm>>) dst(%arg13 : memref<32xf32, #tpu.memory_space<vmem>>)
    %add3A_229 = arith.constant 0 : i32
    %add3A_230 = vector.broadcast %add3A_229 : i32 to vector<16xi32>
    %add3A_231 = arith.addi %iota3A, %add3A_230 : vector<16xi32>
    %get3A_232 = arith.constant 0 : index
    %get3A_233 = tpu.vector_load %arg13[%get3A_232] {strides = array<i32>} : memref<32xf32, #tpu.memory_space<vmem>>, vector<16xf32>,
    %lt3A_234 = vector.broadcast %squeeze3A_133 : i32 to vector<16xi32>
    %lt3A_235 = arith.cmpi slt, %add3A_231, %lt3A_234 : vector<16xi32>
    %lt3A_236 = arith.constant 30 : i32
    %lt3A_237 = vector.broadcast %lt3A_236 : i32 to vector<16xi32>
    %lt3A_238 = arith.cmpi slt, %add3A_231, %lt3A_237 : vector<16xi32>
    %and3A_239 = arith.andi %lt3A_235, %lt3A_238 : vector<16xi1>
    %jit3A_240 = arith.constant 0.000000e+00 : f32
    %broadcast_in_dim3A_241 = vector.broadcast %jit3A_240 : f32 to vector<16xf32>
    %select_n3A_242 = arith.select %and3A_239, %get3A_233, %broadcast_in_dim3A_241 : vector<16xi1>, vector<16xf32>
    %swap3A_243 = arith.constant 0 : index
    %swap3A_244 = tpu.vector_load %arg13[%swap3A_243] {strides = array<i32>} : memref<32xf32, #tpu.memory_space<vmem>>, vector<16xf32>,
    tpu.vector_store %arg13[%swap3A_243], %select_n3A_242 {strides = array<i32>} : memref<32xf32, #tpu.memory_space<vmem>>, vector<16xf32>,
    %add3A_245 = arith.constant 16 : i32
    %add3A_246 = vector.broadcast %add3A_245 : i32 to vector<16xi32>
    %add3A_247 = arith.addi %iota3A, %add3A_246 : vector<16xi32>
    %get3A_248 = arith.constant 16 : index
    %get3A_249 = tpu.vector_load %arg13[%get3A_248] {strides = array<i32>} : memref<32xf32, #tpu.memory_space<vmem>>, vector<16xf32>,
    %lt3A_250 = vector.broadcast %squeeze3A_133 : i32 to vector<16xi32>
    %lt3A_251 = arith.cmpi slt, %add3A_247, %lt3A_250 : vector<16xi32>
    %lt3A_252 = arith.constant 30 : i32
    %lt3A_253 = vector.broadcast %lt3A_252 : i32 to vector<16xi32>
    %lt3A_254 = arith.cmpi slt, %add3A_247, %lt3A_253 : vector<16xi32>
    %and3A_255 = arith.andi %lt3A_251, %lt3A_254 : vector<16xi1>
    %jit3A_256 = arith.constant 0.000000e+00 : f32
    %broadcast_in_dim3A_257 = vector.broadcast %jit3A_256 : f32 to vector<16xf32>
    %select_n3A_258 = arith.select %and3A_255, %get3A_249, %broadcast_in_dim3A_257 : vector<16xi1>, vector<16xf32>
    %swap3A_259 = arith.constant 16 : index
    %swap3A_260 = tpu.vector_load %arg13[%swap3A_259] {strides = array<i32>} : memref<32xf32, #tpu.memory_space<vmem>>, vector<16xf32>,
    tpu.vector_store %arg13[%swap3A_259], %select_n3A_258 {strides = array<i32>} : memref<32xf32, #tpu.memory_space<vmem>>, vector<16xf32>,
    "tpu.region"() ({
      %run_scoped3A = tpu.sem_alloc : memref<!tpu.dma_semaphore, #tpu.memory_space<semaphore_mem>>
      %dma_start3A_261 = arith.constant 0 : i32
      %dma_start3A_262 = arith.constant 0 : i32
      %dma_start3A_263 = tpu.memref_slice %arg14[%dma_start3A_261, %dma_start3A_262] : memref<32x64xf32, #tpu.memory_space<vmem>> -> memref<30x64xf32, #tpu.memory_space<vmem>>
      %dma_start3A_264 = arith.constant 0 : i32
      %dma_start3A_265 = arith.constant 0 : i32
      %dma_start3A_266 = tpu.memref_slice %arg7[%add3A_125, %dma_start3A_264, %dma_start3A_265] : memref<64x30x64xf32, #tpu.memory_space<hbm>> -> memref<1x30x64xf32, #tpu.memory_space<hbm>>
      %dma_start3A_267 = tpu.memref_squeeze %dma_start3A_266 : memref<1x30x64xf32, #tpu.memory_space<hbm>> -> memref<30x64xf32, #tpu.memory_space<hbm>>
      %dma_start3A_268 = arith.constant 0 : i32
      %dma_start3A_269 = arith.constant 0 : i32
      %dma_start3A_270 = tpu.memref_slice %arg7[%add3A_125, %dma_start3A_268, %dma_start3A_269] : memref<64x30x64xf32, #tpu.memory_space<hbm>> -> memref<1x30x64xf32, #tpu.memory_space<hbm>>
      %dma_start3A_271 = tpu.memref_squeeze %dma_start3A_270 : memref<1x30x64xf32, #tpu.memory_space<hbm>> -> memref<30x64xf32, #tpu.memory_space<hbm>>
      %dma_start3A_272 = arith.constant 0 : i32
      %dma_start3A_273 = arith.constant 0 : i32
      %dma_start3A_274 = tpu.memref_slice %arg14[%dma_start3A_272, %dma_start3A_273] : memref<32x64xf32, #tpu.memory_space<vmem>> -> memref<30x64xf32, #tpu.memory_space<vmem>>
      tpu.enqueue_dma source(%dma_start3A_274 : memref<30x64xf32, #tpu.memory_space<vmem>>) target(%dma_start3A_271 : memref<30x64xf32, #tpu.memory_space<hbm>>) target_semaphore(%run_scoped3A : memref<!tpu.dma_semaphore, #tpu.memory_space<semaphore_mem>>)
      %dma_wait3A_275 = arith.constant 0 : i32
      %dma_wait3A_276 = arith.constant 0 : i32
      %dma_wait3A_277 = tpu.memref_slice %arg14[%dma_wait3A_275, %dma_wait3A_276] : memref<32x64xf32, #tpu.memory_space<vmem>> -> memref<30x64xf32, #tpu.memory_space<vmem>>
      %dma_wait3A_278 = arith.constant 0 : i32
      %dma_wait3A_279 = arith.constant 0 : i32
      %dma_wait3A_280 = tpu.memref_slice %arg7[%add3A_125, %dma_wait3A_278, %dma_wait3A_279] : memref<64x30x64xf32, #tpu.memory_space<hbm>> -> memref<1x30x64xf32, #tpu.memory_space<hbm>>
      %dma_wait3A_281 = tpu.memref_squeeze %dma_wait3A_280 : memref<1x30x64xf32, #tpu.memory_space<hbm>> -> memref<30x64xf32, #tpu.memory_space<hbm>>
      %dma_wait3A_282 = arith.constant 0 : i32
      %dma_wait3A_283 = arith.constant 0 : i32
      %dma_wait3A_284 = tpu.memref_slice %arg7[%add3A_125, %dma_wait3A_282, %dma_wait3A_283] : memref<64x30x64xf32, #tpu.memory_space<hbm>> -> memref<1x30x64xf32, #tpu.memory_space<hbm>>
      %dma_wait3A_285 = tpu.memref_squeeze %dma_wait3A_284 : memref<1x30x64xf32, #tpu.memory_space<hbm>> -> memref<30x64xf32, #tpu.memory_space<hbm>>
      %dma_wait3A_286 = arith.constant 0 : i32
      %dma_wait3A_287 = arith.constant 0 : i32
      %dma_wait3A_288 = tpu.memref_slice %arg14[%dma_wait3A_286, %dma_wait3A_287] : memref<32x64xf32, #tpu.memory_space<vmem>> -> memref<30x64xf32, #tpu.memory_space<vmem>>
      tpu.wait_dma2 semaphore(%run_scoped3A : memref<!tpu.dma_semaphore, #tpu.memory_space<semaphore_mem>>) src(%dma_wait3A_288 : memref<30x64xf32, #tpu.memory_space<vmem>>) dst(%dma_wait3A_285 : memref<30x64xf32, #tpu.memory_space<hbm>>)
      tpu.yield
    }) : () -> ()
    "tpu.region"() ({
      %run_scoped3A = tpu.sem_alloc : memref<!tpu.dma_semaphore, #tpu.memory_space<semaphore_mem>>
      %dma_start3A_261 = arith.constant 0 : i32
      %dma_start3A_262 = tpu.memref_slice %arg8[%add3A_125, %dma_start3A_261] : memref<64x32xf32, #tpu.memory_space<hbm>> -> memref<1x32xf32, #tpu.memory_space<hbm>>
      %dma_start3A_263 = tpu.memref_squeeze %dma_start3A_262 : memref<1x32xf32, #tpu.memory_space<hbm>> -> memref<32xf32, #tpu.memory_space<hbm>>
      %dma_start3A_264 = arith.constant 0 : i32
      %dma_start3A_265 = tpu.memref_slice %arg8[%add3A_125, %dma_start3A_264] : memref<64x32xf32, #tpu.memory_space<hbm>> -> memref<1x32xf32, #tpu.memory_space<hbm>>
      %dma_start3A_266 = tpu.memref_squeeze %dma_start3A_265 : memref<1x32xf32, #tpu.memory_space<hbm>> -> memref<32xf32, #tpu.memory_space<hbm>>
      tpu.enqueue_dma source(%arg13 : memref<32xf32, #tpu.memory_space<vmem>>) target(%dma_start3A_266 : memref<32xf32, #tpu.memory_space<hbm>>) target_semaphore(%run_scoped3A : memref<!tpu.dma_semaphore, #tpu.memory_space<semaphore_mem>>)
      %dma_wait3A_267 = arith.constant 0 : i32
      %dma_wait3A_268 = tpu.memref_slice %arg8[%add3A_125, %dma_wait3A_267] : memref<64x32xf32, #tpu.memory_space<hbm>> -> memref<1x32xf32, #tpu.memory_space<hbm>>
      %dma_wait3A_269 = tpu.memref_squeeze %dma_wait3A_268 : memref<1x32xf32, #tpu.memory_space<hbm>> -> memref<32xf32, #tpu.memory_space<hbm>>
      %dma_wait3A_270 = arith.constant 0 : i32
      %dma_wait3A_271 = tpu.memref_slice %arg8[%add3A_125, %dma_wait3A_270] : memref<64x32xf32, #tpu.memory_space<hbm>> -> memref<1x32xf32, #tpu.memory_space<hbm>>
      %dma_wait3A_272 = tpu.memref_squeeze %dma_wait3A_271 : memref<1x32xf32, #tpu.memory_space<hbm>> -> memref<32xf32, #tpu.memory_space<hbm>>
      tpu.wait_dma2 semaphore(%run_scoped3A : memref<!tpu.dma_semaphore, #tpu.memory_space<semaphore_mem>>) src(%arg13 : memref<32xf32, #tpu.memory_space<vmem>>) dst(%dma_wait3A_272 : memref<32xf32, #tpu.memory_space<hbm>>)
      tpu.yield
    }) : () -> ()
    return
  }
}

module attributes {stable_mosaic.version = 14 : i64} {
  func.func @body(%arg0: i32, %arg1: memref<512x128xf32, #tpu.memory_space<vmem>>, %arg2: memref<128x64xf32, #tpu.memory_space<vmem>>, %arg3: memref<512x64xf32, #tpu.memory_space<vmem>>) attributes {dimension_semantics = [#tpu.dimension_semantics<arbitrary>], iteration_bounds = array<i64: 20>, scalar_prefetch = 0 : i64, scratch_operands = 0 : i64, tpu.core_type = #tpu.core_type<tc>, window_params = [{transform_indices = @transform_0, window_bounds = array<i64: 512, 128>}, {pipeline_mode = #tpu.pipeline_mode<synchronous>, transform_indices = @transform_1, window_bounds = array<i64: 128, 64>}, {transform_indices = @transform_2, window_bounds = array<i64: 512, 64>}]} {
    %get3A = arith.constant 0 : index
    %get3A_0 = arith.constant 0 : index
    %get3A_1 = vector.load %arg1[%get3A, %get3A_0] : memref<512x128xf32, #tpu.memory_space<vmem>>, vector<512x128xf32>
    %get3A_2 = arith.constant 0 : index
    %get3A_3 = arith.constant 0 : index
    %get3A_4 = vector.load %arg2[%get3A_2, %get3A_3] : memref<128x64xf32, #tpu.memory_space<vmem>>, vector<128x64xf32>
    %dot_general3A = arith.constant dense<0.000000e+00> : vector<512x64xf32>
    %dot_general3A_5 = tpu.matmul %get3A_1, %get3A_4, %dot_general3A {dimension_numbers = #tpu.dot_dimension_numbers<[1], [0], [0], [1], [0, 0, 1, 1], [], []>, transpose_lhs_hint = false} : vector<512x128xf32>, vector<128x64xf32>, vector<512x64xf32> -> vector<512x64xf32>
    %swap3A = arith.constant 0 : index
    %swap3A_6 = arith.constant 0 : index
    %swap3A_7 = vector.load %arg3[%swap3A, %swap3A_6] : memref<512x64xf32, #tpu.memory_space<vmem>>, vector<512x64xf32>
    tpu.vector_store %arg3[%swap3A, %swap3A_6], %dot_general3A_5 {strides = array<i32>} : memref<512x64xf32, #tpu.memory_space<vmem>>, vector<512x64xf32>,
    return
  }
  func.func @transform_0(%arg0: i32) -> (i32, i32) {
    %c0_i32 = arith.constant 0 : i32
    %c0_i32_0 = arith.constant 0 : i32
    return %arg0, %c0_i32 : i32, i32
  }
  func.func @transform_1(%arg0: i32) -> (i32, i32) {
    %c0_i32 = arith.constant 0 : i32
    %c0_i32_0 = arith.constant 0 : i32
    %c0_i32_1 = arith.constant 0 : i32
    return %c0_i32, %c0_i32_0 : i32, i32
  }
  func.func @transform_2(%arg0: i32) -> (i32, i32) {
    %c0_i32 = arith.constant 0 : i32
    %c0_i32_0 = arith.constant 0 : i32
    return %arg0, %c0_i32 : i32, i32
  }
}

module attributes {stable_mosaic.version = 14 : i64} {
  func.func @body(%arg0: i32, %arg1: memref<512x64xf32, #tpu.memory_space<vmem>>, %arg2: memref<512x2xf32, #tpu.memory_space<vmem>>, %arg3: memref<512x64xf32, #tpu.memory_space<vmem>>, %arg4: memref<512x1xf32, #tpu.memory_space<vmem>>) attributes {dimension_semantics = [#tpu.dimension_semantics<arbitrary>], iteration_bounds = array<i64: 20>, scalar_prefetch = 0 : i64, scratch_operands = 0 : i64, tpu.core_type = #tpu.core_type<tc>, window_params = [{transform_indices = @transform_0, window_bounds = array<i64: 512, 64>}, {transform_indices = @transform_1, window_bounds = array<i64: 512, 2>}, {transform_indices = @transform_2, window_bounds = array<i64: 512, 64>}, {transform_indices = @transform_3, window_bounds = array<i64: 512, 1>}]} {
    %get3A = arith.constant 0 : index
    %get3A_0 = arith.constant 0 : index
    %get3A_1 = vector.load %arg2[%get3A, %get3A_0] : memref<512x2xf32, #tpu.memory_space<vmem>>, vector<512x1xf32>
    %get3A_2 = arith.constant 0 : index
    %get3A_3 = arith.constant 1 : index
    %get3A_4 = vector.load %arg2[%get3A_2, %get3A_3] : memref<512x2xf32, #tpu.memory_space<vmem>>, vector<512x1xf32>
    %add3A = arith.addf %get3A_1, %get3A_4 : vector<512x1xf32>
    %add3A_5 = arith.constant 1.000000e+00 : f32
    %add3A_6 = vector.broadcast %add3A_5 : f32 to vector<512x1xf32>
    %add3A_7 = arith.addf %add3A, %add3A_6 : vector<512x1xf32>
    %rsqrt3A = math.rsqrt %add3A_7 : vector<512x1xf32>
    %get3A_8 = arith.constant 0 : index
    %get3A_9 = arith.constant 0 : index
    %get3A_10 = vector.load %arg1[%get3A_8, %get3A_9] : memref<512x64xf32, #tpu.memory_space<vmem>>, vector<512x64xf32>
    %mul3A = vector.broadcast %rsqrt3A : vector<512x1xf32> to vector<512x64xf32>
    %mul3A_11 = arith.mulf %get3A_10, %mul3A : vector<512x64xf32>
    %swap3A = arith.constant 0 : index
    %swap3A_12 = arith.constant 0 : index
    %swap3A_13 = vector.load %arg3[%swap3A, %swap3A_12] : memref<512x64xf32, #tpu.memory_space<vmem>>, vector<512x64xf32>
    tpu.vector_store %arg3[%swap3A, %swap3A_12], %mul3A_11 {strides = array<i32>} : memref<512x64xf32, #tpu.memory_space<vmem>>, vector<512x64xf32>,
    %swap3A_14 = arith.constant 0 : index
    %swap3A_15 = arith.constant 0 : index
    %swap3A_16 = vector.load %arg4[%swap3A_14, %swap3A_15] : memref<512x1xf32, #tpu.memory_space<vmem>>, vector<512x1xf32>
    tpu.vector_store %arg4[%swap3A_14, %swap3A_15], %rsqrt3A {strides = array<i32>} : memref<512x1xf32, #tpu.memory_space<vmem>>, vector<512x1xf32>,
    return
  }
  func.func @transform_0(%arg0: i32) -> (i32, i32) {
    %c0_i32 = arith.constant 0 : i32
    %c0_i32_0 = arith.constant 0 : i32
    return %arg0, %c0_i32 : i32, i32
  }
  func.func @transform_1(%arg0: i32) -> (i32, i32) {
    %c0_i32 = arith.constant 0 : i32
    %c0_i32_0 = arith.constant 0 : i32
    return %arg0, %c0_i32 : i32, i32
  }
  func.func @transform_2(%arg0: i32) -> (i32, i32) {
    %c0_i32 = arith.constant 0 : i32
    %c0_i32_0 = arith.constant 0 : i32
    return %arg0, %c0_i32 : i32, i32
  }
  func.func @transform_3(%arg0: i32) -> (i32, i32) {
    %c0_i32 = arith.constant 0 : i32
    %c0_i32_0 = arith.constant 0 : i32
    return %arg0, %c0_i32 : i32, i32
  }
}

module attributes {stable_mosaic.version = 14 : i64} {
  func.func @body(%arg0: i32, %arg1: memref<2x512x64xf32, #tpu.memory_space<vmem>>, %arg2: memref<512x64xf32, #tpu.memory_space<vmem>>, %arg3: memref<512x1xf32, #tpu.memory_space<vmem>>, %arg4: memref<64x1xf32, #tpu.memory_space<vmem>>, %arg5: memref<1x64xf32, #tpu.memory_space<vmem>>, %arg6: memref<512x64xf32, #tpu.memory_space<vmem>>, %arg7: memref<512x1xf32, #tpu.memory_space<vmem>>) attributes {dimension_semantics = [#tpu.dimension_semantics<arbitrary>], iteration_bounds = array<i64: 20>, scalar_prefetch = 0 : i64, scratch_operands = 0 : i64, tpu.core_type = #tpu.core_type<tc>, window_params = [{transform_indices = @transform_0, window_bounds = array<i64: 2, 512, 64>}, {transform_indices = @transform_1, window_bounds = array<i64: 512, 64>}, {transform_indices = @transform_2, window_bounds = array<i64: 512, 1>}, {pipeline_mode = #tpu.pipeline_mode<synchronous>, transform_indices = @transform_3, window_bounds = array<i64: 64, 1>}, {pipeline_mode = #tpu.pipeline_mode<synchronous>, transform_indices = @transform_4, window_bounds = array<i64: 1, 64>}, {transform_indices = @transform_5, window_bounds = array<i64: 512, 64>}, {transform_indices = @transform_6, window_bounds = array<i64: 512, 1>}]} {
    %get3A = arith.constant 0 : index
    %get3A_0 = arith.constant 0 : index
    %get3A_1 = vector.load %arg3[%get3A, %get3A_0] : memref<512x1xf32, #tpu.memory_space<vmem>>, vector<512x1xf32>
    %get3A_2 = arith.constant 0 : index
    %get3A_3 = arith.constant 0 : index
    %get3A_4 = arith.constant 0 : index
    %get3A_5 = vector.load %arg1[%get3A_2, %get3A_3, %get3A_4] : memref<2x512x64xf32, #tpu.memory_space<vmem>>, vector<1x512x64xf32>
    %get3A_6 = vector.shape_cast %get3A_5 : vector<1x512x64xf32> to vector<512x64xf32>
    %get3A_7 = arith.constant 1 : index
    %get3A_8 = arith.constant 0 : index
    %get3A_9 = arith.constant 0 : index
    %get3A_10 = vector.load %arg1[%get3A_7, %get3A_8, %get3A_9] : memref<2x512x64xf32, #tpu.memory_space<vmem>>, vector<1x512x64xf32>
    %get3A_11 = vector.shape_cast %get3A_10 : vector<1x512x64xf32> to vector<512x64xf32>
    %add3A = arith.addf %get3A_6, %get3A_11 : vector<512x64xf32>
    %get3A_12 = arith.constant 0 : index
    %get3A_13 = arith.constant 0 : index
    %get3A_14 = vector.load %arg2[%get3A_12, %get3A_13] : memref<512x64xf32, #tpu.memory_space<vmem>>, vector<512x64xf32>
    %add3A_15 = arith.addf %add3A, %get3A_14 : vector<512x64xf32>
    %mul3A = vector.broadcast %get3A_1 : vector<512x1xf32> to vector<512x64xf32>
    %mul3A_16 = arith.mulf %add3A_15, %mul3A : vector<512x64xf32>
    %get3A_17 = arith.constant 0 : index
    %get3A_18 = arith.constant 0 : index
    %get3A_19 = vector.load %arg5[%get3A_17, %get3A_18] : memref<1x64xf32, #tpu.memory_space<vmem>>, vector<1x64xf32>
    %add3A_20 = vector.broadcast %get3A_19 : vector<1x64xf32> to vector<512x64xf32>
    %add3A_21 = arith.addf %mul3A_16, %add3A_20 : vector<512x64xf32>
    %tanh3A = math.tanh %add3A_21 : vector<512x64xf32>
    %swap3A = arith.constant 0 : index
    %swap3A_22 = arith.constant 0 : index
    %swap3A_23 = vector.load %arg6[%swap3A, %swap3A_22] : memref<512x64xf32, #tpu.memory_space<vmem>>, vector<512x64xf32>
    tpu.vector_store %arg6[%swap3A, %swap3A_22], %tanh3A {strides = array<i32>} : memref<512x64xf32, #tpu.memory_space<vmem>>, vector<512x64xf32>,
    %get3A_24 = arith.constant 0 : index
    %get3A_25 = arith.constant 0 : index
    %get3A_26 = vector.load %arg4[%get3A_24, %get3A_25] : memref<64x1xf32, #tpu.memory_space<vmem>>, vector<64x1xf32>
    %dot_general3A = arith.constant dense<0.000000e+00> : vector<512x1xf32>
    %dot_general3A_27 = tpu.matmul %tanh3A, %get3A_26, %dot_general3A {dimension_numbers = #tpu.dot_dimension_numbers<[1], [0], [0], [1], [0, 0, 1, 1], [], []>, transpose_lhs_hint = false} : vector<512x64xf32>, vector<64x1xf32>, vector<512x1xf32> -> vector<512x1xf32>
    %mul3A_28 = arith.mulf %dot_general3A_27, %get3A_1 : vector<512x1xf32>
    %swap3A_29 = arith.constant 0 : index
    %swap3A_30 = arith.constant 0 : index
    %swap3A_31 = vector.load %arg7[%swap3A_29, %swap3A_30] : memref<512x1xf32, #tpu.memory_space<vmem>>, vector<512x1xf32>
    tpu.vector_store %arg7[%swap3A_29, %swap3A_30], %mul3A_28 {strides = array<i32>} : memref<512x1xf32, #tpu.memory_space<vmem>>, vector<512x1xf32>,
    return
  }
  func.func @transform_0(%arg0: i32) -> (i32, i32, i32) {
    %c0_i32 = arith.constant 0 : i32
    %c0_i32_0 = arith.constant 0 : i32
    %c0_i32_1 = arith.constant 0 : i32
    return %c0_i32, %arg0, %c0_i32_0 : i32, i32, i32
  }
  func.func @transform_1(%arg0: i32) -> (i32, i32) {
    %c0_i32 = arith.constant 0 : i32
    %c0_i32_0 = arith.constant 0 : i32
    return %arg0, %c0_i32 : i32, i32
  }
  func.func @transform_2(%arg0: i32) -> (i32, i32) {
    %c0_i32 = arith.constant 0 : i32
    %c0_i32_0 = arith.constant 0 : i32
    return %arg0, %c0_i32 : i32, i32
  }
  func.func @transform_3(%arg0: i32) -> (i32, i32) {
    %c0_i32 = arith.constant 0 : i32
    %c0_i32_0 = arith.constant 0 : i32
    %c0_i32_1 = arith.constant 0 : i32
    return %c0_i32, %c0_i32_0 : i32, i32
  }
  func.func @transform_4(%arg0: i32) -> (i32, i32) {
    %c0_i32 = arith.constant 0 : i32
    %c0_i32_0 = arith.constant 0 : i32
    %c0_i32_1 = arith.constant 0 : i32
    return %c0_i32, %c0_i32_0 : i32, i32
  }
  func.func @transform_5(%arg0: i32) -> (i32, i32) {
    %c0_i32 = arith.constant 0 : i32
    %c0_i32_0 = arith.constant 0 : i32
    return %arg0, %c0_i32 : i32, i32
  }
  func.func @transform_6(%arg0: i32) -> (i32, i32) {
    %c0_i32 = arith.constant 0 : i32
    %c0_i32_0 = arith.constant 0 : i32
    return %arg0, %c0_i32 : i32, i32
  }
}

module attributes {stable_mosaic.version = 14 : i64} {
  func.func @body(%arg0: memref<2x10240xf32, #tpu.memory_space<vmem>>, %arg1: memref<1x10240xf32, #tpu.memory_space<vmem>>, %arg2: memref<1x10240xf32, #tpu.memory_space<vmem>>, %arg3: memref<1x1xf32, #tpu.memory_space<vmem>>, %arg4: memref<1x10240xi32, #tpu.memory_space<vmem>>, %arg5: memref<1x20480xf32, #tpu.memory_space<vmem>>, %arg6: memref<1x10240xf32, #tpu.memory_space<vmem>>, %arg7: memref<64x1xi32, #tpu.memory_space<vmem>>, %arg8: memref<64x1xi32, #tpu.memory_space<vmem>>) attributes {dimension_semantics = [], scalar_prefetch = 0 : i64, scratch_operands = 0 : i64, tpu.core_type = #tpu.core_type<tc>} {
    %get3A = arith.constant 0 : index
    %get3A_0 = arith.constant 0 : index
    %get3A_1 = vector.load %arg0[%get3A, %get3A_0] : memref<2x10240xf32, #tpu.memory_space<vmem>>, vector<1x10240xf32>
    %get3A_2 = arith.constant 1 : index
    %get3A_3 = arith.constant 0 : index
    %get3A_4 = vector.load %arg0[%get3A_2, %get3A_3] : memref<2x10240xf32, #tpu.memory_space<vmem>>, vector<1x10240xf32>
    %add3A = arith.addf %get3A_1, %get3A_4 : vector<1x10240xf32>
    %get3A_5 = arith.constant 0 : index
    %get3A_6 = arith.constant 0 : index
    %get3A_7 = vector.load %arg1[%get3A_5, %get3A_6] : memref<1x10240xf32, #tpu.memory_space<vmem>>, vector<1x10240xf32>
    %add3A_8 = arith.addf %add3A, %get3A_7 : vector<1x10240xf32>
    %get3A_9 = arith.constant 0 : index
    %get3A_10 = arith.constant 0 : index
    %get3A_11 = vector.load %arg2[%get3A_9, %get3A_10] : memref<1x10240xf32, #tpu.memory_space<vmem>>, vector<1x10240xf32>
    %mul3A = arith.mulf %add3A_8, %get3A_11 : vector<1x10240xf32>
    %get3A_12 = arith.constant 0 : index
    %get3A_13 = arith.constant 0 : index
    %get3A_14 = vector.load %arg3[%get3A_12, %get3A_13] : memref<1x1xf32, #tpu.memory_space<vmem>>, vector<1x1xf32>
    %add3A_15 = vector.broadcast %get3A_14 : vector<1x1xf32> to vector<1x10240xf32>
    %add3A_16 = arith.addf %mul3A, %add3A_15 : vector<1x10240xf32>
    %tanh3A = math.tanh %add3A_16 : vector<1x10240xf32>
    %get3A_17 = arith.constant 0 : index
    %get3A_18 = arith.constant 0 : index
    %get3A_19 = vector.load %arg4[%get3A_17, %get3A_18] : memref<1x10240xi32, #tpu.memory_space<vmem>>, vector<1x10240xi32>
    %convert_element_type3A = arith.sitofp %get3A_19 : vector<1x10240xi32> to vector<1x10240xf32>
    %get3A_20 = arith.constant 0 : index
    %get3A_21 = arith.constant 0 : index
    %get3A_22 = vector.load %arg4[%get3A_20, %get3A_21] : memref<1x10240xi32, #tpu.memory_space<vmem>>, vector<1x10240xi32>
    %lt3A = arith.constant 64 : i32
    %lt3A_23 = vector.broadcast %lt3A : i32 to vector<1x10240xi32>
    %lt3A_24 = arith.cmpi slt, %get3A_22, %lt3A_23 : vector<1x10240xi32>
    %mul3A_25 = arith.constant 1.000000e+01 : f32
    %mul3A_26 = vector.broadcast %mul3A_25 : f32 to vector<1x10240xf32>
    %mul3A_27 = arith.mulf %convert_element_type3A, %mul3A_26 : vector<1x10240xf32>
    %sub3A = arith.subf %mul3A_27, %tanh3A : vector<1x10240xf32>
    %jit3A = arith.constant 3.000000e+38 : f32
    %broadcast_in_dim3A = vector.broadcast %jit3A : f32 to vector<1x10240xf32>
    %select_n3A = arith.select %lt3A_24, %sub3A, %broadcast_in_dim3A : vector<1x10240xi1>, vector<1x10240xf32>
    %swap3A = arith.constant 0 : index
    %swap3A_28 = arith.constant 0 : index
    %swap3A_29 = vector.load %arg5[%swap3A, %swap3A_28] : memref<1x20480xf32, #tpu.memory_space<vmem>>, vector<1x10240xf32>
    tpu.vector_store %arg5[%swap3A, %swap3A_28], %select_n3A {strides = array<i32>} : memref<1x20480xf32, #tpu.memory_space<vmem>>, vector<1x10240xf32>,
    %broadcast_in_dim3A_30 = arith.constant 3.000000e+38 : f32
    %broadcast_in_dim3A_31 = vector.broadcast %broadcast_in_dim3A_30 : f32 to vector<1x10240xf32>
    %swap3A_32 = arith.constant 0 : index
    %swap3A_33 = arith.constant 10240 : index
    %swap3A_34 = vector.load %arg5[%swap3A_32, %swap3A_33] : memref<1x20480xf32, #tpu.memory_space<vmem>>, vector<1x10240xf32>
    tpu.vector_store %arg5[%swap3A_32, %swap3A_33], %broadcast_in_dim3A_31 {strides = array<i32>} : memref<1x20480xf32, #tpu.memory_space<vmem>>, vector<1x10240xf32>,
    %swap3A_35 = arith.constant 0 : index
    %swap3A_36 = arith.constant 0 : index
    %swap3A_37 = vector.load %arg6[%swap3A_35, %swap3A_36] : memref<1x10240xf32, #tpu.memory_space<vmem>>, vector<1x10240xf32>
    tpu.vector_store %arg6[%swap3A_35, %swap3A_36], %tanh3A {strides = array<i32>} : memref<1x10240xf32, #tpu.memory_space<vmem>>, vector<1x10240xf32>,
    %iota3A = tpu.iota {dimensions = array<i32: 0>} : vector<64x10240xi32>
    %get3A_38 = arith.constant 0 : index
    %get3A_39 = arith.constant 0 : index
    %get3A_40 = vector.load %arg4[%get3A_38, %get3A_39] : memref<1x10240xi32, #tpu.memory_space<vmem>>, vector<1x10240xi32>
    %eq3A = vector.broadcast %get3A_40 : vector<1x10240xi32> to vector<64x10240xi32>
    %eq3A_41 = arith.cmpi eq, %eq3A, %iota3A : vector<64x10240xi32>
    %get3A_42 = arith.constant 0 : index
    %get3A_43 = arith.constant 0 : index
    %get3A_44 = vector.load %arg4[%get3A_42, %get3A_43] : memref<1x10240xi32, #tpu.memory_space<vmem>>, vector<1x10240xi32>
    %lt3A_45 = vector.broadcast %get3A_44 : vector<1x10240xi32> to vector<64x10240xi32>
    %lt3A_46 = arith.cmpi slt, %lt3A_45, %iota3A : vector<64x10240xi32>
    %convert_element_type3A_47 = arith.extui %eq3A_41 : vector<64x10240xi1> to vector<64x10240xi32>
    %reduce_sum3A = arith.constant dense<0> : vector<64xi32>
    %reduce_sum3A_48 = vector.multi_reduction <add>, %convert_element_type3A_47, %reduce_sum3A [1] : vector<64x10240xi32> to vector<64xi32>
    %broadcast_in_dim3A_49 = vector.shape_cast %reduce_sum3A_48 : vector<64xi32> to vector<64x1xi32>
    %swap3A_50 = arith.constant 0 : index
    %swap3A_51 = arith.constant 0 : index
    %swap3A_52 = vector.load %arg8[%swap3A_50, %swap3A_51] : memref<64x1xi32, #tpu.memory_space<vmem>>, vector<64x1xi32>
    tpu.vector_store %arg8[%swap3A_50, %swap3A_51], %broadcast_in_dim3A_49 {strides = array<i32>} : memref<64x1xi32, #tpu.memory_space<vmem>>, vector<64x1xi32>,
    %convert_element_type3A_53 = arith.extui %lt3A_46 : vector<64x10240xi1> to vector<64x10240xi32>
    %reduce_sum3A_54 = arith.constant dense<0> : vector<64xi32>
    %reduce_sum3A_55 = vector.multi_reduction <add>, %convert_element_type3A_53, %reduce_sum3A_54 [1] : vector<64x10240xi32> to vector<64xi32>
    %broadcast_in_dim3A_56 = vector.shape_cast %reduce_sum3A_55 : vector<64xi32> to vector<64x1xi32>
    %swap3A_57 = arith.constant 0 : index
    %swap3A_58 = arith.constant 0 : index
    %swap3A_59 = vector.load %arg7[%swap3A_57, %swap3A_58] : memref<64x1xi32, #tpu.memory_space<vmem>>, vector<64x1xi32>
    tpu.vector_store %arg7[%swap3A_57, %swap3A_58], %broadcast_in_dim3A_56 {strides = array<i32>} : memref<64x1xi32, #tpu.memory_space<vmem>>, vector<64x1xi32>,
    return
  }
}

module attributes {stable_mosaic.version = 14 : i64} {
  func.func @body(%arg0: memref<64x1920xf32, #tpu.memory_space<vmem>>, %arg1: memref<64x32xf32, #tpu.memory_space<vmem>>, %arg2: memref<64x1xf32, #tpu.memory_space<vmem>>, %arg3: memref<1920x320xf32, #tpu.memory_space<vmem>>, %arg4: memref<32x320xf32, #tpu.memory_space<vmem>>, %arg5: memref<320x160xf32, #tpu.memory_space<vmem>>, %arg6: memref<320x160xf32, #tpu.memory_space<vmem>>, %arg7: memref<160x192xf32, #tpu.memory_space<vmem>>, %arg8: memref<1x320xf32, #tpu.memory_space<vmem>>, %arg9: memref<1x192xf32, #tpu.memory_space<vmem>>, %arg10: memref<192x128xf32, #tpu.memory_space<vmem>>, %arg11: memref<1x128xf32, #tpu.memory_space<vmem>>, %arg12: memref<128x10xf32, #tpu.memory_space<vmem>>, %arg13: memref<1x10xf32, #tpu.memory_space<vmem>>, %arg14: memref<64x10xf32, #tpu.memory_space<vmem>>, %arg15: memref<64x10xf32, #tpu.memory_space<vmem>>, %arg16: memref<64x128xf32, #tpu.memory_space<vmem>>) attributes {dimension_semantics = [], scalar_prefetch = 0 : i64, scratch_operands = 0 : i64, tpu.core_type = #tpu.core_type<tc>} {
    %iota3A = tpu.iota {dimensions = array<i32: 1>} : vector<64x1920xi32>
    %jit3A = arith.constant 64 : i32
    %div3A = vector.broadcast %jit3A : i32 to vector<64x1920xi32>
    %div3A_0 = arith.divsi %iota3A, %div3A : vector<64x1920xi32>
    %sign3A = arith.constant 0 : i32
    %sign3A_1 = vector.broadcast %sign3A : i32 to vector<64x1920xi32>
    %sign3A_2 = arith.cmpi sgt, %iota3A, %sign3A_1 : vector<64x1920xi32>
    %sign3A_3 = arith.extui %sign3A_2 : vector<64x1920xi1> to vector<64x1920xi32>
    %sign3A_4 = arith.constant 0 : i32
    %sign3A_5 = vector.broadcast %sign3A_4 : i32 to vector<64x1920xi32>
    %sign3A_6 = arith.cmpi slt, %iota3A, %sign3A_5 : vector<64x1920xi32>
    %sign3A_7 = arith.extui %sign3A_6 : vector<64x1920xi1> to vector<64x1920xi32>
    %sign3A_8 = arith.subi %sign3A_3, %sign3A_7 : vector<64x1920xi32>
    %sign3A_9 = arith.constant 0 : i32
    %sign3A_10 = arith.cmpi sgt, %jit3A, %sign3A_9 : i32
    %sign3A_11 = arith.extui %sign3A_10 : i1 to i32
    %sign3A_12 = arith.constant 0 : i32
    %sign3A_13 = arith.cmpi slt, %jit3A, %sign3A_12 : i32
    %sign3A_14 = arith.extui %sign3A_13 : i1 to i32
    %sign3A_15 = arith.subi %sign3A_11, %sign3A_14 : i32
    %ne3A = vector.broadcast %sign3A_15 : i32 to vector<64x1920xi32>
    %ne3A_16 = arith.cmpi ne, %sign3A_8, %ne3A : vector<64x1920xi32>
    %rem3A = vector.broadcast %jit3A : i32 to vector<64x1920xi32>
    %rem3A_17 = arith.remsi %iota3A, %rem3A : vector<64x1920xi32>
    %ne3A_18 = arith.constant 0 : i32
    %ne3A_19 = vector.broadcast %ne3A_18 : i32 to vector<64x1920xi32>
    %ne3A_20 = arith.cmpi ne, %rem3A_17, %ne3A_19 : vector<64x1920xi32>
    %and3A = arith.andi %ne3A_16, %ne3A_20 : vector<64x1920xi1>
    %sub3A = arith.constant 1 : i32
    %sub3A_21 = vector.broadcast %sub3A : i32 to vector<64x1920xi32>
    %sub3A_22 = arith.subi %div3A_0, %sub3A_21 : vector<64x1920xi32>
    %select_n3A = arith.select %and3A, %sub3A_22, %div3A_0 : vector<64x1920xi1>, vector<64x1920xi32>
    %convert_element_type3A = arith.sitofp %select_n3A : vector<64x1920xi32> to vector<64x1920xf32>
    %get3A = arith.constant 0 : index
    %get3A_23 = arith.constant 0 : index
    %get3A_24 = vector.load %arg2[%get3A, %get3A_23] : memref<64x1xf32, #tpu.memory_space<vmem>>, vector<64x1xf32>
    %lt3A = vector.broadcast %get3A_24 : vector<64x1xf32> to vector<64x1920xf32>
    %lt3A_25 = arith.cmpf olt, %convert_element_type3A, %lt3A : vector<64x1920xf32>
    %get3A_26 = arith.constant 0 : index
    %get3A_27 = arith.constant 0 : index
    %get3A_28 = vector.load %arg0[%get3A_26, %get3A_27] : memref<64x1920xf32, #tpu.memory_space<vmem>>, vector<64x1920xf32>
    %jit3A_29 = arith.constant 0.000000e+00 : f32
    %broadcast_in_dim3A = vector.broadcast %jit3A_29 : f32 to vector<64x1920xf32>
    %select_n3A_30 = arith.select %lt3A_25, %get3A_28, %broadcast_in_dim3A : vector<64x1920xi1>, vector<64x1920xf32>
    %get3A_31 = arith.constant 0 : index
    %get3A_32 = arith.constant 0 : index
    %get3A_33 = vector.load %arg3[%get3A_31, %get3A_32] : memref<1920x320xf32, #tpu.memory_space<vmem>>, vector<1920x320xf32>
    %dot_general3A = arith.constant dense<0.000000e+00> : vector<64x320xf32>
    %dot_general3A_34 = tpu.matmul %select_n3A_30, %get3A_33, %dot_general3A {dimension_numbers = #tpu.dot_dimension_numbers<[1], [0], [0], [1], [0, 0, 1, 1], [], []>, transpose_lhs_hint = false} : vector<64x1920xf32>, vector<1920x320xf32>, vector<64x320xf32> -> vector<64x320xf32>
    %get3A_35 = arith.constant 0 : index
    %get3A_36 = arith.constant 0 : index
    %get3A_37 = vector.load %arg1[%get3A_35, %get3A_36] : memref<64x32xf32, #tpu.memory_space<vmem>>, vector<64x32xf32>
    %get3A_38 = arith.constant 0 : index
    %get3A_39 = arith.constant 0 : index
    %get3A_40 = vector.load %arg4[%get3A_38, %get3A_39] : memref<32x320xf32, #tpu.memory_space<vmem>>, vector<32x320xf32>
    %dot_general3A_41 = arith.constant dense<0.000000e+00> : vector<64x320xf32>
    %dot_general3A_42 = tpu.matmul %get3A_37, %get3A_40, %dot_general3A_41 {dimension_numbers = #tpu.dot_dimension_numbers<[1], [0], [0], [1], [0, 0, 1, 1], [], []>, transpose_lhs_hint = false} : vector<64x32xf32>, vector<32x320xf32>, vector<64x320xf32> -> vector<64x320xf32>
    %add3A = arith.addf %dot_general3A_34, %dot_general3A_42 : vector<64x320xf32>
    %get3A_43 = arith.constant 0 : index
    %get3A_44 = arith.constant 0 : index
    %get3A_45 = vector.load %arg8[%get3A_43, %get3A_44] : memref<1x320xf32, #tpu.memory_space<vmem>>, vector<1x320xf32>
    %add3A_46 = vector.broadcast %get3A_45 : vector<1x320xf32> to vector<64x320xf32>
    %add3A_47 = arith.addf %add3A, %add3A_46 : vector<64x320xf32>
    %max3A = arith.constant 0.000000e+00 : f32
    %max3A_48 = vector.broadcast %max3A : f32 to vector<64x320xf32>
    %max3A_49 = arith.maximumf %add3A_47, %max3A_48 : vector<64x320xf32>
    %get3A_50 = arith.constant 0 : index
    %get3A_51 = arith.constant 0 : index
    %get3A_52 = vector.load %arg5[%get3A_50, %get3A_51] : memref<320x160xf32, #tpu.memory_space<vmem>>, vector<320x160xf32>
    %dot_general3A_53 = arith.constant dense<0.000000e+00> : vector<64x160xf32>
    %dot_general3A_54 = tpu.matmul %max3A_49, %get3A_52, %dot_general3A_53 {dimension_numbers = #tpu.dot_dimension_numbers<[1], [0], [0], [1], [0, 0, 1, 1], [], []>, transpose_lhs_hint = false} : vector<64x320xf32>, vector<320x160xf32>, vector<64x160xf32> -> vector<64x160xf32>
    %get3A_55 = arith.constant 0 : index
    %get3A_56 = arith.constant 0 : index
    %get3A_57 = vector.load %arg6[%get3A_55, %get3A_56] : memref<320x160xf32, #tpu.memory_space<vmem>>, vector<320x160xf32>
    %dot_general3A_58 = arith.constant dense<0.000000e+00> : vector<64x160xf32>
    %dot_general3A_59 = tpu.matmul %max3A_49, %get3A_57, %dot_general3A_58 {dimension_numbers = #tpu.dot_dimension_numbers<[1], [0], [0], [1], [0, 0, 1, 1], [], []>, transpose_lhs_hint = false} : vector<64x320xf32>, vector<320x160xf32>, vector<64x160xf32> -> vector<64x160xf32>
    %max3A_60 = arith.maximumf %dot_general3A_54, %dot_general3A_59 : vector<64x160xf32>
    %get3A_61 = arith.constant 0 : index
    %get3A_62 = arith.constant 0 : index
    %get3A_63 = vector.load %arg7[%get3A_61, %get3A_62] : memref<160x192xf32, #tpu.memory_space<vmem>>, vector<160x192xf32>
    %dot_general3A_64 = arith.constant dense<0.000000e+00> : vector<64x192xf32>
    %dot_general3A_65 = tpu.matmul %max3A_60, %get3A_63, %dot_general3A_64 {dimension_numbers = #tpu.dot_dimension_numbers<[1], [0], [0], [1], [0, 0, 1, 1], [], []>, transpose_lhs_hint = false} : vector<64x160xf32>, vector<160x192xf32>, vector<64x192xf32> -> vector<64x192xf32>
    %get3A_66 = arith.constant 0 : index
    %get3A_67 = arith.constant 0 : index
    %get3A_68 = vector.load %arg9[%get3A_66, %get3A_67] : memref<1x192xf32, #tpu.memory_space<vmem>>, vector<1x192xf32>
    %add3A_69 = vector.broadcast %get3A_68 : vector<1x192xf32> to vector<64x192xf32>
    %add3A_70 = arith.addf %dot_general3A_65, %add3A_69 : vector<64x192xf32>
    %max3A_71 = arith.constant 0.000000e+00 : f32
    %max3A_72 = vector.broadcast %max3A_71 : f32 to vector<64x192xf32>
    %max3A_73 = arith.maximumf %add3A_70, %max3A_72 : vector<64x192xf32>
    %get3A_74 = arith.constant 0 : index
    %get3A_75 = arith.constant 0 : index
    %get3A_76 = vector.load %arg10[%get3A_74, %get3A_75] : memref<192x128xf32, #tpu.memory_space<vmem>>, vector<192x128xf32>
    %dot_general3A_77 = arith.constant dense<0.000000e+00> : vector<64x128xf32>
    %dot_general3A_78 = tpu.matmul %max3A_73, %get3A_76, %dot_general3A_77 {dimension_numbers = #tpu.dot_dimension_numbers<[1], [0], [0], [1], [0, 0, 1, 1], [], []>, transpose_lhs_hint = false} : vector<64x192xf32>, vector<192x128xf32>, vector<64x128xf32> -> vector<64x128xf32>
    %get3A_79 = arith.constant 0 : index
    %get3A_80 = arith.constant 0 : index
    %get3A_81 = vector.load %arg11[%get3A_79, %get3A_80] : memref<1x128xf32, #tpu.memory_space<vmem>>, vector<1x128xf32>
    %add3A_82 = vector.broadcast %get3A_81 : vector<1x128xf32> to vector<64x128xf32>
    %add3A_83 = arith.addf %dot_general3A_78, %add3A_82 : vector<64x128xf32>
    %max3A_84 = arith.constant 0.000000e+00 : f32
    %max3A_85 = vector.broadcast %max3A_84 : f32 to vector<64x128xf32>
    %max3A_86 = arith.maximumf %add3A_83, %max3A_85 : vector<64x128xf32>
    %get3A_87 = arith.constant 0 : index
    %get3A_88 = arith.constant 0 : index
    %get3A_89 = vector.load %arg12[%get3A_87, %get3A_88] : memref<128x10xf32, #tpu.memory_space<vmem>>, vector<128x10xf32>
    %dot_general3A_90 = arith.constant dense<0.000000e+00> : vector<64x10xf32>
    %dot_general3A_91 = tpu.matmul %max3A_86, %get3A_89, %dot_general3A_90 {dimension_numbers = #tpu.dot_dimension_numbers<[1], [0], [0], [1], [0, 0, 1, 1], [], []>, transpose_lhs_hint = false} : vector<64x128xf32>, vector<128x10xf32>, vector<64x10xf32> -> vector<64x10xf32>
    %get3A_92 = arith.constant 0 : index
    %get3A_93 = arith.constant 0 : index
    %get3A_94 = vector.load %arg13[%get3A_92, %get3A_93] : memref<1x10xf32, #tpu.memory_space<vmem>>, vector<1x10xf32>
    %add3A_95 = vector.broadcast %get3A_94 : vector<1x10xf32> to vector<64x10xf32>
    %add3A_96 = arith.addf %dot_general3A_91, %add3A_95 : vector<64x10xf32>
    %reduce_max3A = arith.constant dense<0xFF800000> : vector<64xf32>
    %reduce_max3A_97 = vector.multi_reduction <maximumf>, %add3A_96, %reduce_max3A [1] : vector<64x10xf32> to vector<64xf32>
    %broadcast_in_dim3A_98 = vector.shape_cast %reduce_max3A_97 : vector<64xf32> to vector<64x1xf32>
    %sub3A_99 = vector.broadcast %broadcast_in_dim3A_98 : vector<64x1xf32> to vector<64x10xf32>
    %sub3A_100 = arith.subf %add3A_96, %sub3A_99 : vector<64x10xf32>
    %exp3A = math.exp %sub3A_100 : vector<64x10xf32>
    %reduce_sum3A = arith.constant dense<0.000000e+00> : vector<64xf32>
    %reduce_sum3A_101 = vector.multi_reduction <add>, %exp3A, %reduce_sum3A [1] : vector<64x10xf32> to vector<64xf32>
    %broadcast_in_dim3A_102 = vector.shape_cast %reduce_sum3A_101 : vector<64xf32> to vector<64x1xf32>
    %log3A = math.log %broadcast_in_dim3A_102 : vector<64x1xf32>
    %add3A_103 = arith.addf %log3A, %broadcast_in_dim3A_98 : vector<64x1xf32>
    %sub3A_104 = vector.broadcast %add3A_103 : vector<64x1xf32> to vector<64x10xf32>
    %sub3A_105 = arith.subf %add3A_96, %sub3A_104 : vector<64x10xf32>
    %swap3A = arith.constant 0 : index
    %swap3A_106 = arith.constant 0 : index
    %swap3A_107 = vector.load %arg14[%swap3A, %swap3A_106] : memref<64x10xf32, #tpu.memory_space<vmem>>, vector<64x10xf32>
    tpu.vector_store %arg14[%swap3A, %swap3A_106], %sub3A_105 {strides = array<i32>} : memref<64x10xf32, #tpu.memory_space<vmem>>, vector<64x10xf32>,
    %swap3A_108 = arith.constant 0 : index
    %swap3A_109 = arith.constant 0 : index
    %swap3A_110 = vector.load %arg15[%swap3A_108, %swap3A_109] : memref<64x10xf32, #tpu.memory_space<vmem>>, vector<64x10xf32>
    tpu.vector_store %arg15[%swap3A_108, %swap3A_109], %add3A_96 {strides = array<i32>} : memref<64x10xf32, #tpu.memory_space<vmem>>, vector<64x10xf32>,
    %swap3A_111 = arith.constant 0 : index
    %swap3A_112 = arith.constant 0 : index
    %swap3A_113 = vector.load %arg16[%swap3A_111, %swap3A_112] : memref<64x128xf32, #tpu.memory_space<vmem>>, vector<64x128xf32>
    tpu.vector_store %arg16[%swap3A_111, %swap3A_112], %max3A_86 {strides = array<i32>} : memref<64x128xf32, #tpu.memory_space<vmem>>, vector<64x128xf32>,
    return
  }
}

</mosaic_0001>

<sc_bundles>
// kernel: kernel.11.cloned.1.call-start
scs
__scs_entry_jumppad:
0x0: {  	(pc) =	sbr.rel $0x88, $3  }
0x1: {  	(tag) =	ssettag $0x0;
	lr =	simm.s32 $0x1  }
0x2: {  	[smem:$0x3F92] =	sst lr;
	_ =	strace $0xD0000000  }
0x3: {  	_ = 	snop  }
0x4: {  	_ = 	snop  }
0x5: {  	_ = 	snop  }
0x6: {  	_ = 	snop  }
0x7: {  	_ = 	snop  }
__scs_overlays_trampoline_lowered:
0x8: {  	[smem:$0x3FA1] =	sst s0  }
0x9: {  	[smem:$0x3FA2] =	sst s1  }
0xa: {  	[smem:$0x3FA3] =	sst s2  }
0xb: {  	[smem:$0x3FA4] =	sst s3  }
0xc: {  	[smem:$0x3FA5] =	sst s4  }
0xd: {  	[smem:$0x3FA6] =	sst s5  }
0xe: {  	[smem:$0x3FA7] =	sst s6  }
0xf: {  	[smem:$0x3FA8] =	sst s7  }
0x10: {  	[smem:$0x3FA9] =	sst s8  }
0x11: {  	[smem:$0x3FAA] =	sst s9;
	s0 =	simm.s32 @!p0 $0x0  }
0x12: {  	s1 =	sld [smem:$0x3F90];
	s0 =	simm.s32 @p0 $0x1  }
0x13: {  	[smem:$0x3FAB] =	sst s0;
	s0 =	simm.s32 @!p1 $0x0  }
0x14: {  	s2 =	sld [smem:$0x3F8F];
	s0 =	simm.s32 @p1 $0x1  }
0x15: {  	[smem:$0x3FAC] =	sst s0;
	s0 =	simm.s32 @!p2 $0x0  }
0x16: {  	s3 =	sld [smem:$0x3FDB];
	s0 =	simm.s32 @p2 $0x1  }
0x17: {  	s4 =	simm.s32 $0x1BF5;
	[smem:$0x3FAE] =	sst s0  }
0x18: {  	s0 =	sld [smem:$0x3F91];
	_ =	swait.ge [sflag:s4], $0x0  }
0x19: {  	s7 =	sld [smem:$0x3F92]  }
0x1a: {  	s8 =	sadd.s32 $0xFFFFE003, lr  }
0x1b: {  	s9 =	sadd.s32 $0xFFFFFEF7, lr;
	s5 =	simm.s32 $0xFFFFFFFF;
	p2 =	slt.u32 s8, $0xFFFFF086  }
0x1c: {  	p1 =	slt.u32 s9, $0xF7A;
	s5 =	simm.s32 @!p2 $0x0  }
0x1d: {  	s5 =	simm.s32 @p1 $0x1;
	p0 =	seq.s32 s7, s2  }
0x1e: {  	s7 =	smul.u32 @!p0 $0xF7A, s2;
	p2 =	seq.s32 @!p0 s5, $0x0  }
0x1f: {  	s9 =	smul.u32 $0xF7A, s1;
	s8 =	simm.s32 @!p0 $0x1BF5;
	p2 =	por !p2, p0  }
0x20: {  	[sflag:s8] =	ssyncset.s32 @!p0 $0xFFFFF086;
	s6 =	sadd.s32 @!p0 s3, s7;
	s7 =	simm.s32 @!p0 $0x108  }
0x21: {  	s3 =	sadd.s32 s3, s9;
	s6 =	sadd.s32 @!p0 $0x88, s6;
	s7 =	simm.s32 @p2 $0x1082  }
0x22: {  	[simem:s7], [sflag:s8] =	dma.local @!p0 [hbm:s6], $0xF7A  }
0x23: {  	s9 =	sor.u32 $0xD0000000, s2;
	s6 =	simm.s32 $0x108;
	_ =	swait.ge @!p0 [sflag:s8], $0x0  }
0x24: {  	s3 =	sadd.s32 $0x88, s3;
	s6 =	simm.s32 @!p1 $0x1082;
	[sflag:s4] =	ssyncset.s32 $0xFFFFF086  }
0x25: {  	[simem:s6], [sflag:s4] =	dma.local [hbm:s3], $0xF7A  }
0x26: {  	[smem:$0x3F92] =	sst s1;
	(tag) =	ssettag s2;
	_ =	strace s9  }
0x27: {  	s1 =	sld [smem:$0x3FA2]  }
0x28: {  	s2 =	sld [smem:$0x3FA3]  }
0x29: {  	s4 =	sld [smem:$0x3FA5]  }
0x2a: {  	p0 =	seq.s32 s5, $0x0;
	s5 =	sld [smem:$0x3FA6]  }
0x2b: {  	s6 =	sld [smem:$0x3FA7]  }
0x2c: {  	s7 =	sld [smem:$0x3FA8]  }
0x2d: {  	s3 =	simm.s32 $0x108;
	s8 =	sld [smem:$0x3FA9]  }
0x2e: {  	s3 =	simm.s32 @!p0 $0x1082;
	s9 =	sld [smem:$0x3FAA]  }
0x2f: {  	lr =	sadd.s32 s0, s3;
	s0 =	sld [smem:$0x3FA1]  }
0x30: {  	s3 =	sld [smem:$0x3FA4]  }
0x31: {  	[smem:$0x3FAD] =	sst s10  }
0x32: {  	s10 =	sld [smem:$0x3FAB];
	_ =	sdelay $0x3  }
0x33: {  	p0 =	seq.s32 s10, $0x1;
	s10 =	sld [smem:$0x3FAD];
	_ =	sdelay $0x3  }
0x34: {  	[smem:$0x3FAD] =	sst s10  }
0x35: {  	s10 =	sld [smem:$0x3FAC];
	_ =	sdelay $0x3  }
0x36: {  	p1 =	seq.s32 s10, $0x1;
	s10 =	sld [smem:$0x3FAD];
	_ =	sdelay $0x3  }
0x37: {  	[smem:$0x3FAD] =	sst s10  }
0x38: {  	s10 =	sld [smem:$0x3FAE]  }
0x39: {  	_ = 	snop;
	(pc) =	sbr.ind lr, $3  }
0x3a: {  	_ = 	snop  }
0x3b: {  	_ = 	snop  }
0x3c: {  	p2 =	seq.s32 s10, $0x1;
	s10 =	sld [smem:$0x3FAD]  }
0x3d: {  	_ =	shalt  }
0x3e: {  	_ =	shalt  }
0x3f: {  	_ =	shalt  }
0x40: {  	_ =	shalt  }
0x41: {  	_ =	shalt  }
0x42: {  	_ =	shalt  }
0x43: {  	_ =	shalt  }
0x44: {  	_ =	shalt  }
0x45: {  	_ =	shalt  }
0x46: {  	_ =	shalt  }
0x47: {  	_ =	shalt  }
0x48: {  	_ =	shalt  }
0x49: {  	_ =	shalt  }
0x4a: {  	_ =	shalt  }
0x4b: {  	_ =	shalt  }
0x4c: {  	_ =	shalt  }
0x4d: {  	_ =	shalt  }
0x4e: {  	_ =	shalt  }
0x4f: {  	_ =	shalt  }
0x50: {  	_ =	shalt  }
0x51: {  	_ =	shalt  }
0x52: {  	_ =	shalt  }
0x53: {  	_ =	shalt  }
0x54: {  	_ =	shalt  }
0x55: {  	_ =	shalt  }
0x56: {  	_ =	shalt  }
0x57: {  	_ =	shalt  }
0x58: {  	_ =	shalt  }
0x59: {  	_ =	shalt  }
0x5a: {  	_ =	shalt  }
0x5b: {  	_ =	shalt  }
0x5c: {  	_ =	shalt  }
0x5d: {  	_ =	shalt  }
0x5e: {  	_ =	shalt  }
0x5f: {  	_ =	shalt  }
0x60: {  	_ =	shalt  }
0x61: {  	_ =	shalt  }
0x62: {  	_ =	shalt  }
0x63: {  	_ =	shalt  }
0x64: {  	_ =	shalt  }
0x65: {  	_ =	shalt  }
0x66: {  	_ =	shalt  }
0x67: {  	_ =	shalt  }
0x68: {  	_ =	shalt  }
0x69: {  	_ =	shalt  }
0x6a: {  	_ =	shalt  }
0x6b: {  	_ =	shalt  }
0x6c: {  	_ =	shalt  }
0x6d: {  	_ =	shalt  }
0x6e: {  	_ =	shalt  }
0x6f: {  	_ =	shalt  }
0x70: {  	_ =	shalt  }
0x71: {  	_ =	shalt  }
0x72: {  	_ =	shalt  }
0x73: {  	_ =	shalt  }
0x74: {  	_ =	shalt  }
0x75: {  	_ =	shalt  }
0x76: {  	_ =	shalt  }
0x77: {  	_ =	shalt  }
0x78: {  	_ =	shalt  }
0x79: {  	_ =	shalt  }
0x7a: {  	_ =	shalt  }
0x7b: {  	_ =	shalt  }
0x7c: {  	_ =	shalt  }
0x7d: {  	_ =	shalt  }
0x7e: {  	_ =	shalt  }
0x7f: {  	_ =	shalt  }
0x80: {  	_ =	shalt  }
0x81: {  	_ =	shalt  }
0x82: {  	_ =	shalt  }
0x83: {  	_ =	shalt  }
0x84: {  	_ =	shalt  }
0x85: {  	_ =	shalt  }
0x86: {  	_ =	shalt  }
0x87: {  	_ =	shalt  }
.Lfunc_end0:
.L_simem_size_0:
called_computation_lowered:
.L_overlay_start_0:
0x88: {  	s2 =	sld [smem:$0x3FD9]  }
0x89: {  	s3 =	sld [smem:$0x3FFE];
	_ =	sdelay $0x1  }
0x8a: {  	s1 =	srdreg.scid  }
0x8b: {  	s0 =	sand.u32 $0x1, s1  }
0x8c: {  	s16 =	sshll.u32 s0, $0xA;
	s2 =	sadd.s32 s3, s2  }
0x8d: {  	s2 =	sadd.s32 s2, s16  }
0x8e: {  	[smem:$0x3FB9] =	sst s2  }
0x8f: {  	_ = 	snop  }
0x90: {  	(tm) =	ssettm $0x1  }
0x91: {  	s17 =	sld [smem:$0x3FFB];
	_ =	sdelay $0x3  }
0x92: {  	_ =	strace s17  }
0x93: {  	s2 =	sld [smem:$0x3FFC];
	_ =	sdelay $0x3  }
0x94: {  	_ =	strace s2  }
0x95: {  	s2 =	sld [smem:$0x3FFD];
	_ =	sdelay $0x3  }
0x96: {  	_ =	strace s2  }
0x97: {  	_ =	strace $0x8FFFFFFF  }
0x98: {  	s18 =	sld [smem:$0x3FDB];
	_ =	sdelay $0x1  }
0x99: {  	s19 =	simm.s32 $_scs_section_size  }
0x9a: {  	s4 =	simm.s32 $_size__tile_overlayer_lowered;
	s5 =	simm.s32 $_tile_overlayer_lowered  }
0x9b: {  	s22 =	simm.s32 $0x1BFF;
	s21 =	sshll.u32 s5, $0x1;
	s2 =	sadd.s32 s19, s18  }
0x9c: {  	s6 =	simm.s32 $0x0;
	s20 =	sshll.u32 s4, $0x1;
	s4 =	sadd.s32 s21, s2  }
0x9d: {  	[timem:s6], [sflag:s22] =	dma.local [hbm:s4], s20  }
0x9e: {  	_ =	swait.ge [sflag:s22], s20  }
0x9f: {  	s3 =	ssub.s32 $0x0, s20;
	[sflag:s22] =	ssyncset.done $0x0  }
0xa0: {  	[sflag:s22] =	ssyncadd.s32 s3;
	_ =	sdelay $0x1  }
0xa1: {  	s23 =	simm.s32 $0x1B8B  }
0xa2: {  	_ =	swait.ge [sflag:s23], $0x1  }
0xa3: {  	[sflag:s23] =	ssyncset.done $0x0  }
0xa4: {  	s25 =	simm.s32 $0x1B8E;
	s24 =	sld [smem:$0x3FFE];
	[sflag:s23] =	ssyncadd.s32 $0xFFFFFFFF  }
0xa5: {  	s26 =	simm.s32 $execute0_lowered;
	[smem:$0x3FD2] =	sst s25  }
0xa6: {  	s4 =	sshll.u32 s26, $0x1;
	_ =	strace $0x80000046;
	[dreg:$0x1] =	wrdreg $0xFFFFFFFF  }
0xa7: {  	s28 =	simm.s32 $_size_execute0_lowered;
	s2 =	sadd.s32 s2, s4;
	[dreg:$0x0] =	wrdreg $0x0  }
0xa8: {  	s4 =	sshll.u32 s28, $0x1;
	[dreg:$0x2] =	wrdreg s2  }
0xa9: {  	[dreg:$0x3] =	wrdreg s4  }
0xaa: {  	[dreg:$0x4] =	wrdreg $0xC0  }
0xab: {  	_ =	task [dreg:s6], $0x5FFFF  }
0xac: {  	[dreg:$0x1] =	wrdreg $0xFFFFFFFF  }
0xad: {  	[dreg:$0x0] =	wrdreg $0x60  }
0xae: {  	[dreg:$0x2] =	wrdreg s24  }
0xaf: {  	[dreg:$0x3] =	wrdreg $0x7A800  }
0xb0: {  	[dreg:$0x4] =	wrdreg $0x9  }
0xb1: {  	_ =	task.clear_ibuf [dreg:s6], $0x5FFFF;
	_ =	strace $0x90000046  }
0xb2: {  	s29 =	simm.s32 $0x9;
	_ =	strace $0x80000048  }
0xb3: {  	_ =	swait.ge [sflag:s29], $0x1  }
0xb4: {  	[sflag:s29] =	ssyncadd.s32 $0xFFFFFFFF  }
0xb5: {  	_ =	strace $0x90000048  }
0xb6: {  	_ =	sfence  }
0xb7: {  	s30 =	sld [smem:$0x0];
	_ =	sdelay $0x2  }
0xb8: {  	s31 =	sshll.u32 s1, $0xD;
	s1 =	sshrl.u32 s1, $0x2  }
0xb9: {  	s3 =	sand.u32 $0x4000, s31;
	s1 =	sadd.s32 s1, s30  }
0xba: {  	s0 =	sor.u32 s3, s0;
	s1 =	sshll.u32 s1, $0x11  }
0xbb: {  	s0 =	sor.u32 s1, s0  }
0xbc: {  	s0 =	sadd.s32 $0x8F2B, s0  }
0xbd: {  	[sflag:s0] =	ssyncadd.remote.s32 $0x1  }
0xbe: {  	_ =	sfence.sel $0xFFFF  }
0xbf: {  	[dreg:$0x0] =	wrdreg $0xFFFFFFFF;
	(pc) =	sbr.abs _section_cstart, $3  }
0xc0: {  	[dreg:$0x1] =	wrdreg $0xFFFFFFFF  }
0xc1: {  	_ =	task.clear_ibuf [dreg:s6], $0x2FFFF;
	_ =	strace $0x9FFFFFFF  }
0xc2: {  	(tm) =	ssettm $0x7FFFFFFF  }
0xc3: {  	_ =	shalt  }
tec
execute0_lowered:
.L_overlay_start_1:
0x0: {  	(tag) =	ssettag $0x1  }
0x1: {  	s4 =	rddreg [dreg:$0x0];
	s0 =	srdreg.scid  }
0x2: {  	s2 =	rddreg [dreg:$0x1];
	s1 =	stileid.u32  }
0x3: {  	s3 =	simm.s32 $0x0;
	s10 =	simm.s32 $0x2800;
	s11 =	simm.s32 $0x7800  }
0x4: {  	s12 =	simm.s32 $0x5000;
	s15 =	simm.s32 $0x0;
	s5 =	sand.u32 $0x1, s0  }
0x5: {  	s0 =	rddreg [dreg:$0x2];
	s7 =	smul.u32 $0x280, s1;
	s6 =	sshll.u32 s5, $0x4  }
0x6: {  	[smem:$0x7FF] =	sst s3;
	s8 =	smul.u32 $0x2800, s5;
	s6 =	sor.u32 s1, s6  }
0x7: {  	s13 =	sshll.u32 s1, $0x6;
	_ =	strace $0x80000047;
	s6 =	smul.u32 $0x500, s6  }
0x8: {  	s5 =	ssub.s32 $0x2, s5;
	s13 =	sor.u32 $0x1C01, s13;
	s8 =	sadd.s32 s7, s8  }
0x9: {  	s9 =	sshrl.u32 s5, $0x1;
	s8 =	sshrl.u32 s8, $0x3;
	s6 =	sadd.s32 s6, s4  }
0xa: {  	s9 =	ssub.s32 s5, s9;
	s8 =	sadd.s32 s8, s4;
	s4 =	sadd.s32 $0xD200, s6  }
0xb: {  	s5 =	sadd.s32 $0x3200, s6;
	s6 =	sadd.s32 s7, s2;
	s7 =	sadd.s32 $0x17800, s8  }
0xc: {  	v0 =	vimm.f32 $0.0e+00;
	v1 =	vimm.f32 $1.000000000e+00;
	s8 =	smax.u32 s9, $0x1;
	s9 =	simm.s32 $0x1;
	s14 =	sshrl.u32 s6, $0x3  }
.LBB2_1:
0xd: {  	[tilespmem:s3], [sflag:$0x1] =	stream.linear.gather [hbm4b:s4+s3], $0x2800, $0x38;
	[tilespmem:$0x7D00] =	vst v63  }
0xe: {  	_ =	swait.ge [sflag:s9], $0x2800  }
0xf: {  	[sflag:s9] =	ssyncset.done $0x0  }
0x10: {  	[sflag:s9] =	ssyncadd.s32 $0xFFFFD800  }
0x11: {  	[tilespmem:s10], [sflag:$0x1] =	stream.linear.gather [hbm4b:s5+s3], $0x2800, $0x38;
	[tilespmem:$0x7D00] =	vst v63  }
0x12: {  	_ =	swait.ge [sflag:s9], $0x2800  }
0x13: {  	[sflag:s9] =	ssyncset.done $0x0  }
0x14: {  	[sflag:s9] =	ssyncadd.s32 $0xFFFFD800  }
0x15: {  	[tilespmem:$0x7800] =	vst v0  }
0x16: {  	[tilespmem:$0x7810] =	vst v0  }
0x17: {  	[tilespmem:$0x7820] =	vst v0  }
0x18: {  	[tilespmem:$0x7830] =	vst v0  }
0x19: {  	[tilespmem:$0x7840] =	vst v0  }
0x1a: {  	[tilespmem:$0x7850] =	vst v0  }
0x1b: {  	[tilespmem:$0x7860] =	vst v0  }
0x1c: {  	[tilespmem:$0x7870] =	vst v0  }
0x1d: {  	[tilespmem:$0x7880] =	vst v0  }
0x1e: {  	[tilespmem:$0x7890] =	vst v0  }
0x1f: {  	[tilespmem:$0x78A0] =	vst v0  }
0x20: {  	[tilespmem:$0x78B0] =	vst v0  }
0x21: {  	[tilespmem:$0x78C0] =	vst v0  }
0x22: {  	[tilespmem:$0x78D0] =	vst v0  }
0x23: {  	[tilespmem:$0x78E0] =	vst v0  }
0x24: {  	[tilespmem:$0x78F0] =	vst v0  }
0x25: {  	[tilespmem:$0x7900] =	vst v0  }
0x26: {  	[tilespmem:$0x7910] =	vst v0  }
0x27: {  	[tilespmem:$0x7920] =	vst v0  }
0x28: {  	[tilespmem:$0x7930] =	vst v0  }
0x29: {  	[tilespmem:$0x7940] =	vst v0  }
0x2a: {  	[tilespmem:$0x7950] =	vst v0  }
0x2b: {  	[tilespmem:$0x7960] =	vst v0  }
0x2c: {  	[tilespmem:$0x7970] =	vst v0  }
0x2d: {  	[tilespmem:$0x7980] =	vst v0  }
0x2e: {  	[tilespmem:$0x7990] =	vst v0  }
0x2f: {  	[tilespmem:$0x79A0] =	vst v0  }
0x30: {  	[tilespmem:$0x79B0] =	vst v0  }
0x31: {  	[tilespmem:$0x79C0] =	vst v0  }
0x32: {  	[tilespmem:$0x79D0] =	vst v0  }
0x33: {  	[tilespmem:$0x79E0] =	vst v0  }
0x34: {  	[tilespmem:$0x79F0] =	vst v0  }
0x35: {  	[tilespmem:$0x7A00] =	vst v0  }
0x36: {  	[tilespmem:$0x7A10] =	vst v0  }
0x37: {  	[tilespmem:$0x7A20] =	vst v0  }
0x38: {  	[tilespmem:$0x7A30] =	vst v0  }
0x39: {  	[tilespmem:$0x7A40] =	vst v0  }
0x3a: {  	[tilespmem:$0x7A50] =	vst v0  }
0x3b: {  	[tilespmem:$0x7A60] =	vst v0  }
0x3c: {  	[tilespmem:$0x7A70] =	vst v0  }
0x3d: {  	[spmem:s6] =	stream.linear.scatter [tilespmem:s11], [sflag:$0x1], $0x280, $0x38;
	[tilespmem:$0x7D00] =	vst v63  }
0x3e: {  	_ =	swait.ge [sflag:s9], $0x280  }
0x3f: {  	[sflag:s9] =	ssyncset.done $0x0  }
0x40: {  	s16 =	simm.s32 $0x0;
	[sflag:s9] =	ssyncadd.s32 $0xFFFFFD80  }
0x41: {  	s17 =	simm.s32 $0x40;
	v2 =	vld [tilespmem:s16+$0x0]  }
.LBB2_2:
0x42: {  	p0 =	sne.s32 s17, $0x9FC0;
	v3 =	vld [tilespmem:s16+$0x2800];
	[tilespmem:s16+$0x5000] =	vst v1;
	_ =	sdelay $0x2  }
.Ltmp0:
0x43: {  	(pc) =	sbr.rel @p0 .LBB2_2-.Ltmp0, $4  }
0x44: {  	_ = 	snop  }
0x45: {  	vm0 =	veq.s32 v2, v3  }
0x46: {  	s18 =	sshra.s32 s17, $0x2;
	v3 =	vsel vm0, $0x2720, v3  }
0x47: {  	s17 =	sadd.s32 $0x40, s17;
	v2 =	vld [tilespmem:s18+$0x0];
	[tilespmem:s16+$0x2800] =	vst v3;
	s16 =	smov.u32 s18  }
0x48: {  	v3 =	vld [tilespmem:s16+$0x2800];
	_ =	sdelay $0x4  }
0x49: {  	vm0 =	veq.s32 v2, v3  }
0x4a: {  	[tilespmem:s16+$0x5000] =	vst v1;
	v2 =	vsel vm0, $0x2720, v3  }
0x4b: {  	[tilespmem:s16+$0x2800] =	vst v2  }
0x4c: {  	[bflag:$0x0] =	sbarrier.arrive $0xFFFF  }
0x4d: {  	[spmem:s2] =	stream.indirect.scatter.add.f32 [tilespmem:s12], [sflag:$0x1], $0x1, s10, s10, $0xb8;
	[tilespmem:$0x7D00] =	vst v63  }
0x4e: {  	_ =	swait.ge [sflag:s9], $0x2800  }
0x4f: {  	s15 =	sadd.s32 $0x1, s15;
	[sflag:s9] =	ssyncset.done $0x0  }
0x50: {  	p0 =	sne.s32 s15, s8;
	[sflag:s9] =	ssyncadd.s32 $0xFFFFD800  }
.Ltmp1:
0x51: {  	[bflag:$0x0] =	sbarrier.arrive $0xFFFF;
	(pc) =	sbr.rel @p0 .LBB2_1-.Ltmp1, $4  }
0x52: {  	[hbm:s7], [sflag:s13] =	dma.local [spmem:s14], $0x50  }
0x53: {  	_ =	swait.ge [sflag:s9], $0x50  }
0x54: {  	[sflag:s9] =	ssyncset.done $0x0  }
0x55: {  	[sflag:s9] =	ssyncadd.s32 $0xFFFFFFB0  }
0x56: {  	_ =	sfence.sel $0x180000  }
0x57: {  	[bflag:$0x0] =	sbarrier.arrive $0xFFFF  }
0x58: {  	p0 =	sne.s32 s1, $0x0;
	_ =	strace $0x90000047  }
0x59: {  	s0 =	sadd.s32 @!p0 $0x100000, s0;
	[bflag:$0x2] =	sbarrier.arrive $0xFFFF  }
0x5a: {  	[sflag:s0] =	ssyncadd.tile.s32 @!p0 $0x1;
	_ =	shalt  }
.Lfunc_end2:
_tile_overlayer_lowered:
.L_overlay_start_2:
0x5b: {  	(tag) =	ssettag $0x2  }
0x5c: {  	s0 =	rddreg [dreg:$0x0];
	s2 =	stileid.u32  }
0x5d: {  	s1 =	rddreg [dreg:$0x1];
	p0 =	sne.s32 s2, $0x0  }
0x5e: {  	s3 =	rddreg [dreg:$0x2];
	[bflag:$0x3] =	sbarrier.arrive $0xFFFF;
	s2 =	simm.s32 @!p0 $0x1C01  }
0x5f: {  	[timem:s3], [sflag:s2] =	dma.local @!p0 [hbm:s0], s1  }
0x60: {  	s0 =	simm.s32 @!p0 $0x1  }
0x61: {  	_ =	swait.ge @!p0 [sflag:s0], s1  }
0x62: {  	s1 =	ssub.s32 @!p0 $0x0, s1;
	[sflag:s0] =	ssyncset.done @!p0 $0x0  }
0x63: {  	[sflag:s0] =	ssyncadd.s32 @!p0 s1  }
0x64: {  	[bflag:$0x3] =	sbarrier.arrive $0xFFFF  }
0x65: {  	_ =	shalt  }

// kernel: kernel.14.cloned.1.call-start
scs
__scs_entry_jumppad:
0x0: {  	(pc) =	sbr.rel $0x88, $3  }
0x1: {  	(tag) =	ssettag $0x0;
	lr =	simm.s32 $0x1  }
0x2: {  	[smem:$0x3F92] =	sst lr;
	_ =	strace $0xD0000000  }
0x3: {  	_ = 	snop  }
0x4: {  	_ = 	snop  }
0x5: {  	_ = 	snop  }
0x6: {  	_ = 	snop  }
0x7: {  	_ = 	snop  }
__scs_overlays_trampoline_lowered:
0x8: {  	[smem:$0x3FA1] =	sst s0  }
0x9: {  	[smem:$0x3FA2] =	sst s1  }
0xa: {  	[smem:$0x3FA3] =	sst s2  }
0xb: {  	[smem:$0x3FA4] =	sst s3  }
0xc: {  	[smem:$0x3FA5] =	sst s4  }
0xd: {  	[smem:$0x3FA6] =	sst s5  }
0xe: {  	[smem:$0x3FA7] =	sst s6  }
0xf: {  	[smem:$0x3FA8] =	sst s7  }
0x10: {  	[smem:$0x3FA9] =	sst s8  }
0x11: {  	[smem:$0x3FAA] =	sst s9;
	s0 =	simm.s32 @!p0 $0x0  }
0x12: {  	s1 =	sld [smem:$0x3F90];
	s0 =	simm.s32 @p0 $0x1  }
0x13: {  	[smem:$0x3FAB] =	sst s0;
	s0 =	simm.s32 @!p1 $0x0  }
0x14: {  	s2 =	sld [smem:$0x3F8F];
	s0 =	simm.s32 @p1 $0x1  }
0x15: {  	[smem:$0x3FAC] =	sst s0;
	s0 =	simm.s32 @!p2 $0x0  }
0x16: {  	s3 =	sld [smem:$0x3FDB];
	s0 =	simm.s32 @p2 $0x1  }
0x17: {  	s4 =	simm.s32 $0x1BF5;
	[smem:$0x3FAE] =	sst s0  }
0x18: {  	s0 =	sld [smem:$0x3F91];
	_ =	swait.ge [sflag:s4], $0x0  }
0x19: {  	s7 =	sld [smem:$0x3F92]  }
0x1a: {  	s8 =	sadd.s32 $0xFFFFE003, lr  }
0x1b: {  	s9 =	sadd.s32 $0xFFFFFEF7, lr;
	s5 =	simm.s32 $0xFFFFFFFF;
	p2 =	slt.u32 s8, $0xFFFFF086  }
0x1c: {  	p1 =	slt.u32 s9, $0xF7A;
	s5 =	simm.s32 @!p2 $0x0  }
0x1d: {  	s5 =	simm.s32 @p1 $0x1;
	p0 =	seq.s32 s7, s2  }
0x1e: {  	s7 =	smul.u32 @!p0 $0xF7A, s2;
	p2 =	seq.s32 @!p0 s5, $0x0  }
0x1f: {  	s9 =	smul.u32 $0xF7A, s1;
	s8 =	simm.s32 @!p0 $0x1BF5;
	p2 =	por !p2, p0  }
0x20: {  	[sflag:s8] =	ssyncset.s32 @!p0 $0xFFFFF086;
	s6 =	sadd.s32 @!p0 s3, s7;
	s7 =	simm.s32 @!p0 $0x108  }
0x21: {  	s3 =	sadd.s32 s3, s9;
	s6 =	sadd.s32 @!p0 $0x88, s6;
	s7 =	simm.s32 @p2 $0x1082  }
0x22: {  	[simem:s7], [sflag:s8] =	dma.local @!p0 [hbm:s6], $0xF7A  }
0x23: {  	s9 =	sor.u32 $0xD0000000, s2;
	s6 =	simm.s32 $0x108;
	_ =	swait.ge @!p0 [sflag:s8], $0x0  }
0x24: {  	s3 =	sadd.s32 $0x88, s3;
	s6 =	simm.s32 @!p1 $0x1082;
	[sflag:s4] =	ssyncset.s32 $0xFFFFF086  }
0x25: {  	[simem:s6], [sflag:s4] =	dma.local [hbm:s3], $0xF7A  }
0x26: {  	[smem:$0x3F92] =	sst s1;
	(tag) =	ssettag s2;
	_ =	strace s9  }
0x27: {  	s1 =	sld [smem:$0x3FA2]  }
0x28: {  	s2 =	sld [smem:$0x3FA3]  }
0x29: {  	s4 =	sld [smem:$0x3FA5]  }
0x2a: {  	p0 =	seq.s32 s5, $0x0;
	s5 =	sld [smem:$0x3FA6]  }
0x2b: {  	s6 =	sld [smem:$0x3FA7]  }
0x2c: {  	s7 =	sld [smem:$0x3FA8]  }
0x2d: {  	s3 =	simm.s32 $0x108;
	s8 =	sld [smem:$0x3FA9]  }
0x2e: {  	s3 =	simm.s32 @!p0 $0x1082;
	s9 =	sld [smem:$0x3FAA]  }
0x2f: {  	lr =	sadd.s32 s0, s3;
	s0 =	sld [smem:$0x3FA1]  }
0x30: {  	s3 =	sld [smem:$0x3FA4]  }
0x31: {  	[smem:$0x3FAD] =	sst s10  }
0x32: {  	s10 =	sld [smem:$0x3FAB];
	_ =	sdelay $0x3  }
0x33: {  	p0 =	seq.s32 s10, $0x1;
	s10 =	sld [smem:$0x3FAD];
	_ =	sdelay $0x3  }
0x34: {  	[smem:$0x3FAD] =	sst s10  }
0x35: {  	s10 =	sld [smem:$0x3FAC];
	_ =	sdelay $0x3  }
0x36: {  	p1 =	seq.s32 s10, $0x1;
	s10 =	sld [smem:$0x3FAD];
	_ =	sdelay $0x3  }
0x37: {  	[smem:$0x3FAD] =	sst s10  }
0x38: {  	s10 =	sld [smem:$0x3FAE]  }
0x39: {  	_ = 	snop;
	(pc) =	sbr.ind lr, $3  }
0x3a: {  	_ = 	snop  }
0x3b: {  	_ = 	snop  }
0x3c: {  	p2 =	seq.s32 s10, $0x1;
	s10 =	sld [smem:$0x3FAD]  }
0x3d: {  	_ =	shalt  }
0x3e: {  	_ =	shalt  }
0x3f: {  	_ =	shalt  }
0x40: {  	_ =	shalt  }
0x41: {  	_ =	shalt  }
0x42: {  	_ =	shalt  }
0x43: {  	_ =	shalt  }
0x44: {  	_ =	shalt  }
0x45: {  	_ =	shalt  }
0x46: {  	_ =	shalt  }
0x47: {  	_ =	shalt  }
0x48: {  	_ =	shalt  }
0x49: {  	_ =	shalt  }
0x4a: {  	_ =	shalt  }
0x4b: {  	_ =	shalt  }
0x4c: {  	_ =	shalt  }
0x4d: {  	_ =	shalt  }
0x4e: {  	_ =	shalt  }
0x4f: {  	_ =	shalt  }
0x50: {  	_ =	shalt  }
0x51: {  	_ =	shalt  }
0x52: {  	_ =	shalt  }
0x53: {  	_ =	shalt  }
0x54: {  	_ =	shalt  }
0x55: {  	_ =	shalt  }
0x56: {  	_ =	shalt  }
0x57: {  	_ =	shalt  }
0x58: {  	_ =	shalt  }
0x59: {  	_ =	shalt  }
0x5a: {  	_ =	shalt  }
0x5b: {  	_ =	shalt  }
0x5c: {  	_ =	shalt  }
0x5d: {  	_ =	shalt  }
0x5e: {  	_ =	shalt  }
0x5f: {  	_ =	shalt  }
0x60: {  	_ =	shalt  }
0x61: {  	_ =	shalt  }
0x62: {  	_ =	shalt  }
0x63: {  	_ =	shalt  }
0x64: {  	_ =	shalt  }
0x65: {  	_ =	shalt  }
0x66: {  	_ =	shalt  }
0x67: {  	_ =	shalt  }
0x68: {  	_ =	shalt  }
0x69: {  	_ =	shalt  }
0x6a: {  	_ =	shalt  }
0x6b: {  	_ =	shalt  }
0x6c: {  	_ =	shalt  }
0x6d: {  	_ =	shalt  }
0x6e: {  	_ =	shalt  }
0x6f: {  	_ =	shalt  }
0x70: {  	_ =	shalt  }
0x71: {  	_ =	shalt  }
0x72: {  	_ =	shalt  }
0x73: {  	_ =	shalt  }
0x74: {  	_ =	shalt  }
0x75: {  	_ =	shalt  }
0x76: {  	_ =	shalt  }
0x77: {  	_ =	shalt  }
0x78: {  	_ =	shalt  }
0x79: {  	_ =	shalt  }
0x7a: {  	_ =	shalt  }
0x7b: {  	_ =	shalt  }
0x7c: {  	_ =	shalt  }
0x7d: {  	_ =	shalt  }
0x7e: {  	_ =	shalt  }
0x7f: {  	_ =	shalt  }
0x80: {  	_ =	shalt  }
0x81: {  	_ =	shalt  }
0x82: {  	_ =	shalt  }
0x83: {  	_ =	shalt  }
0x84: {  	_ =	shalt  }
0x85: {  	_ =	shalt  }
0x86: {  	_ =	shalt  }
0x87: {  	_ =	shalt  }
.Lfunc_end0:
.L_simem_size_0:
called_computation.1_lowered:
.L_overlay_start_0:
0x88: {  	s2 =	sld [smem:$0x3FD9]  }
0x89: {  	s3 =	sld [smem:$0x3FFE];
	_ =	sdelay $0x1  }
0x8a: {  	s1 =	srdreg.scid  }
0x8b: {  	s0 =	sand.u32 $0x1, s1  }
0x8c: {  	s16 =	sshll.u32 s0, $0xA;
	s2 =	sadd.s32 s3, s2  }
0x8d: {  	s2 =	sadd.s32 s2, s16  }
0x8e: {  	[smem:$0x3FB9] =	sst s2  }
0x8f: {  	_ = 	snop  }
0x90: {  	(tm) =	ssettm $0x1  }
0x91: {  	s17 =	sld [smem:$0x3FFB];
	_ =	sdelay $0x3  }
0x92: {  	_ =	strace s17  }
0x93: {  	s2 =	sld [smem:$0x3FFC];
	_ =	sdelay $0x3  }
0x94: {  	_ =	strace s2  }
0x95: {  	s2 =	sld [smem:$0x3FFD];
	_ =	sdelay $0x3  }
0x96: {  	_ =	strace s2  }
0x97: {  	_ =	strace $0x8FFFFFFF  }
0x98: {  	s18 =	sld [smem:$0x3FDB];
	_ =	sdelay $0x1  }
0x99: {  	s19 =	simm.s32 $_scs_section_size  }
0x9a: {  	s4 =	simm.s32 $_size__tile_overlayer_lowered;
	s5 =	simm.s32 $_tile_overlayer_lowered  }
0x9b: {  	s22 =	simm.s32 $0x1BFF;
	s21 =	sshll.u32 s5, $0x1;
	s2 =	sadd.s32 s19, s18  }
0x9c: {  	s6 =	simm.s32 $0x0;
	s20 =	sshll.u32 s4, $0x1;
	s4 =	sadd.s32 s21, s2  }
0x9d: {  	[timem:s6], [sflag:s22] =	dma.local [hbm:s4], s20  }
0x9e: {  	_ =	swait.ge [sflag:s22], s20  }
0x9f: {  	s3 =	ssub.s32 $0x0, s20;
	[sflag:s22] =	ssyncset.done $0x0  }
0xa0: {  	[sflag:s22] =	ssyncadd.s32 s3;
	_ =	sdelay $0x1  }
0xa1: {  	s23 =	simm.s32 $0x1B8B  }
0xa2: {  	_ =	swait.ge [sflag:s23], $0x1  }
0xa3: {  	[sflag:s23] =	ssyncset.done $0x0  }
0xa4: {  	s25 =	simm.s32 $0x1B8E;
	s24 =	sld [smem:$0x3FFE];
	[sflag:s23] =	ssyncadd.s32 $0xFFFFFFFF  }
0xa5: {  	s26 =	simm.s32 $execute0_lowered;
	[smem:$0x3FD2] =	sst s25  }
0xa6: {  	s4 =	sshll.u32 s26, $0x1;
	_ =	strace $0x80000049;
	[dreg:$0x1] =	wrdreg $0xFFFFFFFF  }
0xa7: {  	s28 =	simm.s32 $_size_execute0_lowered;
	s2 =	sadd.s32 s2, s4;
	[dreg:$0x0] =	wrdreg $0x0  }
0xa8: {  	s4 =	sshll.u32 s28, $0x1;
	[dreg:$0x2] =	wrdreg s2  }
0xa9: {  	[dreg:$0x3] =	wrdreg s4  }
0xaa: {  	[dreg:$0x4] =	wrdreg $0xC0  }
0xab: {  	_ =	task [dreg:s6], $0x5FFFF  }
0xac: {  	[dreg:$0x1] =	wrdreg $0xFFFFFFFF  }
0xad: {  	[dreg:$0x0] =	wrdreg $0x60  }
0xae: {  	[dreg:$0x2] =	wrdreg s24  }
0xaf: {  	[dreg:$0x3] =	wrdreg $0xF0000  }
0xb0: {  	[dreg:$0x4] =	wrdreg $0x9  }
0xb1: {  	_ =	task.clear_ibuf [dreg:s6], $0x5FFFF;
	_ =	strace $0x90000049  }
0xb2: {  	s29 =	simm.s32 $0x9;
	_ =	strace $0x8000004B  }
0xb3: {  	_ =	swait.ge [sflag:s29], $0x1  }
0xb4: {  	[sflag:s29] =	ssyncadd.s32 $0xFFFFFFFF  }
0xb5: {  	_ =	strace $0x9000004B  }
0xb6: {  	_ =	sfence  }
0xb7: {  	s30 =	sld [smem:$0x0];
	_ =	sdelay $0x2  }
0xb8: {  	s31 =	sshll.u32 s1, $0xD;
	s1 =	sshrl.u32 s1, $0x2  }
0xb9: {  	s3 =	sand.u32 $0x4000, s31;
	s1 =	sadd.s32 s1, s30  }
0xba: {  	s0 =	sor.u32 s3, s0;
	s1 =	sshll.u32 s1, $0x11  }
0xbb: {  	s0 =	sor.u32 s1, s0  }
0xbc: {  	s0 =	sadd.s32 $0x8F2B, s0  }
0xbd: {  	[sflag:s0] =	ssyncadd.remote.s32 $0x1  }
0xbe: {  	_ =	sfence.sel $0xFFFF  }
0xbf: {  	[dreg:$0x0] =	wrdreg $0xFFFFFFFF;
	(pc) =	sbr.abs _section_cstart, $3  }
0xc0: {  	[dreg:$0x1] =	wrdreg $0xFFFFFFFF  }
0xc1: {  	_ =	task.clear_ibuf [dreg:s6], $0x2FFFF;
	_ =	strace $0x9FFFFFFF  }
0xc2: {  	(tm) =	ssettm $0x7FFFFFFF  }
0xc3: {  	_ =	shalt  }
tec
execute0_lowered:
.L_overlay_start_1:
0x0: {  	(tag) =	ssettag $0x1  }
0x1: {  	s0 =	srdreg.scid  }
0x2: {  	s3 =	stileid.u32;
	s5 =	rddreg [dreg:$0x0]  }
0x3: {  	s2 =	rddreg [dreg:$0x1];
	s4 =	simm.s32 $0x0;
	s14 =	simm.s32 $0x9  }
0x4: {  	s15 =	simm.s32 $0x2800;
	s16 =	simm.s32 $0xD000;
	s17 =	simm.s32 $0x80  }
0x5: {  	s18 =	simm.s32 $0x5000;
	s19 =	simm.s32 $0x7000;
	s21 =	simm.s32 $0x9000  }
0x6: {  	s23 =	simm.s32 $0xB000;
	s24 =	simm.s32 $0x1;
	s28 =	simm.s32 $0x3  }
0x7: {  	s30 =	simm.s32 $0x5;
	s20 =	simm.s32 $0x6;
	s29 =	simm.s32 $0x8  }
0x8: {  	s0 =	sand.u32 $0x1, s0;
	s7 =	smul.u32 $0xA000, s3;
	[smem:$0x7FF] =	sst s4  }
0x9: {  	s8 =	smul.u32 $0x28000, s3;
	s4 =	sadd.s32 $0x17200, s5;
	s1 =	sshll.u32 s0, $0x4  }
0xa: {  	s25 =	smul.u32 $0xA0000, s0;
	_ =	strace $0x8000004A;
	s0 =	ssub.s32 $0x2, s0  }
0xb: {  	s1 =	sor.u32 s3, s1;
	s26 =	sshrl.u32 s0, $0x1;
	s31 =	sshrl.u32 s8, $0x2  }
0xc: {  	s1 =	smul.u32 $0x500, s1;
	s6 =	sadd.s32 s7, s25;
	s0 =	ssub.s32 s0, s26  }
0xd: {  	s11 =	sadd.s32 s31, s2;
	s7 =	sadd.s32 s7, s2;
	s25 =	simm.s32 $0x2  }
.Ltmp0:
0xe: {  	s26 =	simm.s32 $0x7;
	s6 =	sshrl.u32 s6, $0x3;
	(pc) =	sbr.rel .LBB2_1-.Ltmp0, $4  }
0xf: {  	s8 =	sadd.s32 $0x2000, s11;
	s9 =	sadd.s32 $0x4000, s11;
	s10 =	sadd.s32 $0x6000, s11  }
0x10: {  	s11 =	sadd.s32 $0x8000, s11;
	s13 =	smax.u32 s0, $0x1;
	s1 =	sadd.s32 s1, s5  }
0x11: {  	s0 =	simm.s32 $0x0;
	s12 =	sadd.s32 s6, s5;
	s5 =	sadd.s32 $0xD200, s1  }
0x12: {  	v0 =	vimm.f32 $0.0e+00;
	s6 =	sadd.s32 $0x3200, s1;
	s12 =	sadd.s32 $0x2B200, s12;
	s1 =	simm.s32 $0x4  }
.LBB2_8:
0x13: {  	_ =	swait.ge [sflag:s1], $0x2000  }
0x14: {  	[sflag:s1] =	ssyncset.done $0x0  }
0x15: {  	s3 =	simm.s32 $0x4F80;
	[sflag:s1] =	ssyncadd.s32 $0xFFFFE000  }
0x16: {  	[spmem:s2] =	stream.indirect.scatter.add.f32 [tilespmem:s23], [sflag:$0x8], $0x40, s3, s17, $0xb8;
	[tilespmem:$0x19000] =	vst v63  }
0x17: {  	_ =	swait.ge [sflag:s30], $0x2000  }
0x18: {  	[sflag:s30] =	ssyncset.done $0x0  }
0x19: {  	[sflag:s30] =	ssyncadd.s32 $0xFFFFE000  }
0x1a: {  	_ =	swait.ge [sflag:s20], $0x2000  }
0x1b: {  	[sflag:s20] =	ssyncset.done $0x0  }
0x1c: {  	[sflag:s20] =	ssyncadd.s32 $0xFFFFE000  }
0x1d: {  	_ =	swait.ge [sflag:s26], $0x2000  }
0x1e: {  	[sflag:s26] =	ssyncset.done $0x0  }
0x1f: {  	[sflag:s26] =	ssyncadd.s32 $0xFFFFE000  }
0x20: {  	s31 =	stileid.u32;
	_ =	swait.ge [sflag:s29], $0x2000  }
0x21: {  	s22 =	sshrl.u32 s7, $0x3;
	s0 =	sadd.s32 $0x1, s0;
	[sflag:s29] =	ssyncset.done $0x0  }
0x22: {  	p0 =	sne.s32 s0, s13;
	s3 =	sshll.u32 s31, $0x6;
	[sflag:s29] =	ssyncadd.s32 $0xFFFFE000  }
.Ltmp1:
0x23: {  	s3 =	sor.u32 $0x1C09, s3;
	[bflag:$0x0] =	sbarrier.arrive $0xFFFF;
	(pc) =	sbr.rel @!p0 .LBB2_9-.Ltmp1, $4  }
0x24: {  	[hbm:s12], [sflag:s3] =	dma.local [spmem:s22], $0x1400  }
0x25: {  	_ =	swait.ge [sflag:s14], $0x1400  }
0x26: {  	[sflag:s14] =	ssyncset.done $0x0  }
0x27: {  	[sflag:s14] =	ssyncadd.s32 $0xFFFFEC00  }
.LBB2_1:
0x28: {  	s3 =	simm.s32 $0x0  }
0x29: {  	[tilespmem:s3], [sflag:$0x9] =	stream.linear.gather [hbm4b:s5+s3], $0x2800, $0x38;
	[tilespmem:$0x19000] =	vst v63  }
0x2a: {  	_ =	swait.ge [sflag:s14], $0x2800  }
0x2b: {  	[sflag:s14] =	ssyncset.done $0x0  }
0x2c: {  	[sflag:s14] =	ssyncadd.s32 $0xFFFFD800  }
0x2d: {  	[tilespmem:s15], [sflag:$0x9] =	stream.linear.gather [hbm4b:s6+s3], $0x2800, $0x38;
	[tilespmem:$0x19000] =	vst v63  }
0x2e: {  	_ =	swait.ge [sflag:s14], $0x2800  }
0x2f: {  	[sflag:s14] =	ssyncset.done $0x0  }
0x30: {  	s31 =	simm.s32 $0x100;
	s22 =	simm.s32 $0x0;
	[sflag:s14] =	ssyncadd.s32 $0xFFFFD800  }
.LBB2_2:
0x31: {  	p0 =	sne.s32 s31, $0x7F00;
	[tilespmem:s22+$0xD030] =	vst v0;
	s3 =	smov.u32 s31;
	s31 =	sadd.s32 $0x100, s31  }
.Ltmp2:
0x32: {  	[tilespmem:s22+$0xD020] =	vst v0;
	(pc) =	sbr.rel @p0 .LBB2_2-.Ltmp2, $3  }
0x33: {  	[tilespmem:s22+$0xD000] =	vst v0  }
0x34: {  	[tilespmem:s22+$0xD010] =	vst v0;
	_ =	sdelay $0x1  }
0x35: {  	s22 =	sshra.s32 s3, $0x2  }
0x36: {  	[tilespmem:s22+$0xD030] =	vst v0  }
0x37: {  	[tilespmem:s22+$0xD020] =	vst v0  }
0x38: {  	[tilespmem:s22+$0xD000] =	vst v0  }
0x39: {  	[tilespmem:s22+$0xD010] =	vst v0  }
0x3a: {  	[spmem:s7] =	stream.linear.scatter [tilespmem:s16], [sflag:$0x9], $0x2000, $0x38;
	[tilespmem:$0x19000] =	vst v63  }
0x3b: {  	_ =	swait.ge [sflag:s14], $0x2000  }
0x3c: {  	[sflag:s14] =	ssyncset.done $0x0  }
0x3d: {  	[sflag:s14] =	ssyncadd.s32 $0xFFFFE000  }
0x3e: {  	[spmem:s8] =	stream.linear.scatter [tilespmem:s16], [sflag:$0x9], $0x2000, $0x38;
	[tilespmem:$0x19000] =	vst v63  }
0x3f: {  	_ =	swait.ge [sflag:s14], $0x2000  }
0x40: {  	[sflag:s14] =	ssyncset.done $0x0  }
0x41: {  	[sflag:s14] =	ssyncadd.s32 $0xFFFFE000  }
0x42: {  	[spmem:s9] =	stream.linear.scatter [tilespmem:s16], [sflag:$0x9], $0x2000, $0x38;
	[tilespmem:$0x19000] =	vst v63  }
0x43: {  	_ =	swait.ge [sflag:s14], $0x2000  }
0x44: {  	[sflag:s14] =	ssyncset.done $0x0  }
0x45: {  	[sflag:s14] =	ssyncadd.s32 $0xFFFFE000  }
0x46: {  	[spmem:s10] =	stream.linear.scatter [tilespmem:s16], [sflag:$0x9], $0x2000, $0x38;
	[tilespmem:$0x19000] =	vst v63  }
0x47: {  	_ =	swait.ge [sflag:s14], $0x2000  }
0x48: {  	[sflag:s14] =	ssyncset.done $0x0  }
0x49: {  	[sflag:s14] =	ssyncadd.s32 $0xFFFFE000  }
0x4a: {  	[spmem:s11] =	stream.linear.scatter [tilespmem:s16], [sflag:$0x9], $0x2000, $0x38;
	[tilespmem:$0x19000] =	vst v63  }
0x4b: {  	_ =	swait.ge [sflag:s14], $0x2000  }
0x4c: {  	[sflag:s14] =	ssyncset.done $0x0  }
0x4d: {  	s22 =	simm.s32 $0x0;
	[sflag:s14] =	ssyncadd.s32 $0xFFFFE000  }
0x4e: {  	v7 =	vld [tilespmem:s22+$0x0]  }
0x4f: {  	v14 =	vld [tilespmem:s22+$0x10]  }
0x50: {  	v6 =	vld [tilespmem:s22+$0x20]  }
0x51: {  	v5 =	vld [tilespmem:s22+$0x30]  }
0x52: {  	v4 =	vld [tilespmem:s22+$0x40]  }
0x53: {  	v3 =	vld [tilespmem:s22+$0x50]  }
0x54: {  	v2 =	vld [tilespmem:s22+$0x60]  }
0x55: {  	v1 =	vld [tilespmem:s22+$0x70]  }
0x56: {  	v13 =	vld [tilespmem:s22+$0x2800]  }
0x57: {  	v12 =	vld [tilespmem:s22+$0x2810]  }
0x58: {  	v11 =	vld [tilespmem:s22+$0x2820]  }
0x59: {  	v10 =	vld [tilespmem:s22+$0x2830]  }
0x5a: {  	v9 =	vld [tilespmem:s22+$0x2840]  }
0x5b: {  	v8 =	vld [tilespmem:s22+$0x2850];
	vm0 =	veq.s32 v7, v13  }
0x5c: {  	s31 =	simm.s32 $0x200;
	v7 =	vld [tilespmem:s22+$0x2860];
	v13 =	vsel vm0, $0x2720, v13;
	vm0 =	veq.s32 v14, v12  }
.LBB2_4:
0x5d: {  	s3 =	sshra.s32 s31, $0x2;
	p0 =	sne.s32 s31, $0x9E00;
	[tilespmem:s22+$0x2800] =	vst v13;
	v12 =	vsel vm0, $0x2720, v12;
	vm0 =	veq.s32 v6, v11;
	v13 =	vld [tilespmem:s22+$0x2870]  }
0x5e: {  	v14 =	vld [tilespmem:s3+$0x0];
	[tilespmem:s22+$0x2810] =	vst v12;
	v6 =	vsel vm0, $0x2720, v11;
	vm0 =	veq.s32 v5, v10  }
0x5f: {  	v15 =	vld [tilespmem:s3+$0x10];
	[tilespmem:s22+$0x2820] =	vst v6;
	v5 =	vsel vm0, $0x2720, v10;
	vm0 =	veq.s32 v4, v9  }
0x60: {  	v6 =	vld [tilespmem:s3+$0x20];
	[tilespmem:s22+$0x2830] =	vst v5;
	v4 =	vsel vm0, $0x2720, v9;
	vm0 =	veq.s32 v3, v8  }
0x61: {  	v5 =	vld [tilespmem:s3+$0x30];
	[tilespmem:s22+$0x2840] =	vst v4;
	v3 =	vsel vm0, $0x2720, v8;
	vm0 =	veq.s32 v2, v7  }
0x62: {  	v4 =	vld [tilespmem:s3+$0x40];
	[tilespmem:s22+$0x2850] =	vst v3;
	v2 =	vsel vm0, $0x2720, v7;
	vm0 =	veq.s32 v1, v13  }
0x63: {  	v3 =	vld [tilespmem:s3+$0x50];
	[tilespmem:s22+$0x2860] =	vst v2;
	v1 =	vsel vm0, $0x2720, v13  }
0x64: {  	v2 =	vld [tilespmem:s3+$0x60];
	[tilespmem:s22+$0x2870] =	vst v1;
	s22 =	smov.u32 s3  }
0x65: {  	v1 =	vld [tilespmem:s22+$0x70]  }
0x66: {  	v7 =	vld [tilespmem:s22+$0x2800]  }
0x67: {  	v12 =	vld [tilespmem:s22+$0x2810]  }
.Ltmp3:
0x68: {  	v11 =	vld [tilespmem:s22+$0x2820];
	(pc) =	sbr.rel @p0 .LBB2_4-.Ltmp3, $4  }
0x69: {  	v10 =	vld [tilespmem:s22+$0x2830]  }
0x6a: {  	v9 =	vld [tilespmem:s22+$0x2840]  }
0x6b: {  	vm0 =	veq.s32 v14, v7;
	v8 =	vld [tilespmem:s22+$0x2850]  }
0x6c: {  	s31 =	sadd.s32 $0x200, s31;
	v13 =	vsel vm0, $0x2720, v7;
	vm0 =	veq.s32 v15, v12;
	v7 =	vld [tilespmem:s22+$0x2860]  }
0x6d: {  	[tilespmem:s22+$0x2800] =	vst v13;
	v12 =	vsel vm0, $0x2720, v12;
	vm10 =	veq.s32 v6, v11;
	v63 =	vld [tilespmem:s22+$0x2870]  }
0x6e: {  	[tilespmem:s22+$0x2810] =	vst v12;
	v11 =	vsel vm10, $0x2720, v11;
	vm11 =	veq.s32 v5, v10  }
0x6f: {  	[tilespmem:s22+$0x2820] =	vst v11;
	v5 =	vsel vm11, $0x2720, v10;
	vm12 =	veq.s32 v4, v9  }
0x70: {  	[tilespmem:s22+$0x2830] =	vst v5;
	v4 =	vsel vm12, $0x2720, v9;
	vm13 =	veq.s32 v3, v8  }
0x71: {  	[tilespmem:s22+$0x2840] =	vst v4;
	v3 =	vsel vm13, $0x2720, v8;
	vm14 =	veq.s32 v2, v7  }
0x72: {  	[tilespmem:s22+$0x2850] =	vst v3;
	v2 =	vsel vm14, $0x2720, v7;
	vm15 =	veq.s32 v1, v63  }
0x73: {  	[tilespmem:s22+$0x2860] =	vst v2;
	v1 =	vsel vm15, $0x2720, v63  }
0x74: {  	[tilespmem:s22+$0x2870] =	vst v1  }
0x75: {  	s22 =	simm.s32 $0x0;
	[bflag:$0x0] =	sbarrier.arrive $0xFFFF  }
0x76: {  	[tilespmem:s18], [sflag:$0x1] =	stream.indirect.gather [hbm4b:s4+s17], $0x40, s22, s17, $0xb8;
	[tilespmem:$0x19000] =	vst v63  }
0x77: {  	_ = 	snop  }
0x78: {  	[tilespmem:s19], [sflag:$0x2] =	stream.indirect.gather [hbm4b:s4+s17], $0x40, s17, s17, $0xb8;
	[tilespmem:$0x19000] =	vst v63  }
0x79: {  	s3 =	simm.s32 $0x100  }
0x7a: {  	[tilespmem:s21], [sflag:$0x3] =	stream.indirect.gather [hbm4b:s4+s17], $0x40, s3, s17, $0xb8;
	[tilespmem:$0x19000] =	vst v63  }
0x7b: {  	s31 =	simm.s32 $0x180  }
0x7c: {  	[tilespmem:s23], [sflag:$0x4] =	stream.indirect.gather [hbm4b:s4+s17], $0x40, s31, s17, $0xb8;
	[tilespmem:$0x19000] =	vst v63  }
0x7d: {  	_ =	swait.ge [sflag:s24], $0x2000  }
0x7e: {  	[sflag:s24] =	ssyncset.done $0x0  }
0x7f: {  	[sflag:s24] =	ssyncadd.s32 $0xFFFFE000  }
0x80: {  	[spmem:s2] =	stream.indirect.scatter.add.f32 [tilespmem:s18], [sflag:$0x5], $0x40, s15, s17, $0xb8;
	[tilespmem:$0x19000] =	vst v63  }
0x81: {  	_ =	swait.ge [sflag:s25], $0x2000  }
0x82: {  	[sflag:s25] =	ssyncset.done $0x0  }
0x83: {  	s31 =	simm.s32 $0x2880;
	[sflag:s25] =	ssyncadd.s32 $0xFFFFE000  }
0x84: {  	[spmem:s2] =	stream.indirect.scatter.add.f32 [tilespmem:s19], [sflag:$0x6], $0x40, s31, s17, $0xb8;
	[tilespmem:$0x19000] =	vst v63  }
0x85: {  	_ =	swait.ge [sflag:s28], $0x2000  }
0x86: {  	[sflag:s28] =	ssyncset.done $0x0  }
0x87: {  	s31 =	simm.s32 $0x2900;
	[sflag:s28] =	ssyncadd.s32 $0xFFFFE000  }
0x88: {  	[spmem:s2] =	stream.indirect.scatter.add.f32 [tilespmem:s21], [sflag:$0x7], $0x40, s31, s17, $0xb8;
	[tilespmem:$0x19000] =	vst v63  }
0x89: {  	_ =	swait.ge [sflag:s30], $0x2000  }
0x8a: {  	[sflag:s30] =	ssyncset.done $0x0  }
0x8b: {  	s31 =	simm.s32 $0x200;
	[sflag:s30] =	ssyncadd.s32 $0xFFFFE000  }
0x8c: {  	[tilespmem:s18], [sflag:$0x1] =	stream.indirect.gather [hbm4b:s4+s17], $0x40, s31, s17, $0xb8;
	[tilespmem:$0x19000] =	vst v63  }
0x8d: {  	_ =	swait.ge [sflag:s1], $0x2000  }
0x8e: {  	[sflag:s1] =	ssyncset.done $0x0  }
0x8f: {  	s31 =	simm.s32 $0x2980;
	[sflag:s1] =	ssyncadd.s32 $0xFFFFE000  }
0x90: {  	[spmem:s2] =	stream.indirect.scatter.add.f32 [tilespmem:s23], [sflag:$0x8], $0x40, s31, s17, $0xb8;
	[tilespmem:$0x19000] =	vst v63  }
0x91: {  	_ =	swait.ge [sflag:s20], $0x2000  }
0x92: {  	[sflag:s20] =	ssyncset.done $0x0  }
0x93: {  	s31 =	simm.s32 $0x280;
	[sflag:s20] =	ssyncadd.s32 $0xFFFFE000  }
0x94: {  	[tilespmem:s19], [sflag:$0x2] =	stream.indirect.gather [hbm4b:s4+s17], $0x40, s31, s17, $0xb8;
	[tilespmem:$0x19000] =	vst v63  }
.LBB2_6:
0x95: {  	_ =	swait.ge [sflag:s24], $0x2000  }
0x96: {  	s31 =	sshra.s32 s22, $0x2;
	[sflag:s24] =	ssyncset.done $0x0  }
0x97: {  	s3 =	sadd.s32 $0x2A00, s31;
	[sflag:s24] =	ssyncadd.s32 $0xFFFFE000  }
0x98: {  	[spmem:s2] =	stream.indirect.scatter.add.f32 [tilespmem:s18], [sflag:$0x5], $0x40, s3, s17, $0xb8;
	[tilespmem:$0x19000] =	vst v63  }
0x99: {  	_ =	swait.ge [sflag:s26], $0x2000  }
0x9a: {  	[sflag:s26] =	ssyncset.done $0x0  }
0x9b: {  	s3 =	sadd.s32 $0x300, s31;
	[sflag:s26] =	ssyncadd.s32 $0xFFFFE000  }
0x9c: {  	[tilespmem:s21], [sflag:$0x3] =	stream.indirect.gather [hbm4b:s4+s17], $0x40, s3, s17, $0xb8;
	[tilespmem:$0x19000] =	vst v63  }
0x9d: {  	_ =	swait.ge [sflag:s25], $0x2000  }
0x9e: {  	[sflag:s25] =	ssyncset.done $0x0  }
0x9f: {  	s3 =	sadd.s32 $0x2A80, s31;
	[sflag:s25] =	ssyncadd.s32 $0xFFFFE000  }
0xa0: {  	[spmem:s2] =	stream.indirect.scatter.add.f32 [tilespmem:s19], [sflag:$0x6], $0x40, s3, s17, $0xb8;
	[tilespmem:$0x19000] =	vst v63  }
0xa1: {  	_ =	swait.ge [sflag:s29], $0x2000  }
0xa2: {  	[sflag:s29] =	ssyncset.done $0x0  }
0xa3: {  	p0 =	seq.s32 s22, $0x9000;
	s3 =	sadd.s32 $0x380, s31;
	[sflag:s29] =	ssyncadd.s32 $0xFFFFE000  }
0xa4: {  	[tilespmem:s23], [sflag:$0x4] =	stream.indirect.gather [hbm4b:s4+s17], $0x40, s3, s17, $0xb8;
	[tilespmem:$0x19000] =	vst v63  }
.Ltmp4:
0xa5: {  	_ = 	snop;
	(pc) =	sbr.rel @p0 .LBB2_8-.Ltmp4, $4  }
0xa6: {  	_ =	swait.ge [sflag:s28], $0x2000  }
0xa7: {  	[sflag:s28] =	ssyncset.done $0x0  }
0xa8: {  	s3 =	sadd.s32 $0x2B00, s31;
	[sflag:s28] =	ssyncadd.s32 $0xFFFFE000  }
0xa9: {  	[spmem:s2] =	stream.indirect.scatter.add.f32 [tilespmem:s21], [sflag:$0x7], $0x40, s3, s17, $0xb8;
	[tilespmem:$0x19000] =	vst v63  }
0xaa: {  	_ =	swait.ge [sflag:s30], $0x2000  }
0xab: {  	[sflag:s30] =	ssyncset.done $0x0  }
0xac: {  	s3 =	sadd.s32 $0x400, s31;
	[sflag:s30] =	ssyncadd.s32 $0xFFFFE000  }
0xad: {  	[tilespmem:s18], [sflag:$0x1] =	stream.indirect.gather [hbm4b:s4+s17], $0x40, s3, s17, $0xb8;
	[tilespmem:$0x19000] =	vst v63  }
0xae: {  	_ =	swait.ge [sflag:s1], $0x2000  }
0xaf: {  	[sflag:s1] =	ssyncset.done $0x0  }
0xb0: {  	s3 =	sadd.s32 $0x2B80, s31;
	[sflag:s1] =	ssyncadd.s32 $0xFFFFE000  }
0xb1: {  	[spmem:s2] =	stream.indirect.scatter.add.f32 [tilespmem:s23], [sflag:$0x8], $0x40, s3, s17, $0xb8;
	[tilespmem:$0x19000] =	vst v63  }
.Ltmp5:
0xb2: {  	_ = 	snop;
	(pc) =	sbr.rel .LBB2_6-.Ltmp5, $4  }
0xb3: {  	_ =	swait.ge [sflag:s20], $0x2000  }
0xb4: {  	[sflag:s20] =	ssyncset.done $0x0  }
0xb5: {  	s22 =	sadd.s32 $0x800, s22;
	s31 =	sadd.s32 $0x480, s31;
	[sflag:s20] =	ssyncadd.s32 $0xFFFFE000  }
0xb6: {  	[tilespmem:s19], [sflag:$0x2] =	stream.indirect.gather [hbm4b:s4+s17], $0x40, s31, s17, $0xb8;
	[tilespmem:$0x19000] =	vst v63  }
.LBB2_9:
0xb7: {  	_ =	sfence.sel $0x180000  }
0xb8: {  	[bflag:$0x0] =	sbarrier.arrive $0xFFFF  }
0xb9: {  	_ =	strace $0x9000004A  }
0xba: {  	s0 =	stileid.u32;
	[bflag:$0x2] =	sbarrier.arrive $0xFFFF  }
0xbb: {  	p0 =	sne.s32 s0, $0x0;
	s0 =	rddreg [dreg:$0x2]  }
0xbc: {  	s0 =	sadd.s32 @!p0 $0x100000, s0  }
0xbd: {  	[sflag:s0] =	ssyncadd.tile.s32 @!p0 $0x1;
	_ =	shalt  }
.Lfunc_end2:
_tile_overlayer_lowered:
.L_overlay_start_2:
0xbe: {  	(tag) =	ssettag $0x2  }
0xbf: {  	s0 =	rddreg [dreg:$0x0];
	s2 =	stileid.u32  }
0xc0: {  	s1 =	rddreg [dreg:$0x1];
	p0 =	sne.s32 s2, $0x0  }
0xc1: {  	s3 =	rddreg [dreg:$0x2];
	[bflag:$0x3] =	sbarrier.arrive $0xFFFF;
	s2 =	simm.s32 @!p0 $0x1C09  }
0xc2: {  	[timem:s3], [sflag:s2] =	dma.local @!p0 [hbm:s0], s1  }
0xc3: {  	s0 =	simm.s32 @!p0 $0x9  }
0xc4: {  	_ =	swait.ge @!p0 [sflag:s0], s1  }
0xc5: {  	s1 =	ssub.s32 @!p0 $0x0, s1;
	[sflag:s0] =	ssyncset.done @!p0 $0x0  }
0xc6: {  	[sflag:s0] =	ssyncadd.s32 @!p0 s1  }
0xc7: {  	[bflag:$0x3] =	sbarrier.arrive $0xFFFF  }
0xc8: {  	_ =	shalt  }

// kernel: kernel.17.cloned.1.call-start
scs
__scs_entry_jumppad:
0x0: {  	(pc) =	sbr.rel $0x88, $3  }
0x1: {  	(tag) =	ssettag $0x0;
	lr =	simm.s32 $0x1  }
0x2: {  	[smem:$0x3F92] =	sst lr;
	_ =	strace $0xD0000000  }
0x3: {  	_ = 	snop  }
0x4: {  	_ = 	snop  }
0x5: {  	_ = 	snop  }
0x6: {  	_ = 	snop  }
0x7: {  	_ = 	snop  }
__scs_overlays_trampoline_lowered:
0x8: {  	[smem:$0x3FA1] =	sst s0  }
0x9: {  	[smem:$0x3FA2] =	sst s1  }
0xa: {  	[smem:$0x3FA3] =	sst s2  }
0xb: {  	[smem:$0x3FA4] =	sst s3  }
0xc: {  	[smem:$0x3FA5] =	sst s4  }
0xd: {  	[smem:$0x3FA6] =	sst s5  }
0xe: {  	[smem:$0x3FA7] =	sst s6  }
0xf: {  	[smem:$0x3FA8] =	sst s7  }
0x10: {  	[smem:$0x3FA9] =	sst s8  }
0x11: {  	[smem:$0x3FAA] =	sst s9;
	s0 =	simm.s32 @!p0 $0x0  }
0x12: {  	s1 =	sld [smem:$0x3F90];
	s0 =	simm.s32 @p0 $0x1  }
0x13: {  	[smem:$0x3FAB] =	sst s0;
	s0 =	simm.s32 @!p1 $0x0  }
0x14: {  	s2 =	sld [smem:$0x3F8F];
	s0 =	simm.s32 @p1 $0x1  }
0x15: {  	[smem:$0x3FAC] =	sst s0;
	s0 =	simm.s32 @!p2 $0x0  }
0x16: {  	s3 =	sld [smem:$0x3FDB];
	s0 =	simm.s32 @p2 $0x1  }
0x17: {  	s4 =	simm.s32 $0x1BF5;
	[smem:$0x3FAE] =	sst s0  }
0x18: {  	s0 =	sld [smem:$0x3F91];
	_ =	swait.ge [sflag:s4], $0x0  }
0x19: {  	s7 =	sld [smem:$0x3F92]  }
0x1a: {  	s8 =	sadd.s32 $0xFFFFE003, lr  }
0x1b: {  	s9 =	sadd.s32 $0xFFFFFEF7, lr;
	s5 =	simm.s32 $0xFFFFFFFF;
	p2 =	slt.u32 s8, $0xFFFFF086  }
0x1c: {  	p1 =	slt.u32 s9, $0xF7A;
	s5 =	simm.s32 @!p2 $0x0  }
0x1d: {  	s5 =	simm.s32 @p1 $0x1;
	p0 =	seq.s32 s7, s2  }
0x1e: {  	s7 =	smul.u32 @!p0 $0xF7A, s2;
	p2 =	seq.s32 @!p0 s5, $0x0  }
0x1f: {  	s9 =	smul.u32 $0xF7A, s1;
	s8 =	simm.s32 @!p0 $0x1BF5;
	p2 =	por !p2, p0  }
0x20: {  	[sflag:s8] =	ssyncset.s32 @!p0 $0xFFFFF086;
	s6 =	sadd.s32 @!p0 s3, s7;
	s7 =	simm.s32 @!p0 $0x108  }
0x21: {  	s3 =	sadd.s32 s3, s9;
	s6 =	sadd.s32 @!p0 $0x88, s6;
	s7 =	simm.s32 @p2 $0x1082  }
0x22: {  	[simem:s7], [sflag:s8] =	dma.local @!p0 [hbm:s6], $0xF7A  }
0x23: {  	s9 =	sor.u32 $0xD0000000, s2;
	s6 =	simm.s32 $0x108;
	_ =	swait.ge @!p0 [sflag:s8], $0x0  }
0x24: {  	s3 =	sadd.s32 $0x88, s3;
	s6 =	simm.s32 @!p1 $0x1082;
	[sflag:s4] =	ssyncset.s32 $0xFFFFF086  }
0x25: {  	[simem:s6], [sflag:s4] =	dma.local [hbm:s3], $0xF7A  }
0x26: {  	[smem:$0x3F92] =	sst s1;
	(tag) =	ssettag s2;
	_ =	strace s9  }
0x27: {  	s1 =	sld [smem:$0x3FA2]  }
0x28: {  	s2 =	sld [smem:$0x3FA3]  }
0x29: {  	s4 =	sld [smem:$0x3FA5]  }
0x2a: {  	p0 =	seq.s32 s5, $0x0;
	s5 =	sld [smem:$0x3FA6]  }
0x2b: {  	s6 =	sld [smem:$0x3FA7]  }
0x2c: {  	s7 =	sld [smem:$0x3FA8]  }
0x2d: {  	s3 =	simm.s32 $0x108;
	s8 =	sld [smem:$0x3FA9]  }
0x2e: {  	s3 =	simm.s32 @!p0 $0x1082;
	s9 =	sld [smem:$0x3FAA]  }
0x2f: {  	lr =	sadd.s32 s0, s3;
	s0 =	sld [smem:$0x3FA1]  }
0x30: {  	s3 =	sld [smem:$0x3FA4]  }
0x31: {  	[smem:$0x3FAD] =	sst s10  }
0x32: {  	s10 =	sld [smem:$0x3FAB];
	_ =	sdelay $0x3  }
0x33: {  	p0 =	seq.s32 s10, $0x1;
	s10 =	sld [smem:$0x3FAD];
	_ =	sdelay $0x3  }
0x34: {  	[smem:$0x3FAD] =	sst s10  }
0x35: {  	s10 =	sld [smem:$0x3FAC];
	_ =	sdelay $0x3  }
0x36: {  	p1 =	seq.s32 s10, $0x1;
	s10 =	sld [smem:$0x3FAD];
	_ =	sdelay $0x3  }
0x37: {  	[smem:$0x3FAD] =	sst s10  }
0x38: {  	s10 =	sld [smem:$0x3FAE]  }
0x39: {  	_ = 	snop;
	(pc) =	sbr.ind lr, $3  }
0x3a: {  	_ = 	snop  }
0x3b: {  	_ = 	snop  }
0x3c: {  	p2 =	seq.s32 s10, $0x1;
	s10 =	sld [smem:$0x3FAD]  }
0x3d: {  	_ =	shalt  }
0x3e: {  	_ =	shalt  }
0x3f: {  	_ =	shalt  }
0x40: {  	_ =	shalt  }
0x41: {  	_ =	shalt  }
0x42: {  	_ =	shalt  }
0x43: {  	_ =	shalt  }
0x44: {  	_ =	shalt  }
0x45: {  	_ =	shalt  }
0x46: {  	_ =	shalt  }
0x47: {  	_ =	shalt  }
0x48: {  	_ =	shalt  }
0x49: {  	_ =	shalt  }
0x4a: {  	_ =	shalt  }
0x4b: {  	_ =	shalt  }
0x4c: {  	_ =	shalt  }
0x4d: {  	_ =	shalt  }
0x4e: {  	_ =	shalt  }
0x4f: {  	_ =	shalt  }
0x50: {  	_ =	shalt  }
0x51: {  	_ =	shalt  }
0x52: {  	_ =	shalt  }
0x53: {  	_ =	shalt  }
0x54: {  	_ =	shalt  }
0x55: {  	_ =	shalt  }
0x56: {  	_ =	shalt  }
0x57: {  	_ =	shalt  }
0x58: {  	_ =	shalt  }
0x59: {  	_ =	shalt  }
0x5a: {  	_ =	shalt  }
0x5b: {  	_ =	shalt  }
0x5c: {  	_ =	shalt  }
0x5d: {  	_ =	shalt  }
0x5e: {  	_ =	shalt  }
0x5f: {  	_ =	shalt  }
0x60: {  	_ =	shalt  }
0x61: {  	_ =	shalt  }
0x62: {  	_ =	shalt  }
0x63: {  	_ =	shalt  }
0x64: {  	_ =	shalt  }
0x65: {  	_ =	shalt  }
0x66: {  	_ =	shalt  }
0x67: {  	_ =	shalt  }
0x68: {  	_ =	shalt  }
0x69: {  	_ =	shalt  }
0x6a: {  	_ =	shalt  }
0x6b: {  	_ =	shalt  }
0x6c: {  	_ =	shalt  }
0x6d: {  	_ =	shalt  }
0x6e: {  	_ =	shalt  }
0x6f: {  	_ =	shalt  }
0x70: {  	_ =	shalt  }
0x71: {  	_ =	shalt  }
0x72: {  	_ =	shalt  }
0x73: {  	_ =	shalt  }
0x74: {  	_ =	shalt  }
0x75: {  	_ =	shalt  }
0x76: {  	_ =	shalt  }
0x77: {  	_ =	shalt  }
0x78: {  	_ =	shalt  }
0x79: {  	_ =	shalt  }
0x7a: {  	_ =	shalt  }
0x7b: {  	_ =	shalt  }
0x7c: {  	_ =	shalt  }
0x7d: {  	_ =	shalt  }
0x7e: {  	_ =	shalt  }
0x7f: {  	_ =	shalt  }
0x80: {  	_ =	shalt  }
0x81: {  	_ =	shalt  }
0x82: {  	_ =	shalt  }
0x83: {  	_ =	shalt  }
0x84: {  	_ =	shalt  }
0x85: {  	_ =	shalt  }
0x86: {  	_ =	shalt  }
0x87: {  	_ =	shalt  }
.Lfunc_end0:
.L_simem_size_0:
called_computation.2_lowered:
.L_overlay_start_0:
0x88: {  	s2 =	sld [smem:$0x3FD9]  }
0x89: {  	s3 =	sld [smem:$0x3FFE];
	_ =	sdelay $0x1  }
0x8a: {  	s1 =	srdreg.scid  }
0x8b: {  	s0 =	sand.u32 $0x1, s1  }
0x8c: {  	s16 =	sshll.u32 s0, $0xA;
	s2 =	sadd.s32 s3, s2  }
0x8d: {  	s2 =	sadd.s32 s2, s16  }
0x8e: {  	[smem:$0x3FB9] =	sst s2  }
0x8f: {  	_ = 	snop  }
0x90: {  	(tm) =	ssettm $0x1  }
0x91: {  	s17 =	sld [smem:$0x3FFB];
	_ =	sdelay $0x3  }
0x92: {  	_ =	strace s17  }
0x93: {  	s2 =	sld [smem:$0x3FFC];
	_ =	sdelay $0x3  }
0x94: {  	_ =	strace s2  }
0x95: {  	s2 =	sld [smem:$0x3FFD];
	_ =	sdelay $0x3  }
0x96: {  	_ =	strace s2  }
0x97: {  	_ =	strace $0x8FFFFFFF  }
0x98: {  	s18 =	sld [smem:$0x3FDB];
	_ =	sdelay $0x1  }
0x99: {  	s19 =	simm.s32 $_scs_section_size  }
0x9a: {  	s4 =	simm.s32 $_size__tile_overlayer_lowered;
	s5 =	simm.s32 $_tile_overlayer_lowered  }
0x9b: {  	s22 =	simm.s32 $0x1BFF;
	s21 =	sshll.u32 s5, $0x1;
	s2 =	sadd.s32 s19, s18  }
0x9c: {  	s6 =	simm.s32 $0x0;
	s20 =	sshll.u32 s4, $0x1;
	s4 =	sadd.s32 s21, s2  }
0x9d: {  	[timem:s6], [sflag:s22] =	dma.local [hbm:s4], s20  }
0x9e: {  	_ =	swait.ge [sflag:s22], s20  }
0x9f: {  	s3 =	ssub.s32 $0x0, s20;
	[sflag:s22] =	ssyncset.done $0x0  }
0xa0: {  	[sflag:s22] =	ssyncadd.s32 s3;
	_ =	sdelay $0x1  }
0xa1: {  	s23 =	simm.s32 $0x1B8B  }
0xa2: {  	_ =	swait.ge [sflag:s23], $0x1  }
0xa3: {  	[sflag:s23] =	ssyncset.done $0x0  }
0xa4: {  	s25 =	simm.s32 $0x1B8E;
	s24 =	sld [smem:$0x3FFE];
	[sflag:s23] =	ssyncadd.s32 $0xFFFFFFFF  }
0xa5: {  	s26 =	simm.s32 $execute0_lowered;
	[smem:$0x3FD2] =	sst s25  }
0xa6: {  	s4 =	sshll.u32 s26, $0x1;
	_ =	strace $0x8000004C;
	[dreg:$0x1] =	wrdreg $0xFFFFFFFF  }
0xa7: {  	s28 =	simm.s32 $_size_execute0_lowered;
	s2 =	sadd.s32 s2, s4;
	[dreg:$0x0] =	wrdreg $0x0  }
0xa8: {  	s4 =	sshll.u32 s28, $0x1;
	[dreg:$0x2] =	wrdreg s2  }
0xa9: {  	[dreg:$0x3] =	wrdreg s4  }
0xaa: {  	[dreg:$0x4] =	wrdreg $0xC0  }
0xab: {  	_ =	task [dreg:s6], $0x5FFFF  }
0xac: {  	[dreg:$0x1] =	wrdreg $0xFFFFFFFF  }
0xad: {  	[dreg:$0x0] =	wrdreg $0x60  }
0xae: {  	[dreg:$0x2] =	wrdreg s24  }
0xaf: {  	[dreg:$0x3] =	wrdreg $0x7A800  }
0xb0: {  	[dreg:$0x4] =	wrdreg $0x9  }
0xb1: {  	_ =	task.clear_ibuf [dreg:s6], $0x5FFFF;
	_ =	strace $0x9000004C  }
0xb2: {  	s29 =	simm.s32 $0x9;
	_ =	strace $0x8000004E  }
0xb3: {  	_ =	swait.ge [sflag:s29], $0x1  }
0xb4: {  	[sflag:s29] =	ssyncadd.s32 $0xFFFFFFFF  }
0xb5: {  	_ =	strace $0x9000004E  }
0xb6: {  	_ =	sfence  }
0xb7: {  	s30 =	sld [smem:$0x0];
	_ =	sdelay $0x2  }
0xb8: {  	s31 =	sshll.u32 s1, $0xD;
	s1 =	sshrl.u32 s1, $0x2  }
0xb9: {  	s3 =	sand.u32 $0x4000, s31;
	s1 =	sadd.s32 s1, s30  }
0xba: {  	s0 =	sor.u32 s3, s0;
	s1 =	sshll.u32 s1, $0x11  }
0xbb: {  	s0 =	sor.u32 s1, s0  }
0xbc: {  	s0 =	sadd.s32 $0x8F2B, s0  }
0xbd: {  	[sflag:s0] =	ssyncadd.remote.s32 $0x1  }
0xbe: {  	_ =	sfence.sel $0xFFFF  }
0xbf: {  	[dreg:$0x0] =	wrdreg $0xFFFFFFFF;
	(pc) =	sbr.abs _section_cstart, $3  }
0xc0: {  	[dreg:$0x1] =	wrdreg $0xFFFFFFFF  }
0xc1: {  	_ =	task.clear_ibuf [dreg:s6], $0x2FFFF;
	_ =	strace $0x9FFFFFFF  }
0xc2: {  	(tm) =	ssettm $0x7FFFFFFF  }
0xc3: {  	_ =	shalt  }
tec
execute0_lowered:
.L_overlay_start_1:
0x0: {  	(tag) =	ssettag $0x1  }
0x1: {  	s5 =	rddreg [dreg:$0x0]  }
0x2: {  	s0 =	srdreg.scid;
	s2 =	rddreg [dreg:$0x1]  }
0x3: {  	s1 =	stileid.u32;
	s3 =	simm.s32 $0x0;
	s10 =	simm.s32 $0x2  }
0x4: {  	s11 =	simm.s32 $0x2800;
	s12 =	simm.s32 $0x5000;
	s13 =	simm.s32 $0x7800  }
0x5: {  	s14 =	simm.s32 $0x1;
	s4 =	sand.u32 $0x1, s0;
	s0 =	rddreg [dreg:$0x2]  }
0x6: {  	s17 =	simm.s32 $0x0;
	s7 =	smul.u32 $0x280, s1;
	[smem:$0x7FF] =	sst s3  }
0x7: {  	s15 =	sshll.u32 s1, $0x6;
	s6 =	sshll.u32 s4, $0x4;
	s8 =	smul.u32 $0x2800, s4  }
0x8: {  	_ =	strace $0x8000004D;
	s9 =	ssub.s32 $0x2, s4;
	s4 =	sadd.s32 $0x17200, s5  }
0x9: {  	s15 =	sor.u32 $0x1C02, s15;
	s6 =	sor.u32 s1, s6;
	s31 =	sshrl.u32 s9, $0x1  }
0xa: {  	s6 =	smul.u32 $0x500, s6;
	s8 =	sadd.s32 s7, s8;
	s9 =	ssub.s32 s9, s31  }
0xb: {  	s7 =	sadd.s32 s7, s2;
	s8 =	sshrl.u32 s8, $0x3;
	s9 =	smax.u32 s9, $0x1  }
0xc: {  	s16 =	sshrl.u32 s7, $0x3;
	s6 =	sadd.s32 s6, s5;
	s8 =	sadd.s32 s8, s5  }
0xd: {  	v0 =	vimm.f32 $0.0e+00;
	s5 =	sadd.s32 $0xD200, s6;
	s6 =	sadd.s32 $0x3200, s6;
	s8 =	sadd.s32 $0x17800, s8  }
.LBB2_1:
0xe: {  	[tilespmem:s3], [sflag:$0x2] =	stream.linear.gather [hbm4b:s5+s3], $0x2800, $0x38;
	[tilespmem:$0x7D00] =	vst v63  }
0xf: {  	_ =	swait.ge [sflag:s10], $0x2800  }
0x10: {  	[sflag:s10] =	ssyncset.done $0x0  }
0x11: {  	[sflag:s10] =	ssyncadd.s32 $0xFFFFD800  }
0x12: {  	[tilespmem:s11], [sflag:$0x2] =	stream.linear.gather [hbm4b:s6+s3], $0x2800, $0x38;
	[tilespmem:$0x7D00] =	vst v63  }
0x13: {  	_ =	swait.ge [sflag:s10], $0x2800  }
0x14: {  	[sflag:s10] =	ssyncset.done $0x0  }
0x15: {  	[sflag:s10] =	ssyncadd.s32 $0xFFFFD800  }
0x16: {  	[tilespmem:s12], [sflag:$0x1] =	stream.indirect.gather [hbm4b:s4+s11], $0x1, s3, s11, $0xb8;
	[tilespmem:$0x7D00] =	vst v63  }
0x17: {  	[tilespmem:$0x7800] =	vst v0  }
0x18: {  	[tilespmem:$0x7810] =	vst v0  }
0x19: {  	[tilespmem:$0x7820] =	vst v0  }
0x1a: {  	[tilespmem:$0x7830] =	vst v0  }
0x1b: {  	[tilespmem:$0x7840] =	vst v0  }
0x1c: {  	[tilespmem:$0x7850] =	vst v0  }
0x1d: {  	[tilespmem:$0x7860] =	vst v0  }
0x1e: {  	[tilespmem:$0x7870] =	vst v0  }
0x1f: {  	[tilespmem:$0x7880] =	vst v0  }
0x20: {  	[tilespmem:$0x7890] =	vst v0  }
0x21: {  	[tilespmem:$0x78A0] =	vst v0  }
0x22: {  	[tilespmem:$0x78B0] =	vst v0  }
0x23: {  	[tilespmem:$0x78C0] =	vst v0  }
0x24: {  	[tilespmem:$0x78D0] =	vst v0  }
0x25: {  	[tilespmem:$0x78E0] =	vst v0  }
0x26: {  	[tilespmem:$0x78F0] =	vst v0  }
0x27: {  	[tilespmem:$0x7900] =	vst v0  }
0x28: {  	[tilespmem:$0x7910] =	vst v0  }
0x29: {  	[tilespmem:$0x7920] =	vst v0  }
0x2a: {  	[tilespmem:$0x7930] =	vst v0  }
0x2b: {  	[tilespmem:$0x7940] =	vst v0  }
0x2c: {  	[tilespmem:$0x7950] =	vst v0  }
0x2d: {  	[tilespmem:$0x7960] =	vst v0  }
0x2e: {  	[tilespmem:$0x7970] =	vst v0  }
0x2f: {  	[tilespmem:$0x7980] =	vst v0  }
0x30: {  	[tilespmem:$0x7990] =	vst v0  }
0x31: {  	[tilespmem:$0x79A0] =	vst v0  }
0x32: {  	[tilespmem:$0x79B0] =	vst v0  }
0x33: {  	[tilespmem:$0x79C0] =	vst v0  }
0x34: {  	[tilespmem:$0x79D0] =	vst v0  }
0x35: {  	[tilespmem:$0x79E0] =	vst v0  }
0x36: {  	[tilespmem:$0x79F0] =	vst v0  }
0x37: {  	[tilespmem:$0x7A00] =	vst v0  }
0x38: {  	[tilespmem:$0x7A10] =	vst v0  }
0x39: {  	[tilespmem:$0x7A20] =	vst v0  }
0x3a: {  	[tilespmem:$0x7A30] =	vst v0  }
0x3b: {  	[tilespmem:$0x7A40] =	vst v0  }
0x3c: {  	[tilespmem:$0x7A50] =	vst v0  }
0x3d: {  	[tilespmem:$0x7A60] =	vst v0  }
0x3e: {  	[tilespmem:$0x7A70] =	vst v0  }
0x3f: {  	[spmem:s7] =	stream.linear.scatter [tilespmem:s13], [sflag:$0x2], $0x280, $0x38;
	[tilespmem:$0x7D00] =	vst v63  }
0x40: {  	_ =	swait.ge [sflag:s10], $0x280  }
0x41: {  	[sflag:s10] =	ssyncset.done $0x0  }
0x42: {  	s18 =	simm.s32 $0x0;
	[sflag:s10] =	ssyncadd.s32 $0xFFFFFD80  }
0x43: {  	s19 =	simm.s32 $0x40;
	v1 =	vld [tilespmem:s18+$0x0]  }
.LBB2_2:
0x44: {  	p0 =	sne.s32 s19, $0x9FC0;
	v2 =	vld [tilespmem:s18+$0x2800];
	_ =	sdelay $0x2  }
.Ltmp0:
0x45: {  	(pc) =	sbr.rel @p0 .LBB2_2-.Ltmp0, $4  }
0x46: {  	_ = 	snop  }
0x47: {  	vm0 =	veq.s32 v1, v2  }
0x48: {  	s20 =	sshra.s32 s19, $0x2;
	v2 =	vsel vm0, $0x2720, v2  }
0x49: {  	s19 =	sadd.s32 $0x40, s19;
	v1 =	vld [tilespmem:s20+$0x0];
	[tilespmem:s18+$0x2800] =	vst v2;
	s18 =	smov.u32 s20  }
0x4a: {  	v2 =	vld [tilespmem:s18+$0x2800];
	_ =	sdelay $0x4  }
0x4b: {  	vm0 =	veq.s32 v1, v2  }
0x4c: {  	v1 =	vsel vm0, $0x2720, v2  }
0x4d: {  	[tilespmem:s18+$0x2800] =	vst v1  }
0x4e: {  	[bflag:$0x0] =	sbarrier.arrive $0xFFFF  }
0x4f: {  	_ =	swait.ge [sflag:s14], $0x2800  }
0x50: {  	[sflag:s14] =	ssyncset.done $0x0  }
0x51: {  	[sflag:s14] =	ssyncadd.s32 $0xFFFFD800  }
0x52: {  	[spmem:s2] =	stream.indirect.scatter.add.f32 [tilespmem:s12], [sflag:$0x2], $0x1, s11, s11, $0xb8;
	[tilespmem:$0x7D00] =	vst v63  }
0x53: {  	_ =	swait.ge [sflag:s10], $0x2800  }
0x54: {  	s17 =	sadd.s32 $0x1, s17;
	[sflag:s10] =	ssyncset.done $0x0  }
0x55: {  	p0 =	sne.s32 s17, s9;
	[sflag:s10] =	ssyncadd.s32 $0xFFFFD800  }
.Ltmp1:
0x56: {  	[bflag:$0x0] =	sbarrier.arrive $0xFFFF;
	(pc) =	sbr.rel @p0 .LBB2_1-.Ltmp1, $4  }
0x57: {  	[hbm:s8], [sflag:s15] =	dma.local [spmem:s16], $0x50  }
0x58: {  	_ =	swait.ge [sflag:s10], $0x50  }
0x59: {  	[sflag:s10] =	ssyncset.done $0x0  }
0x5a: {  	[sflag:s10] =	ssyncadd.s32 $0xFFFFFFB0  }
0x5b: {  	_ =	sfence.sel $0x180000  }
0x5c: {  	[bflag:$0x0] =	sbarrier.arrive $0xFFFF  }
0x5d: {  	p0 =	sne.s32 s1, $0x0;
	_ =	strace $0x9000004D  }
0x5e: {  	s0 =	sadd.s32 @!p0 $0x100000, s0;
	[bflag:$0x2] =	sbarrier.arrive $0xFFFF  }
0x5f: {  	[sflag:s0] =	ssyncadd.tile.s32 @!p0 $0x1;
	_ =	shalt  }
.Lfunc_end2:
_tile_overlayer_lowered:
.L_overlay_start_2:
0x60: {  	(tag) =	ssettag $0x2  }
0x61: {  	s0 =	rddreg [dreg:$0x0];
	s2 =	stileid.u32  }
0x62: {  	s1 =	rddreg [dreg:$0x1];
	p0 =	sne.s32 s2, $0x0  }
0x63: {  	s3 =	rddreg [dreg:$0x2];
	[bflag:$0x3] =	sbarrier.arrive $0xFFFF;
	s2 =	simm.s32 @!p0 $0x1C02  }
0x64: {  	[timem:s3], [sflag:s2] =	dma.local @!p0 [hbm:s0], s1  }
0x65: {  	s0 =	simm.s32 @!p0 $0x2  }
0x66: {  	_ =	swait.ge @!p0 [sflag:s0], s1  }
0x67: {  	s1 =	ssub.s32 @!p0 $0x0, s1;
	[sflag:s0] =	ssyncset.done @!p0 $0x0  }
0x68: {  	[sflag:s0] =	ssyncadd.s32 @!p0 s1  }
0x69: {  	[bflag:$0x3] =	sbarrier.arrive $0xFFFF  }
0x6a: {  	_ =	shalt  }

// kernel: kernel.20.cloned.1.call-start
scs
__scs_entry_jumppad:
0x0: {  	(pc) =	sbr.rel $0x88, $3  }
0x1: {  	(tag) =	ssettag $0x0;
	lr =	simm.s32 $0x1  }
0x2: {  	[smem:$0x3F92] =	sst lr;
	_ =	strace $0xD0000000  }
0x3: {  	_ = 	snop  }
0x4: {  	_ = 	snop  }
0x5: {  	_ = 	snop  }
0x6: {  	_ = 	snop  }
0x7: {  	_ = 	snop  }
__scs_overlays_trampoline_lowered:
0x8: {  	[smem:$0x3FA1] =	sst s0  }
0x9: {  	[smem:$0x3FA2] =	sst s1  }
0xa: {  	[smem:$0x3FA3] =	sst s2  }
0xb: {  	[smem:$0x3FA4] =	sst s3  }
0xc: {  	[smem:$0x3FA5] =	sst s4  }
0xd: {  	[smem:$0x3FA6] =	sst s5  }
0xe: {  	[smem:$0x3FA7] =	sst s6  }
0xf: {  	[smem:$0x3FA8] =	sst s7  }
0x10: {  	[smem:$0x3FA9] =	sst s8  }
0x11: {  	[smem:$0x3FAA] =	sst s9;
	s0 =	simm.s32 @!p0 $0x0  }
0x12: {  	s1 =	sld [smem:$0x3F90];
	s0 =	simm.s32 @p0 $0x1  }
0x13: {  	[smem:$0x3FAB] =	sst s0;
	s0 =	simm.s32 @!p1 $0x0  }
0x14: {  	s2 =	sld [smem:$0x3F8F];
	s0 =	simm.s32 @p1 $0x1  }
0x15: {  	[smem:$0x3FAC] =	sst s0;
	s0 =	simm.s32 @!p2 $0x0  }
0x16: {  	s3 =	sld [smem:$0x3FDB];
	s0 =	simm.s32 @p2 $0x1  }
0x17: {  	s4 =	simm.s32 $0x1BF5;
	[smem:$0x3FAE] =	sst s0  }
0x18: {  	s0 =	sld [smem:$0x3F91];
	_ =	swait.ge [sflag:s4], $0x0  }
0x19: {  	s7 =	sld [smem:$0x3F92]  }
0x1a: {  	s8 =	sadd.s32 $0xFFFFE003, lr  }
0x1b: {  	s9 =	sadd.s32 $0xFFFFFEF7, lr;
	s5 =	simm.s32 $0xFFFFFFFF;
	p2 =	slt.u32 s8, $0xFFFFF086  }
0x1c: {  	p1 =	slt.u32 s9, $0xF7A;
	s5 =	simm.s32 @!p2 $0x0  }
0x1d: {  	s5 =	simm.s32 @p1 $0x1;
	p0 =	seq.s32 s7, s2  }
0x1e: {  	s7 =	smul.u32 @!p0 $0xF7A, s2;
	p2 =	seq.s32 @!p0 s5, $0x0  }
0x1f: {  	s9 =	smul.u32 $0xF7A, s1;
	s8 =	simm.s32 @!p0 $0x1BF5;
	p2 =	por !p2, p0  }
0x20: {  	[sflag:s8] =	ssyncset.s32 @!p0 $0xFFFFF086;
	s6 =	sadd.s32 @!p0 s3, s7;
	s7 =	simm.s32 @!p0 $0x108  }
0x21: {  	s3 =	sadd.s32 s3, s9;
	s6 =	sadd.s32 @!p0 $0x88, s6;
	s7 =	simm.s32 @p2 $0x1082  }
0x22: {  	[simem:s7], [sflag:s8] =	dma.local @!p0 [hbm:s6], $0xF7A  }
0x23: {  	s9 =	sor.u32 $0xD0000000, s2;
	s6 =	simm.s32 $0x108;
	_ =	swait.ge @!p0 [sflag:s8], $0x0  }
0x24: {  	s3 =	sadd.s32 $0x88, s3;
	s6 =	simm.s32 @!p1 $0x1082;
	[sflag:s4] =	ssyncset.s32 $0xFFFFF086  }
0x25: {  	[simem:s6], [sflag:s4] =	dma.local [hbm:s3], $0xF7A  }
0x26: {  	[smem:$0x3F92] =	sst s1;
	(tag) =	ssettag s2;
	_ =	strace s9  }
0x27: {  	s1 =	sld [smem:$0x3FA2]  }
0x28: {  	s2 =	sld [smem:$0x3FA3]  }
0x29: {  	s4 =	sld [smem:$0x3FA5]  }
0x2a: {  	p0 =	seq.s32 s5, $0x0;
	s5 =	sld [smem:$0x3FA6]  }
0x2b: {  	s6 =	sld [smem:$0x3FA7]  }
0x2c: {  	s7 =	sld [smem:$0x3FA8]  }
0x2d: {  	s3 =	simm.s32 $0x108;
	s8 =	sld [smem:$0x3FA9]  }
0x2e: {  	s3 =	simm.s32 @!p0 $0x1082;
	s9 =	sld [smem:$0x3FAA]  }
0x2f: {  	lr =	sadd.s32 s0, s3;
	s0 =	sld [smem:$0x3FA1]  }
0x30: {  	s3 =	sld [smem:$0x3FA4]  }
0x31: {  	[smem:$0x3FAD] =	sst s10  }
0x32: {  	s10 =	sld [smem:$0x3FAB];
	_ =	sdelay $0x3  }
0x33: {  	p0 =	seq.s32 s10, $0x1;
	s10 =	sld [smem:$0x3FAD];
	_ =	sdelay $0x3  }
0x34: {  	[smem:$0x3FAD] =	sst s10  }
0x35: {  	s10 =	sld [smem:$0x3FAC];
	_ =	sdelay $0x3  }
0x36: {  	p1 =	seq.s32 s10, $0x1;
	s10 =	sld [smem:$0x3FAD];
	_ =	sdelay $0x3  }
0x37: {  	[smem:$0x3FAD] =	sst s10  }
0x38: {  	s10 =	sld [smem:$0x3FAE]  }
0x39: {  	_ = 	snop;
	(pc) =	sbr.ind lr, $3  }
0x3a: {  	_ = 	snop  }
0x3b: {  	_ = 	snop  }
0x3c: {  	p2 =	seq.s32 s10, $0x1;
	s10 =	sld [smem:$0x3FAD]  }
0x3d: {  	_ =	shalt  }
0x3e: {  	_ =	shalt  }
0x3f: {  	_ =	shalt  }
0x40: {  	_ =	shalt  }
0x41: {  	_ =	shalt  }
0x42: {  	_ =	shalt  }
0x43: {  	_ =	shalt  }
0x44: {  	_ =	shalt  }
0x45: {  	_ =	shalt  }
0x46: {  	_ =	shalt  }
0x47: {  	_ =	shalt  }
0x48: {  	_ =	shalt  }
0x49: {  	_ =	shalt  }
0x4a: {  	_ =	shalt  }
0x4b: {  	_ =	shalt  }
0x4c: {  	_ =	shalt  }
0x4d: {  	_ =	shalt  }
0x4e: {  	_ =	shalt  }
0x4f: {  	_ =	shalt  }
0x50: {  	_ =	shalt  }
0x51: {  	_ =	shalt  }
0x52: {  	_ =	shalt  }
0x53: {  	_ =	shalt  }
0x54: {  	_ =	shalt  }
0x55: {  	_ =	shalt  }
0x56: {  	_ =	shalt  }
0x57: {  	_ =	shalt  }
0x58: {  	_ =	shalt  }
0x59: {  	_ =	shalt  }
0x5a: {  	_ =	shalt  }
0x5b: {  	_ =	shalt  }
0x5c: {  	_ =	shalt  }
0x5d: {  	_ =	shalt  }
0x5e: {  	_ =	shalt  }
0x5f: {  	_ =	shalt  }
0x60: {  	_ =	shalt  }
0x61: {  	_ =	shalt  }
0x62: {  	_ =	shalt  }
0x63: {  	_ =	shalt  }
0x64: {  	_ =	shalt  }
0x65: {  	_ =	shalt  }
0x66: {  	_ =	shalt  }
0x67: {  	_ =	shalt  }
0x68: {  	_ =	shalt  }
0x69: {  	_ =	shalt  }
0x6a: {  	_ =	shalt  }
0x6b: {  	_ =	shalt  }
0x6c: {  	_ =	shalt  }
0x6d: {  	_ =	shalt  }
0x6e: {  	_ =	shalt  }
0x6f: {  	_ =	shalt  }
0x70: {  	_ =	shalt  }
0x71: {  	_ =	shalt  }
0x72: {  	_ =	shalt  }
0x73: {  	_ =	shalt  }
0x74: {  	_ =	shalt  }
0x75: {  	_ =	shalt  }
0x76: {  	_ =	shalt  }
0x77: {  	_ =	shalt  }
0x78: {  	_ =	shalt  }
0x79: {  	_ =	shalt  }
0x7a: {  	_ =	shalt  }
0x7b: {  	_ =	shalt  }
0x7c: {  	_ =	shalt  }
0x7d: {  	_ =	shalt  }
0x7e: {  	_ =	shalt  }
0x7f: {  	_ =	shalt  }
0x80: {  	_ =	shalt  }
0x81: {  	_ =	shalt  }
0x82: {  	_ =	shalt  }
0x83: {  	_ =	shalt  }
0x84: {  	_ =	shalt  }
0x85: {  	_ =	shalt  }
0x86: {  	_ =	shalt  }
0x87: {  	_ =	shalt  }
.Lfunc_end0:
.L_simem_size_0:
called_computation.3_lowered:
.L_overlay_start_0:
0x88: {  	s2 =	sld [smem:$0x3FD9]  }
0x89: {  	s3 =	sld [smem:$0x3FFE];
	_ =	sdelay $0x1  }
0x8a: {  	s1 =	srdreg.scid  }
0x8b: {  	s0 =	sand.u32 $0x1, s1  }
0x8c: {  	s14 =	sshll.u32 s0, $0xA;
	s2 =	sadd.s32 s3, s2  }
0x8d: {  	s2 =	sadd.s32 s2, s14  }
0x8e: {  	[smem:$0x3FB9] =	sst s2  }
0x8f: {  	_ = 	snop  }
0x90: {  	s2 =	sld [smem:$0x3FD0];
	_ =	sdelay $0x2  }
0x91: {  	s15 =	simm.s32 $0xA;
	s4 =	simm.s32 $0x10  }
0x92: {  	[smem:s4], [sflag:s15] =	dma.local [hbm:s2], $0x1  }
0x93: {  	_ =	swait.eq [sflag:s15], $0x1  }
0x94: {  	s16 =	sld [smem:$0x10];
	[sflag:s15] =	ssyncset.done $0x0  }
0x95: {  	s17 =	sld [smem:$0x11];
	[sflag:s15] =	ssyncadd.s32 $0xFFFFFFFF  }
0x96: {  	s18 =	sld [smem:$0x12];
	(tm) =	ssettm $0x1  }
0x97: {  	s5 =	sld [smem:$0x3FFB];
	_ =	sdelay $0x3  }
0x98: {  	_ =	strace s5  }
0x99: {  	s5 =	sld [smem:$0x3FFC];
	_ =	sdelay $0x3  }
0x9a: {  	_ =	strace s5  }
0x9b: {  	s5 =	sld [smem:$0x3FFD];
	_ =	sdelay $0x3  }
0x9c: {  	_ =	strace s5  }
0x9d: {  	_ =	strace $0x8FFFFFFF  }
0x9e: {  	s19 =	sld [smem:$0x3FDB];
	_ =	sdelay $0x1  }
0x9f: {  	s6 =	simm.s32 $_scs_section_size  }
0xa0: {  	s7 =	simm.s32 $_size__tile_overlayer_lowered;
	s8 =	simm.s32 $_tile_overlayer_lowered  }
0xa1: {  	s22 =	simm.s32 $0x1BFF;
	s21 =	sshll.u32 s8, $0x1;
	s5 =	sadd.s32 s6, s19  }
0xa2: {  	s9 =	simm.s32 $0x0;
	s20 =	sshll.u32 s7, $0x1;
	s7 =	sadd.s32 s21, s5  }
0xa3: {  	[timem:s9], [sflag:s22] =	dma.local [hbm:s7], s20  }
0xa4: {  	_ =	swait.ge [sflag:s22], s20  }
0xa5: {  	s6 =	ssub.s32 $0x0, s20;
	[sflag:s22] =	ssyncset.done $0x0  }
0xa6: {  	[sflag:s22] =	ssyncadd.s32 s6;
	_ =	sdelay $0x1  }
0xa7: {  	s23 =	simm.s32 $0x1B8B  }
0xa8: {  	_ =	swait.ge [sflag:s23], $0x1  }
0xa9: {  	[sflag:s23] =	ssyncset.done $0x0  }
0xaa: {  	s25 =	simm.s32 $0x1B8E;
	s24 =	sld [smem:$0x3FFE];
	[sflag:s23] =	ssyncadd.s32 $0xFFFFFFFF  }
0xab: {  	s26 =	simm.s32 $execute0_lowered;
	[smem:$0x3FD2] =	sst s25  }
0xac: {  	s7 =	sshll.u32 s26, $0x1;
	_ =	strace $0x8000004F;
	[dreg:$0x1] =	wrdreg $0xFFFFFFFF  }
0xad: {  	s28 =	simm.s32 $_size_execute0_lowered;
	s5 =	sadd.s32 s5, s7;
	[dreg:$0x0] =	wrdreg $0x0  }
0xae: {  	s7 =	sshll.u32 s28, $0x1;
	[dreg:$0x2] =	wrdreg s5  }
0xaf: {  	[dreg:$0x3] =	wrdreg s7  }
0xb0: {  	[dreg:$0x4] =	wrdreg $0xC0  }
0xb1: {  	_ =	task [dreg:s9], $0x5FFFF  }
0xb2: {  	[dreg:$0x1] =	wrdreg $0xFFFFFFFF  }
0xb3: {  	[dreg:$0x0] =	wrdreg $0x60  }
0xb4: {  	[dreg:$0x2] =	wrdreg s24  }
0xb5: {  	[dreg:$0x3] =	wrdreg s16  }
0xb6: {  	[dreg:$0x4] =	wrdreg s18  }
0xb7: {  	[dreg:$0x5] =	wrdreg s17  }
0xb8: {  	[dreg:$0x6] =	wrdreg $0x9  }
0xb9: {  	_ =	task.clear_ibuf [dreg:s9], $0x7FFFF;
	_ =	strace $0x9000004F  }
0xba: {  	s29 =	simm.s32 $0x9;
	_ =	strace $0x80000051  }
0xbb: {  	_ =	swait.ge [sflag:s29], $0x1  }
0xbc: {  	[sflag:s29] =	ssyncadd.s32 $0xFFFFFFFF  }
0xbd: {  	_ =	strace $0x90000051  }
0xbe: {  	_ =	sfence  }
0xbf: {  	s30 =	sld [smem:$0x0];
	_ =	sdelay $0x2  }
0xc0: {  	s31 =	sshll.u32 s1, $0xD;
	s1 =	sshrl.u32 s1, $0x2  }
0xc1: {  	s3 =	sand.u32 $0x4000, s31;
	s1 =	sadd.s32 s1, s30  }
0xc2: {  	s0 =	sor.u32 s3, s0;
	s1 =	sshll.u32 s1, $0x11  }
0xc3: {  	s0 =	sor.u32 s1, s0  }
0xc4: {  	s0 =	sadd.s32 $0x8F2B, s0  }
0xc5: {  	[sflag:s0] =	ssyncadd.remote.s32 $0x1  }
0xc6: {  	_ =	sfence.sel $0xFFFF  }
0xc7: {  	[dreg:$0x0] =	wrdreg $0xFFFFFFFF;
	(pc) =	sbr.abs _section_cstart, $3  }
0xc8: {  	[dreg:$0x1] =	wrdreg $0xFFFFFFFF  }
0xc9: {  	_ =	task.clear_ibuf [dreg:s9], $0x2FFFF;
	_ =	strace $0x9FFFFFFF  }
0xca: {  	(tm) =	ssettm $0x7FFFFFFF  }
0xcb: {  	_ =	shalt  }
tec
execute0_lowered:
.L_overlay_start_1:
0x0: {  	(tag) =	ssettag $0x1  }
0x1: {  	s0 =	rddreg [dreg:$0x0]  }
0x2: {  	s1 =	rddreg [dreg:$0x1]  }
0x3: {  	s2 =	rddreg [dreg:$0x2]  }
0x4: {  	s13 =	rddreg [dreg:$0x3];
	s4 =	simm.s32 $0x0  }
0x5: {  	s5 =	srdreg.scid;
	s3 =	stileid.u32;
	s16 =	simm.s32 $0x3  }
0x6: {  	s17 =	simm.s32 $0x2860;
	s18 =	simm.s32 $0x1;
	s19 =	simm.s32 $0x28B0  }
0x7: {  	s20 =	simm.s32 $0x20;
	s21 =	simm.s32 $0x28F0;
	s22 =	simm.s32 $0x28D0  }
0x8: {  	s23 =	simm.s32 $0x2;
	s24 =	simm.s32 $0x0;
	[smem:$0x7FF] =	sst s4  }
0x9: {  	s9 =	sand.u32 $0x1, s5;
	s5 =	sadd.s32 $0x3800, s0;
	s10 =	sshll.u32 s3, $0x1  }
0xa: {  	s6 =	sadd.s32 $0x3200, s0;
	s7 =	sadd.s32 $0x18200, s0;
	s0 =	sadd.s32 $0x4200, s0  }
0xb: {  	_ =	strace $0x80000050;
	s8 =	sshll.u32 s9, $0x5;
	s29 =	ssub.s32 $0x2, s9  }
.Ltmp0:
0xc: {  	s8 =	sor.u32 s10, s8;
	s12 =	sshrl.u32 s29, $0x1;
	(pc) =	sbr.rel .LBB2_1-.Ltmp0, $4  }
0xd: {  	s11 =	smul.u32 $0xF0, s8;
	s9 =	sor.u32 $0x1, s8;
	s15 =	ssub.s32 s29, s12  }
0xe: {  	v0 =	vlaneseq.u32;
	s30 =	sshll.u32 s8, $0x2;
	s14 =	smul.u32 $0xF0, s9;
	s31 =	sshll.u32 s9, $0x2  }
0xf: {  	v1 =	vimm.s32 $0x0;
	v2 =	vimm.f32 $3.000000010e+38;
	v3 =	vimm.s32 $0x1E;
	s10 =	sadd.s32 s0, s11;
	s11 =	sadd.s32 s13, s30;
	s13 =	sadd.s32 s13, s31  }
0x10: {  	v4 =	vimm.s32 $0x1F;
	vm0 =	vmmov $0x3fff;
	v5 =	vor.u32 $0x10, v0;
	s12 =	sadd.s32 s0, s14;
	s14 =	smax.u32 s15, $0x1;
	s15 =	simm.s32 $0x2810  }
.LBB2_27:
0x11: {  	_ =	sdelay $0x3  }
0x12: {  	[tilespmem:v3+s19+$0x0] =	vst.idx.msk $0x1, v1  }
0x13: {  	[tilespmem:v4+s19+$0x0] =	vst.idx.msk $0x1, v1  }
0x14: {  	[tilespmem:s21], [sflag:$0x1] =	stream.indirect.gather [hbm4b:s7+s20], $0x40, s19, s20, $0xb8;
	[tilespmem:$0x30F0] =	vst v63  }
0x15: {  	_ =	swait.ge [sflag:s18], $0x800  }
0x16: {  	[sflag:s18] =	ssyncset.done $0x0  }
0x17: {  	[sflag:s18] =	ssyncadd.s32 $0xFFFFF800  }
0x18: {  	[tilespmem:s22], [sflag:$0x2] =	stream.indirect.gather [hbm4b:s6+s20], $0x1, s19, s20, $0xb8;
	[tilespmem:$0x30F0] =	vst v63  }
0x19: {  	_ =	swait.ge [sflag:s23], $0x20  }
0x1a: {  	[sflag:s23] =	ssyncset.done $0x0  }
0x1b: {  	[sflag:s23] =	ssyncadd.s32 $0xFFFFFFE0  }
0x1c: {  	v7 =	vld [tilespmem:$0x28D0]  }
0x1d: {  	v8 =	vld [tilespmem:$0x28E0]  }
0x1e: {  	v6 =	vbroadcast v6, $0x0;
	_ =	sdelay $0x1  }
0x1f: {  	vm1 =	vgt.s32 v6, v0;
	vm2 =	vgt.s32 v6, v5  }
0x20: {  	v6 =	vnsel vm1, $0x0, v7;
	vm1 =	vmand vm2, vm0  }
0x21: {  	[tilespmem:$0x28D0] =	vst v6;
	v6 =	vnsel vm1, $0x0, v8  }
0x22: {  	[tilespmem:$0x28E0] =	vst v6  }
0x23: {  	[hbm4b:s12+s4] =	stream.linear.scatter [tilespmem:s21], [sflag:$0x3], $0x780, $0x38;
	[tilespmem:$0x30F0] =	vst v63  }
0x24: {  	s24 =	sadd.s32 $0x1, s24;
	_ =	swait.ge [sflag:s16], $0x780  }
0x25: {  	p0 =	sne.s32 s24, s14;
	[sflag:s16] =	ssyncset.done $0x0  }
.Ltmp1:
0x26: {  	[sflag:s16] =	ssyncadd.s32 $0xFFFFF880;
	(pc) =	sbr.rel @!p0 .LBB2_28-.Ltmp1, $4  }
0x27: {  	[hbm4b:s13+s4] =	stream.linear.scatter [tilespmem:s22], [sflag:$0x3], $0x20, $0x38;
	[tilespmem:$0x30F0] =	vst v63  }
0x28: {  	_ =	swait.ge [sflag:s16], $0x20  }
0x29: {  	[sflag:s16] =	ssyncset.done $0x0  }
0x2a: {  	[sflag:s16] =	ssyncadd.s32 $0xFFFFFFE0  }
.LBB2_1:
0x2b: {  	[tilespmem:s15], [sflag:$0x3] =	stream.linear.gather [hbm4b:s1+s4], $0x40, $0x38;
	[tilespmem:$0x30F0] =	vst v63  }
0x2c: {  	_ =	swait.ge [sflag:s16], $0x40  }
0x2d: {  	[sflag:s16] =	ssyncset.done $0x0  }
0x2e: {  	[sflag:s16] =	ssyncadd.s32 $0xFFFFFFC0  }
0x2f: {  	[tilespmem:s17], [sflag:$0x3] =	stream.linear.gather [hbm4b:s2+s4], $0x40, $0x38;
	[tilespmem:$0x30F0] =	vst v63  }
0x30: {  	_ =	swait.ge [sflag:s16], $0x40  }
0x31: {  	[sflag:s16] =	ssyncset.done $0x0  }
0x32: {  	[sflag:s16] =	ssyncadd.s32 $0xFFFFFFC0  }
0x33: {  	v6 =	vld [tilespmem:s8+$0x2810];
	_ =	sdelay $0x4  }
0x34: {  	(v2sf) =	vpush v6, $0x0;
	_ =	sdelay $0x2  }
0x35: {  	v6 =	vld [tilespmem:s8+$0x2860];
	_ =	sdelay $0x4  }
0x36: {  	(v2sf) =	vpush v6, $0x0;
	_ =	sdelay $0x6  }
0x37: {  	s0 =	spop (v2sf)  }
0x38: {  	s25 =	sand.u32 $0x7, s0  }
0x39: {  	s26 =	sshra.s32 s0, $0x1F;
	p0 =	slt.s32 s0, $0x1;
	p1 =	sne.s32 s25, $0x0  }
0x3a: {  	s26 =	sshrl.u32 s26, $0x1D;
	p0 =	por !p0, !p1  }
0x3b: {  	s25 =	sadd.s32 s26, s0;
	s26 =	simm.s32 $0x1;
	p0 =	por !p0, !p0  }
0x3c: {  	s25 =	sshra.s32 s25, $0x3;
	s26 =	simm.s32 @!p0 $0x0  }
0x3d: {  	s25 =	ssub.s32 s25, s26  }
0x3e: {  	s28 =	sshll.u32 s25, $0x3;
	s26 =	sand.u32 $0x1FFFFFFF, s25  }
0x3f: {  	s25 =	spop (v2sf);
	s29 =	ssub.s32 s0, s28;
	s30 =	sadd.s32 s5, s26  }
0x40: {  	[tilespmem:s4], [sflag:$0x3] =	stream.linear.gather [hbm4b:s30+s4], $0x2810, $0x38;
	[tilespmem:$0x30F0] =	vst v63  }
0x41: {  	s0 =	sadd.s32 s25, s29  }
0x42: {  	s26 =	sadd.s32 $0xF, s0  }
0x43: {  	s30 =	sand.u32 $0xF, s26  }
0x44: {  	s31 =	sshra.s32 s26, $0x1F;
	p6 =	slt.s32 s26, $0x1;
	p5 =	sne.s32 s30, $0x0  }
0x45: {  	s30 =	sshrl.u32 s31, $0x1C;
	p0 =	por !p6, !p5  }
0x46: {  	s26 =	sadd.s32 s30, s26;
	s30 =	simm.s32 $0x1;
	p0 =	por !p0, !p0  }
0x47: {  	s26 =	sshra.s32 s26, $0x4;
	s30 =	simm.s32 @!p0 $0x0  }
0x48: {  	s26 =	ssub.s32 s26, s30  }
0x49: {  	p0 =	slt.s32 s26, $0x1  }
.Ltmp2:
0x4a: {  	_ = 	snop;
	(pc) =	sbr.rel @p0 .LBB2_8-.Ltmp2, $4  }
0x4b: {  	_ = 	snop  }
0x4c: {  	_ =	swait.ge [sflag:s16], $0x2810  }
0x4d: {  	[sflag:s16] =	ssyncset.done $0x0  }
0x4e: {  	[sflag:s16] =	ssyncadd.s32 $0xFFFFD7F0  }
0x4f: {  	p2 =	seq.s32 s26, $0x1  }
.Ltmp3:
0x50: {  	_ = 	snop;
	(pc) =	sbr.rel @p2 .LBB2_3-.Ltmp3, $3  }
0x51: {  	_ =	sdelay $0x1  }
0x52: {  	v7 =	vmov s29;
	s29 =	simm.s32 $0x0  }
0x53: {  	v8 =	vmov s0;
	s0 =	sadd.s32 $0xFFFFFFFF, s26;
	p1 =	por $0x0, $0x0;
	v9 =	vld [tilespmem:s29+$0x0]  }
0x54: {  	_ = 	snop  }
0x55: {  	v10 =	vor.u32 s29, v0;
	p2 =	seq.s32 s0, $0x1  }
.Ltmp4:
0x56: {  	vm1 =	vlt.s32 v10, v7;
	vm2 =	vge.s32 v10, v8;
	(pc) =	sbr.rel @p2 .LBB2_5-.Ltmp4, $4  }
0x57: {  	vm1 =	vmor vm1, vm2  }
0x58: {  	v9 =	vsel vm1, $0x7F61B1E6, v9  }
0x59: {  	s30 =	simm.s32 $0x10;
	[tilespmem:s29+$0x0] =	vst v9  }
0x5a: {  	s0 =	sadd.s32 $0xFFFFFFFF, s0;
	p1 =	por $0x1, $0x1;
	s31 =	simm.s32 $0x0;
	v9 =	vld [tilespmem:s30+$0x0]  }
.LBB2_6:
0x5b: {  	p2 =	seq.s32 s0, $0x1;
	s31 =	sadd.s32 $0x10, s31  }
0x5c: {  	v10 =	vor.u32 s31, v0  }
.Ltmp5:
0x5d: {  	vm1 =	vlt.s32 v10, v7;
	vm2 =	vge.s32 v10, v8;
	(pc) =	sbr.rel @!p2 .LBB2_6-.Ltmp5, $4  }
0x5e: {  	vm1 =	vmor vm1, vm2  }
0x5f: {  	v9 =	vsel vm1, $0x7F61B1E6, v9  }
0x60: {  	[tilespmem:s30+$0x0] =	vst v9;
	s30 =	sadd.s32 $0x10, s30  }
0x61: {  	s0 =	sadd.s32 $0xFFFFFFFF, s0;
	v9 =	vld [tilespmem:s30+$0x0]  }
.LBB2_7:
0x62: {  	s0 =	sadd.s32 @p1 $0x10, s31  }
0x63: {  	s29 =	smov.u32 @p1 s0  }
0x64: {  	v10 =	vor.u32 s29, v0  }
0x65: {  	vm1 =	vlt.s32 v10, v7;
	vm2 =	vge.s32 v10, v8  }
0x66: {  	vm1 =	vmor vm1, vm2  }
0x67: {  	v7 =	vsel vm1, $0x7F61B1E6, v9  }
0x68: {  	[tilespmem:s30+$0x0] =	vst v7  }
.LBB2_8:
.Ltmp6:
0x69: {  	(pc) =	sbr.rel .LBB2_9-.Ltmp6, $2  }
0x6a: {  	_ =	sdelay $0x2  }
0x6b: {  	v7 =	vmov s28;
	s28 =	simm.s32 $0x0;
	s29 =	simm.s32 $0x0  }
.LBB2_12:
0x6c: {  	v8 =	vsel vm1, v10, v8;
	v9 =	vsel vm1, v11, v9  }
.LBB2_13:
0x6d: {  	(xrf1) =	vsort.ascd.msk.f32 $0xffff, v8, v9;
	_ =	sdelay $0xd  }
0x6e: {  	v10, _, _ =	vpop (xrf1)  }
0x6f: {  	v10 =	vperm.xlane v10, v1;
	_ =	sdelay $0x1  }
0x70: {  	vm1 =	veq.f32 v8, v10  }
0x71: {  	v8 =	vnsel vm1, $0x4E800000, v9  }
0x72: {  	(xrf1) =	vsort.ascd.msk.f32 $0xffff, v8, v8;
	_ =	sdelay $0xd  }
0x73: {  	v8, _, _ =	vpop (xrf1)  }
0x74: {  	v8 =	vperm.xlane v8, v1;
	_ =	sdelay $0x1  }
0x75: {  	v8 =	vtrunc.f32 v8  }
0x76: {  	v8 =	vcvt.f32.s32 v8;
	_ =	sdelay $0x1  }
0x77: {  	v62 =	vmov s29;
	p1 =	slt.s32 s29, s25;
	s29 =	sadd.s32 $0x1, s29;
	v63 =	vadd.s32 v8, v7  }
0x78: {  	v10 =	vpsel !p1, $0x0, v63;
	p1 =	sne.s32 s29, $0x1E  }
.Ltmp7:
0x79: {  	_ = 	snop;
	(pc) =	sbr.rel @!p1 .LBB2_14-.Ltmp7, $3  }
0x7a: {  	_ =	sdelay $0x1  }
0x7b: {  	[tilespmem:v62+s19+$0x0] =	vst.idx.msk $0x1, v10  }
0x7c: {  	[tilespmem:v8+s4+$0x0] =	vst.idx.msk $0x1, v2  }
.LBB2_9:
.Ltmp8:
0x7d: {  	(pc) =	sbr.rel @p0 .LBB2_13-.Ltmp8, $2  }
0x7e: {  	_ =	sdelay $0x2  }
0x7f: {  	v8 =	vimm.f32 $3.000000010e+38;
	v9 =	vimm.f32 $0.0e+00  }
0x80: {  	v10 =	vld [tilespmem:s28+$0x0];
	p1 =	sne.s32 s26, $0x1  }
.Ltmp9:
0x81: {  	_ = 	snop;
	(pc) =	sbr.rel @!p1 .LBB2_12-.Ltmp9, $4  }
0x82: {  	_ = 	snop  }
0x83: {  	v11 =	vor.u32 s28, v0  }
0x84: {  	v11 =	vcvt.s32.f32 v11  }
0x85: {  	s30 =	sadd.s32 $0xFFFFFFFF, s26;
	s0 =	sadd.s32 $0x10, s28;
	s31 =	simm.s32 $0x0;
	vm1 =	vlt.f32 v10, v8  }
.LBB2_11:
0x86: {  	p1 =	sne.s32 s30, $0x1;
	s30 =	sadd.s32 $0xFFFFFFFF, s30;
	v8 =	vsel vm1, v10, v8;
	v10 =	vld [tilespmem:s0+$0x0];
	v9 =	vsel vm1, v11, v9  }
.Ltmp10:
0x87: {  	(pc) =	sbr.rel @p1 .LBB2_11-.Ltmp10, $4  }
0x88: {  	s31 =	sadd.s32 $0x10, s31  }
0x89: {  	v11 =	vor.u32 s31, v0  }
0x8a: {  	v11 =	vcvt.s32.f32 v11  }
0x8b: {  	s0 =	sadd.s32 $0x10, s0;
	vm1 =	vlt.f32 v10, v8  }
.Ltmp11:
0x8c: {  	_ = 	snop;
	(pc) =	sbr.rel .LBB2_12-.Ltmp11, $1  }
0x8d: {  	_ =	sdelay $0x3  }
.LBB2_14:
0x8e: {  	_ =	sdelay $0x3  }
0x8f: {  	[tilespmem:v3+s19+$0x0] =	vst.idx.msk $0x1, v1  }
0x90: {  	[tilespmem:v4+s19+$0x0] =	vst.idx.msk $0x1, v1  }
0x91: {  	[tilespmem:s21], [sflag:$0x1] =	stream.indirect.gather [hbm4b:s7+s20], $0x40, s19, s20, $0xb8;
	[tilespmem:$0x30F0] =	vst v63  }
0x92: {  	_ =	swait.ge [sflag:s18], $0x800  }
0x93: {  	[sflag:s18] =	ssyncset.done $0x0  }
0x94: {  	[sflag:s18] =	ssyncadd.s32 $0xFFFFF800  }
0x95: {  	[tilespmem:s22], [sflag:$0x2] =	stream.indirect.gather [hbm4b:s6+s20], $0x1, s19, s20, $0xb8;
	[tilespmem:$0x30F0] =	vst v63  }
0x96: {  	_ =	swait.ge [sflag:s23], $0x20  }
0x97: {  	[sflag:s23] =	ssyncset.done $0x0  }
0x98: {  	[sflag:s23] =	ssyncadd.s32 $0xFFFFFFE0  }
0x99: {  	v7 =	vld [tilespmem:$0x28D0]  }
0x9a: {  	v8 =	vld [tilespmem:$0x28E0]  }
0x9b: {  	v6 =	vbroadcast v6, $0x0;
	_ =	sdelay $0x1  }
0x9c: {  	vm1 =	vgt.s32 v6, v0;
	vm2 =	vgt.s32 v6, v5  }
0x9d: {  	v6 =	vnsel vm1, $0x0, v7;
	vm1 =	vmand vm2, vm0  }
0x9e: {  	[tilespmem:$0x28D0] =	vst v6;
	v6 =	vnsel vm1, $0x0, v8  }
0x9f: {  	[tilespmem:$0x28E0] =	vst v6  }
0xa0: {  	[hbm4b:s10+s4] =	stream.linear.scatter [tilespmem:s21], [sflag:$0x3], $0x780, $0x38;
	[tilespmem:$0x30F0] =	vst v63  }
0xa1: {  	_ =	swait.ge [sflag:s16], $0x780  }
0xa2: {  	[sflag:s16] =	ssyncset.done $0x0  }
0xa3: {  	[sflag:s16] =	ssyncadd.s32 $0xFFFFF880  }
0xa4: {  	[hbm4b:s11+s4] =	stream.linear.scatter [tilespmem:s22], [sflag:$0x3], $0x20, $0x38;
	[tilespmem:$0x30F0] =	vst v63  }
0xa5: {  	_ =	swait.ge [sflag:s16], $0x20  }
0xa6: {  	[sflag:s16] =	ssyncset.done $0x0  }
0xa7: {  	[sflag:s16] =	ssyncadd.s32 $0xFFFFFFE0  }
0xa8: {  	v6 =	vld [tilespmem:s9+$0x2810];
	_ =	sdelay $0x4  }
0xa9: {  	(v2sf) =	vpush v6, $0x0;
	_ =	sdelay $0x2  }
0xaa: {  	v6 =	vld [tilespmem:s9+$0x2860];
	_ =	sdelay $0x4  }
0xab: {  	(v2sf) =	vpush v6, $0x0;
	_ =	sdelay $0x6  }
0xac: {  	s0 =	spop (v2sf)  }
0xad: {  	s25 =	sand.u32 $0x7, s0  }
0xae: {  	s26 =	sshra.s32 s0, $0x1F;
	p0 =	slt.s32 s0, $0x1;
	p1 =	sne.s32 s25, $0x0  }
0xaf: {  	s26 =	sshrl.u32 s26, $0x1D;
	p0 =	por !p0, !p1  }
0xb0: {  	s25 =	sadd.s32 s26, s0;
	s26 =	simm.s32 $0x1;
	p0 =	por !p0, !p0  }
0xb1: {  	s25 =	sshra.s32 s25, $0x3;
	s26 =	simm.s32 @!p0 $0x0  }
0xb2: {  	s25 =	ssub.s32 s25, s26  }
0xb3: {  	s28 =	sshll.u32 s25, $0x3;
	s26 =	sand.u32 $0x1FFFFFFF, s25  }
0xb4: {  	s25 =	spop (v2sf);
	s29 =	ssub.s32 s0, s28;
	s30 =	sadd.s32 s5, s26  }
0xb5: {  	[tilespmem:s4], [sflag:$0x3] =	stream.linear.gather [hbm4b:s30+s4], $0x2810, $0x38;
	[tilespmem:$0x30F0] =	vst v63  }
0xb6: {  	s0 =	sadd.s32 s25, s29  }
0xb7: {  	s26 =	sadd.s32 $0xF, s0  }
0xb8: {  	s30 =	sand.u32 $0xF, s26  }
0xb9: {  	s31 =	sshra.s32 s26, $0x1F;
	p6 =	slt.s32 s26, $0x1;
	p5 =	sne.s32 s30, $0x0  }
0xba: {  	s30 =	sshrl.u32 s31, $0x1C;
	p0 =	por !p6, !p5  }
0xbb: {  	s26 =	sadd.s32 s30, s26;
	s30 =	simm.s32 $0x1;
	p0 =	por !p0, !p0  }
0xbc: {  	s26 =	sshra.s32 s26, $0x4;
	s30 =	simm.s32 @!p0 $0x0  }
0xbd: {  	s26 =	ssub.s32 s26, s30  }
0xbe: {  	p0 =	slt.s32 s26, $0x1  }
.Ltmp12:
0xbf: {  	_ = 	snop;
	(pc) =	sbr.rel @p0 .LBB2_21-.Ltmp12, $4  }
0xc0: {  	_ = 	snop  }
0xc1: {  	_ =	swait.ge [sflag:s16], $0x2810  }
0xc2: {  	[sflag:s16] =	ssyncset.done $0x0  }
0xc3: {  	[sflag:s16] =	ssyncadd.s32 $0xFFFFD7F0  }
0xc4: {  	p2 =	seq.s32 s26, $0x1  }
.Ltmp13:
0xc5: {  	_ = 	snop;
	(pc) =	sbr.rel @p2 .LBB2_16-.Ltmp13, $3  }
0xc6: {  	_ =	sdelay $0x1  }
0xc7: {  	v7 =	vmov s29;
	s29 =	simm.s32 $0x0  }
0xc8: {  	v8 =	vmov s0;
	s0 =	sadd.s32 $0xFFFFFFFF, s26;
	p1 =	por $0x0, $0x0;
	v9 =	vld [tilespmem:s29+$0x0]  }
0xc9: {  	_ = 	snop  }
0xca: {  	v10 =	vor.u32 s29, v0;
	p2 =	seq.s32 s0, $0x1  }
.Ltmp14:
0xcb: {  	vm1 =	vlt.s32 v10, v7;
	vm2 =	vge.s32 v10, v8;
	(pc) =	sbr.rel @p2 .LBB2_18-.Ltmp14, $4  }
0xcc: {  	vm1 =	vmor vm1, vm2  }
0xcd: {  	v9 =	vsel vm1, $0x7F61B1E6, v9  }
0xce: {  	s30 =	simm.s32 $0x10;
	[tilespmem:s29+$0x0] =	vst v9  }
0xcf: {  	s0 =	sadd.s32 $0xFFFFFFFF, s0;
	p1 =	por $0x1, $0x1;
	s31 =	simm.s32 $0x0;
	v9 =	vld [tilespmem:s30+$0x0]  }
.LBB2_19:
0xd0: {  	p2 =	seq.s32 s0, $0x1;
	s31 =	sadd.s32 $0x10, s31  }
0xd1: {  	v10 =	vor.u32 s31, v0  }
.Ltmp15:
0xd2: {  	vm1 =	vlt.s32 v10, v7;
	vm2 =	vge.s32 v10, v8;
	(pc) =	sbr.rel @!p2 .LBB2_19-.Ltmp15, $4  }
0xd3: {  	vm1 =	vmor vm1, vm2  }
0xd4: {  	v9 =	vsel vm1, $0x7F61B1E6, v9  }
0xd5: {  	[tilespmem:s30+$0x0] =	vst v9;
	s30 =	sadd.s32 $0x10, s30  }
0xd6: {  	s0 =	sadd.s32 $0xFFFFFFFF, s0;
	v9 =	vld [tilespmem:s30+$0x0]  }
.LBB2_20:
0xd7: {  	s0 =	sadd.s32 @p1 $0x10, s31  }
0xd8: {  	s29 =	smov.u32 @p1 s0  }
0xd9: {  	v10 =	vor.u32 s29, v0  }
0xda: {  	vm1 =	vlt.s32 v10, v7;
	vm2 =	vge.s32 v10, v8  }
0xdb: {  	vm1 =	vmor vm1, vm2  }
0xdc: {  	v7 =	vsel vm1, $0x7F61B1E6, v9  }
0xdd: {  	[tilespmem:s30+$0x0] =	vst v7  }
.LBB2_21:
.Ltmp16:
0xde: {  	(pc) =	sbr.rel .LBB2_22-.Ltmp16, $2  }
0xdf: {  	_ =	sdelay $0x2  }
0xe0: {  	v7 =	vmov s28;
	s28 =	simm.s32 $0x0;
	s29 =	simm.s32 $0x0  }
.LBB2_25:
0xe1: {  	v8 =	vsel vm1, v10, v8;
	v9 =	vsel vm1, v11, v9  }
.LBB2_26:
0xe2: {  	(xrf1) =	vsort.ascd.msk.f32 $0xffff, v8, v9;
	_ =	sdelay $0xd  }
0xe3: {  	v10, _, _ =	vpop (xrf1)  }
0xe4: {  	v10 =	vperm.xlane v10, v1;
	_ =	sdelay $0x1  }
0xe5: {  	vm1 =	veq.f32 v8, v10  }
0xe6: {  	v8 =	vnsel vm1, $0x4E800000, v9  }
0xe7: {  	(xrf1) =	vsort.ascd.msk.f32 $0xffff, v8, v8;
	_ =	sdelay $0xd  }
0xe8: {  	v8, _, _ =	vpop (xrf1)  }
0xe9: {  	v8 =	vperm.xlane v8, v1;
	_ =	sdelay $0x1  }
0xea: {  	v8 =	vtrunc.f32 v8  }
0xeb: {  	v8 =	vcvt.f32.s32 v8;
	_ =	sdelay $0x1  }
0xec: {  	v62 =	vmov s29;
	p1 =	slt.s32 s29, s25;
	s29 =	sadd.s32 $0x1, s29;
	v63 =	vadd.s32 v8, v7  }
0xed: {  	v10 =	vpsel !p1, $0x0, v63;
	p1 =	sne.s32 s29, $0x1E  }
.Ltmp17:
0xee: {  	_ = 	snop;
	(pc) =	sbr.rel @!p1 .LBB2_27-.Ltmp17, $3  }
0xef: {  	_ =	sdelay $0x1  }
0xf0: {  	[tilespmem:v62+s19+$0x0] =	vst.idx.msk $0x1, v10  }
0xf1: {  	[tilespmem:v8+s4+$0x0] =	vst.idx.msk $0x1, v2  }
.LBB2_22:
.Ltmp18:
0xf2: {  	(pc) =	sbr.rel @p0 .LBB2_26-.Ltmp18, $2  }
0xf3: {  	_ =	sdelay $0x2  }
0xf4: {  	v8 =	vimm.f32 $3.000000010e+38;
	v9 =	vimm.f32 $0.0e+00  }
0xf5: {  	v10 =	vld [tilespmem:s28+$0x0];
	p1 =	sne.s32 s26, $0x1  }
.Ltmp19:
0xf6: {  	_ = 	snop;
	(pc) =	sbr.rel @!p1 .LBB2_25-.Ltmp19, $4  }
0xf7: {  	_ = 	snop  }
0xf8: {  	v11 =	vor.u32 s28, v0  }
0xf9: {  	v11 =	vcvt.s32.f32 v11  }
0xfa: {  	s30 =	sadd.s32 $0xFFFFFFFF, s26;
	s0 =	sadd.s32 $0x10, s28;
	s31 =	simm.s32 $0x0;
	vm1 =	vlt.f32 v10, v8  }
.LBB2_24:
0xfb: {  	p1 =	sne.s32 s30, $0x1;
	s30 =	sadd.s32 $0xFFFFFFFF, s30;
	v8 =	vsel vm1, v10, v8;
	v10 =	vld [tilespmem:s0+$0x0];
	v9 =	vsel vm1, v11, v9  }
.Ltmp20:
0xfc: {  	(pc) =	sbr.rel @p1 .LBB2_24-.Ltmp20, $4  }
0xfd: {  	s31 =	sadd.s32 $0x10, s31  }
0xfe: {  	v11 =	vor.u32 s31, v0  }
0xff: {  	v11 =	vcvt.s32.f32 v11  }
0x100: {  	s0 =	sadd.s32 $0x10, s0;
	vm1 =	vlt.f32 v10, v8  }
.Ltmp21:
0x101: {  	_ = 	snop;
	(pc) =	sbr.rel .LBB2_25-.Ltmp21, $1  }
0x102: {  	_ =	sdelay $0x3  }
.LBB2_3:
.Ltmp22:
0x103: {  	(pc) =	sbr.rel .LBB2_7-.Ltmp22, $2  }
0x104: {  	_ =	sdelay $0x2  }
0x105: {  	s31 =	simm.s32 $0x0;
	s30 =	simm.s32 $0x0  }
.LBB2_16:
.Ltmp23:
0x106: {  	(pc) =	sbr.rel .LBB2_20-.Ltmp23, $2  }
0x107: {  	_ =	sdelay $0x2  }
0x108: {  	s31 =	simm.s32 $0x0;
	s30 =	simm.s32 $0x0  }
.LBB2_5:
.Ltmp24:
0x109: {  	(pc) =	sbr.rel .LBB2_7-.Ltmp24, $2  }
0x10a: {  	_ =	sdelay $0x2  }
0x10b: {  	s31 =	simm.s32 $0x0  }
.LBB2_18:
.Ltmp25:
0x10c: {  	(pc) =	sbr.rel .LBB2_20-.Ltmp25, $2  }
0x10d: {  	_ =	sdelay $0x2  }
0x10e: {  	s31 =	simm.s32 $0x0  }
.LBB2_28:
0x10f: {  	_ =	sfence.sel $0x180000  }
0x110: {  	[bflag:$0x0] =	sbarrier.arrive $0xFFFF  }
0x111: {  	_ =	strace $0x90000050  }
0x112: {  	[bflag:$0x2] =	sbarrier.arrive $0xFFFF  }
0x113: {  	p0 =	sne.s32 s3, $0x0;
	s0 =	rddreg [dreg:$0x4]  }
0x114: {  	s0 =	sadd.s32 @!p0 $0x100000, s0  }
0x115: {  	[sflag:s0] =	ssyncadd.tile.s32 @!p0 $0x1;
	_ =	shalt  }
.Lfunc_end2:
_tile_overlayer_lowered:
.L_overlay_start_2:
0x116: {  	(tag) =	ssettag $0x2  }
0x117: {  	s0 =	rddreg [dreg:$0x0];
	s2 =	stileid.u32  }
0x118: {  	s1 =	rddreg [dreg:$0x1];
	p0 =	sne.s32 s2, $0x0  }
0x119: {  	s3 =	rddreg [dreg:$0x2];
	[bflag:$0x3] =	sbarrier.arrive $0xFFFF;
	s2 =	simm.s32 @!p0 $0x1C03  }
0x11a: {  	[timem:s3], [sflag:s2] =	dma.local @!p0 [hbm:s0], s1  }
0x11b: {  	s0 =	simm.s32 @!p0 $0x3  }
0x11c: {  	_ =	swait.ge @!p0 [sflag:s0], s1  }
0x11d: {  	s1 =	ssub.s32 @!p0 $0x0, s1;
	[sflag:s0] =	ssyncset.done @!p0 $0x0  }
0x11e: {  	[sflag:s0] =	ssyncadd.s32 @!p0 s1  }
0x11f: {  	[bflag:$0x3] =	sbarrier.arrive $0xFFFF  }
0x120: {  	_ =	shalt  }

</sc_bundles>
